<compile_context>
chip_gen: v7x
topology: tpu7x:2x2x1
jax: 0.10.2.dev20260603
libtpu: 0.0.44.dev20260713+nightly
codegen_flags: <defaults>
</compile_context>

<pallas_src>
import functools

import jax
import jax.numpy as jnp
from jax import lax
from jax.experimental import pallas as pl
from jax.experimental.pallas import tpu as pltpu
from jax.experimental.pallas import tpu_sc as plsc

N = 10000
MAX_DEG = 32
D = 128

NC = 2
NS = 16
NW = NC * NS

PAD_N = 10240
PER_W = PAD_N // NW
C = 16
NB = PER_W // C
QPB = C * MAX_DEG // 128
NQ = NB * QPB
NSUPER = NQ // 4
SENT = -1


def _sc_sum_body(table_hbm, idxrm_hbm, vl_hbm, out_hbm,
                 idx_all, dst_all, vl_all, rows_v, zero_v, acc_sh,
                 sem_g, sem_s):
    cc = lax.axis_index("c")
    ss = lax.axis_index("s")
    wid = ss * NC + cc
    abase = ss * PER_W
    obase = wid * PER_W

    pltpu.sync_copy(idxrm_hbm.at[pl.ds(wid * NQ, NQ)], idx_all)
    pltpu.sync_copy(vl_hbm.at[pl.ds(obase, PER_W)], vl_all)

    zv = jnp.zeros((16,), jnp.float32)
    for r in range(C):
        for t in range(D // 16):
            zero_v[r, pl.ds(t * 16, 16)] = zv

    def zero_body(z, carry):
        pltpu.sync_copy(zero_v, acc_sh.at[pl.ds(abase + z * C, C)])
        return carry
    lax.fori_loop(0, NB, zero_body, 0)

    iota16 = jnp.arange(16, dtype=jnp.int32)
    sent = jnp.full((16,), SENT, jnp.int32)

    def fix_body(q, carry):
        vl16 = vl_all[pl.ds((q // 4) * 16, 16)]
        for t in range(8):
            n = 4 * q + t // 2
            loc = 4 * (q % 4) + t // 2
            vln = vl16.at[jnp.full((16,), loc, jnp.int32)].get(
                mode="promise_in_bounds")
            jvec = iota16 + (t % 2) * 16
            m = jvec < vln
            iv = idx_all[q, pl.ds(t * 16, 16)]
            idx_all[q, pl.ds(t * 16, 16)] = jnp.where(m, iv, sent)
            dst_all[q, pl.ds(t * 16, 16)] = jnp.where(
                m, jnp.full((16,), abase + n, jnp.int32), sent)
        return carry
    lax.fori_loop(0, NQ, fix_body, 0)

    def _gsrc(u):
        return table_hbm.at[plsc.Indices(idx_all.at[u], ignored_value=SENT)]

    def _sdst(u):
        return acc_sh.at[plsc.Indices(dst_all.at[u], ignored_value=SENT)]

    def _buf(p):
        return rows_v.at[pl.ds(p * 128, 128)]

    def gfire(u, p):
        pltpu.async_copy(_gsrc(u), _buf(p), sem_g)

    def gwait(u, p):
        pltpu.make_async_copy(_gsrc(u), _buf(p), sem_g).wait()

    def sfire(u, p):
        pltpu.async_copy(_buf(p), _sdst(u), sem_s, add=True)

    def swait(u, p):
        pltpu.make_async_copy(_buf(p), _sdst(u), sem_s).wait()

    def super_body(s, carry):
        u = 4 * s

        @pl.when(s > 0)
        def _top():
            swait(u - 4, 0)
            swait(u - 3, 1)
        gfire(u, 0)
        gfire(u + 1, 1)

        @pl.when(s > 0)
        def _mid():
            gwait(u - 2, 2)
            gwait(u - 1, 3)
            sfire(u - 2, 2)
            sfire(u - 1, 3)
            swait(u - 2, 2)
            swait(u - 1, 3)
        gfire(u + 2, 2)
        gfire(u + 3, 3)
        gwait(u, 0)
        gwait(u + 1, 1)
        sfire(u, 0)
        sfire(u + 1, 1)
        return carry

    lax.fori_loop(0, NSUPER, super_body, 0)

    ulast = NQ - 4
    swait(ulast, 0)
    swait(ulast + 1, 1)
    gwait(ulast + 2, 2)
    gwait(ulast + 3, 3)
    sfire(ulast + 2, 2)
    sfire(ulast + 3, 3)
    swait(ulast + 2, 2)
    swait(ulast + 3, 3)

    pltpu.sync_copy(acc_sh.at[pl.ds(abase, PER_W)],
                    out_hbm.at[pl.ds(obase, PER_W)])


_sc_sum = functools.partial(
    pl.kernel,
    out_type=jax.ShapeDtypeStruct((PAD_N, D), jnp.float32),
    mesh=plsc.VectorSubcoreMesh(core_axis_name="c", subcore_axis_name="s"),
    scratch_types=[
        pltpu.VMEM((NQ, 128), jnp.int32),
        pltpu.VMEM((NQ, 128), jnp.int32),
        pltpu.VMEM((PER_W,), jnp.int32),
        pltpu.VMEM((512, D), jnp.float32),
        pltpu.VMEM((C, D), jnp.float32),
        pltpu.VMEM_SHARED((NS * PER_W, D), jnp.float32),
        pltpu.SemaphoreType.DMA,
        pltpu.SemaphoreType.DMA,
    ],
)(_sc_sum_body)


def _tc_dense_body(s_ref, v_ref, vl_ref, w_ref, b_ref, o_ref):
    vlf = jnp.maximum(vl_ref[...], 1).astype(jnp.float32)
    mean = s_ref[...] / vlf
    o = (jnp.dot(mean, w_ref[...], preferred_element_type=jnp.float32)
         + jnp.dot(v_ref[...], b_ref[...], preferred_element_type=jnp.float32))
    o_ref[...] = jnp.maximum(o, 0.0)


def _tc_dense(sums, vertex_feat, vl2d, W, B):
    R = 1000
    grid = (N // R,)
    return pl.pallas_call(
        _tc_dense_body,
        grid=grid,
        in_specs=[
            pl.BlockSpec((R, D), lambda i: (i, 0)),
            pl.BlockSpec((R, D), lambda i: (i, 0)),
            pl.BlockSpec((R, 1), lambda i: (i, 0)),
            pl.BlockSpec((D, D), lambda i: (0, 0)),
            pl.BlockSpec((D, D), lambda i: (0, 0)),
        ],
        out_specs=pl.BlockSpec((R, D), lambda i: (i, 0)),
        out_shape=jax.ShapeDtypeStruct((N, D), jnp.float32),
    )(sums, vertex_feat, vl2d, W, B)


def kernel(vertex_feat, neighbors_idx, valid_lens, W, B):
    table = vertex_feat
    idx_rm = jnp.pad(neighbors_idx.reshape(N * MAX_DEG // 128, 128),
                     ((0, (PAD_N - N) * MAX_DEG // 128), (0, 0)))
    vl_p = jnp.zeros((PAD_N,), jnp.int32).at[:N].set(valid_lens)
    sums = _sc_sum(table, idx_rm, vl_p)
    return _tc_dense(sums, vertex_feat, valid_lens.reshape(N, 1), W, B)

# --- scband reference (transcript-rebuilt; emitter-appended) ---
"""Pipeline reference for scband-gcnlayer-3779571220516 (READ-ONLY COPY).

The authoritative reference and input builder live on the scoring server;
editing this copy changes nothing except your own understanding.
"""

import jax, jax.numpy as jnp
import numpy as np

N = 10000
MAX_DEG = 32
D_FEAT = 128
D_HID = 128


def setup_inputs(seed: int = 0) -> dict:
    key = jax.random.key(seed)
    k1, k2, k3, k4, k5 = jax.random.split(key, 5)
    vertex_feat = jax.random.normal(k1, (N, D_FEAT), dtype=jnp.float32)
    neighbors_idx = jax.random.randint(k2, (N, MAX_DEG), 0, N, dtype=jnp.int64 if jax.config.jax_enable_x64 else jnp.int32).astype(jnp.int32)
    valid_lens = jax.random.randint(k3, (N,), 0, MAX_DEG + 1, dtype=jnp.int32)
    # learned params: W_dense and B_dense, both Dense(num_hidddens, use_bias=False)
    W = jax.random.normal(k4, (D_FEAT, D_HID), dtype=jnp.float32) * (1.0 / np.sqrt(D_FEAT))
    B = jax.random.normal(k5, (D_FEAT, D_HID), dtype=jnp.float32) * (1.0 / np.sqrt(D_FEAT))
    return {"vertex_feat": vertex_feat, "neighbors_idx": neighbors_idx, "valid_lens": valid_lens, "W": W, "B": B}


def reference(vertex_feat, neighbors_idx, valid_lens, W, B):
    # tf.gather(vertex_feat, neighbors_idx) -> [N, max_deg, d]
    neighbors_feat = jnp.take(vertex_feat, neighbors_idx, axis=0)
    maxlen = neighbors_feat.shape[1]
    # tf.sequence_mask(valid_lens, maxlen, dtype=float32)
    mask = (jnp.arange(maxlen)[None, :] < valid_lens[:, None]).astype(jnp.float32)
    mask = mask[:, :, None]
    vl = jnp.where(valid_lens == 0, jnp.ones_like(valid_lens), valid_lens)
    neighbors_sum = jnp.sum(neighbors_feat * mask, axis=1)
    # second where is a faithful no-op from the original code
    vl = jnp.where(vl == 0, jnp.ones_like(vl), vl)
    neighbors_mean = neighbors_sum / vl.astype(jnp.float32)[:, None]
    out = neighbors_mean @ W + vertex_feat @ B
    return jax.nn.relu(out)

if __name__ == "__main__":
    import jax
    _d = setup_inputs()
    print(jax.jit(kernel)(*tuple(_d.values())))

</pallas_src>

<mosaic_0001>
#map = affine_map<(d0, d1) -> (0, 0)>
#map1 = affine_map<(d0, d1) -> (0)>
module attributes {stable_mosaic.version = 14 : i64} {
  func.func @_sc_sum_body(%arg0: i32, %arg1: i32, %arg2: memref<10000x128xf32, #tpu.memory_space<hbm>>, %arg3: memref<2560x128xi32, #tpu.memory_space<hbm>>, %arg4: memref<10240xi32, #tpu.memory_space<hbm>>, %arg5: memref<10240x128xf32, #tpu.memory_space<hbm>>, %arg6: memref<80x128xi32, #tpu.memory_space<vmem>>, %arg7: memref<80x128xi32, #tpu.memory_space<vmem>>, %arg8: memref<320xi32, #tpu.memory_space<vmem>>, %arg9: memref<512x128xf32, #tpu.memory_space<vmem>>, %arg10: memref<16x128xf32, #tpu.memory_space<vmem>>, %arg11: memref<5120x128xf32, #tpu.memory_space<vmem_shared>>, %arg12: memref<!tpu.dma_semaphore, #tpu.memory_space<semaphore_mem>>, %arg13: memref<!tpu.dma_semaphore, #tpu.memory_space<semaphore_mem>>) attributes {dimension_semantics = [#tpu.dimension_semantics<core_parallel>, #tpu.dimension_semantics<subcore_parallel>], iteration_bounds = array<i64: 2, 16>, scalar_prefetch = 0 : i64, scratch_operands = 8 : i64, tpu.core_type = #tpu.core_type<sc_vector_subcore>, window_params = [{transform_indices = #map}, {transform_indices = #map}, {transform_indices = #map1}, {transform_indices = #map}]} {
    %mul3A = arith.constant 2 : i32
    %mul3A_0 = arith.muli %arg1, %mul3A : i32
    %add3A = arith.addi %mul3A_0, %arg0 : i32
    %mul3A_1 = arith.constant 320 : i32
    %mul3A_2 = arith.muli %arg1, %mul3A_1 : i32
    %mul3A_3 = arith.constant 320 : i32
    %mul3A_4 = arith.muli %add3A, %mul3A_3 : i32
    %mul3A_5 = arith.constant 80 : i32
    %mul3A_6 = arith.muli %add3A, %mul3A_5 : i32
    "tpu.region"() ({
      %run_scoped3A = tpu.sem_alloc : memref<!tpu.dma_semaphore, #tpu.memory_space<semaphore_mem>>
      %dma_start3A_874 = arith.constant 0 : i32
      %dma_start3A_875 = tpu.memref_slice %arg3[%mul3A_6, %dma_start3A_874] : memref<2560x128xi32, #tpu.memory_space<hbm>> -> memref<80x128xi32, #tpu.memory_space<hbm>>
      %dma_start3A_876 = arith.constant 0 : i32
      %dma_start3A_877 = tpu.memref_slice %arg3[%mul3A_6, %dma_start3A_876] : memref<2560x128xi32, #tpu.memory_space<hbm>> -> memref<80x128xi32, #tpu.memory_space<hbm>>
      tpu.enqueue_dma source(%dma_start3A_877 : memref<80x128xi32, #tpu.memory_space<hbm>>) target(%arg6 : memref<80x128xi32, #tpu.memory_space<vmem>>) target_semaphore(%run_scoped3A : memref<!tpu.dma_semaphore, #tpu.memory_space<semaphore_mem>>)
      %dma_wait3A_878 = arith.constant 0 : i32
      %dma_wait3A_879 = tpu.memref_slice %arg3[%mul3A_6, %dma_wait3A_878] : memref<2560x128xi32, #tpu.memory_space<hbm>> -> memref<80x128xi32, #tpu.memory_space<hbm>>
      %dma_wait3A_880 = arith.constant 0 : i32
      %dma_wait3A_881 = tpu.memref_slice %arg3[%mul3A_6, %dma_wait3A_880] : memref<2560x128xi32, #tpu.memory_space<hbm>> -> memref<80x128xi32, #tpu.memory_space<hbm>>
      tpu.wait_dma2 semaphore(%run_scoped3A : memref<!tpu.dma_semaphore, #tpu.memory_space<semaphore_mem>>) src(%dma_wait3A_881 : memref<80x128xi32, #tpu.memory_space<hbm>>) dst(%arg6 : memref<80x128xi32, #tpu.memory_space<vmem>>)
      tpu.yield
    }) : () -> ()
    "tpu.region"() ({
      %run_scoped3A = tpu.sem_alloc : memref<!tpu.dma_semaphore, #tpu.memory_space<semaphore_mem>>
      %dma_start3A_874 = tpu.memref_slice %arg4[%mul3A_4] : memref<10240xi32, #tpu.memory_space<hbm>> -> memref<320xi32, #tpu.memory_space<hbm>>
      %dma_start3A_875 = tpu.memref_slice %arg4[%mul3A_4] : memref<10240xi32, #tpu.memory_space<hbm>> -> memref<320xi32, #tpu.memory_space<hbm>>
      tpu.enqueue_dma source(%dma_start3A_875 : memref<320xi32, #tpu.memory_space<hbm>>) target(%arg8 : memref<320xi32, #tpu.memory_space<vmem>>) target_semaphore(%run_scoped3A : memref<!tpu.dma_semaphore, #tpu.memory_space<semaphore_mem>>)
      %dma_wait3A_876 = tpu.memref_slice %arg4[%mul3A_4] : memref<10240xi32, #tpu.memory_space<hbm>> -> memref<320xi32, #tpu.memory_space<hbm>>
      %dma_wait3A_877 = tpu.memref_slice %arg4[%mul3A_4] : memref<10240xi32, #tpu.memory_space<hbm>> -> memref<320xi32, #tpu.memory_space<hbm>>
      tpu.wait_dma2 semaphore(%run_scoped3A : memref<!tpu.dma_semaphore, #tpu.memory_space<semaphore_mem>>) src(%dma_wait3A_877 : memref<320xi32, #tpu.memory_space<hbm>>) dst(%arg8 : memref<320xi32, #tpu.memory_space<vmem>>)
      tpu.yield
    }) : () -> ()
    %broadcast_in_dim3A = arith.constant 0.000000e+00 : f32
    %broadcast_in_dim3A_7 = vector.broadcast %broadcast_in_dim3A : f32 to vector<16xf32>
    %swap3A = arith.constant 0 : i32
    %swap3A_8 = arith.index_cast %swap3A : i32 to index
    %swap3A_9 = arith.constant 0 : index
    %swap3A_10 = tpu.vector_load %arg10[%swap3A_8, %swap3A_9] {strides = array<i32>} : memref<16x128xf32, #tpu.memory_space<vmem>>, vector<1x16xf32>,
    %swap3A_11 = vector.shape_cast %swap3A_10 : vector<1x16xf32> to vector<16xf32>
    %swap3A_12 = vector.shape_cast %broadcast_in_dim3A_7 : vector<16xf32> to vector<1x16xf32>
    tpu.vector_store %arg10[%swap3A_8, %swap3A_9], %swap3A_12 {strides = array<i32>} : memref<16x128xf32, #tpu.memory_space<vmem>>, vector<1x16xf32>,
    %swap3A_13 = arith.constant 0 : i32
    %swap3A_14 = arith.index_cast %swap3A_13 : i32 to index
    %swap3A_15 = arith.constant 16 : index
    %swap3A_16 = tpu.vector_load %arg10[%swap3A_14, %swap3A_15] {strides = array<i32>} : memref<16x128xf32, #tpu.memory_space<vmem>>, vector<1x16xf32>,
    %swap3A_17 = vector.shape_cast %swap3A_16 : vector<1x16xf32> to vector<16xf32>
    %swap3A_18 = vector.shape_cast %broadcast_in_dim3A_7 : vector<16xf32> to vector<1x16xf32>
    tpu.vector_store %arg10[%swap3A_14, %swap3A_15], %swap3A_18 {strides = array<i32>} : memref<16x128xf32, #tpu.memory_space<vmem>>, vector<1x16xf32>,
    %swap3A_19 = arith.constant 0 : i32
    %swap3A_20 = arith.index_cast %swap3A_19 : i32 to index
    %swap3A_21 = arith.constant 32 : index
    %swap3A_22 = tpu.vector_load %arg10[%swap3A_20, %swap3A_21] {strides = array<i32>} : memref<16x128xf32, #tpu.memory_space<vmem>>, vector<1x16xf32>,
    %swap3A_23 = vector.shape_cast %swap3A_22 : vector<1x16xf32> to vector<16xf32>
    %swap3A_24 = vector.shape_cast %broadcast_in_dim3A_7 : vector<16xf32> to vector<1x16xf32>
    tpu.vector_store %arg10[%swap3A_20, %swap3A_21], %swap3A_24 {strides = array<i32>} : memref<16x128xf32, #tpu.memory_space<vmem>>, vector<1x16xf32>,
    %swap3A_25 = arith.constant 0 : i32
    %swap3A_26 = arith.index_cast %swap3A_25 : i32 to index
    %swap3A_27 = arith.constant 48 : index
    %swap3A_28 = tpu.vector_load %arg10[%swap3A_26, %swap3A_27] {strides = array<i32>} : memref<16x128xf32, #tpu.memory_space<vmem>>, vector<1x16xf32>,
    %swap3A_29 = vector.shape_cast %swap3A_28 : vector<1x16xf32> to vector<16xf32>
    %swap3A_30 = vector.shape_cast %broadcast_in_dim3A_7 : vector<16xf32> to vector<1x16xf32>
    tpu.vector_store %arg10[%swap3A_26, %swap3A_27], %swap3A_30 {strides = array<i32>} : memref<16x128xf32, #tpu.memory_space<vmem>>, vector<1x16xf32>,
    %swap3A_31 = arith.constant 0 : i32
    %swap3A_32 = arith.index_cast %swap3A_31 : i32 to index
    %swap3A_33 = arith.constant 64 : index
    %swap3A_34 = tpu.vector_load %arg10[%swap3A_32, %swap3A_33] {strides = array<i32>} : memref<16x128xf32, #tpu.memory_space<vmem>>, vector<1x16xf32>,
    %swap3A_35 = vector.shape_cast %swap3A_34 : vector<1x16xf32> to vector<16xf32>
    %swap3A_36 = vector.shape_cast %broadcast_in_dim3A_7 : vector<16xf32> to vector<1x16xf32>
    tpu.vector_store %arg10[%swap3A_32, %swap3A_33], %swap3A_36 {strides = array<i32>} : memref<16x128xf32, #tpu.memory_space<vmem>>, vector<1x16xf32>,
    %swap3A_37 = arith.constant 0 : i32
    %swap3A_38 = arith.index_cast %swap3A_37 : i32 to index
    %swap3A_39 = arith.constant 80 : index
    %swap3A_40 = tpu.vector_load %arg10[%swap3A_38, %swap3A_39] {strides = array<i32>} : memref<16x128xf32, #tpu.memory_space<vmem>>, vector<1x16xf32>,
    %swap3A_41 = vector.shape_cast %swap3A_40 : vector<1x16xf32> to vector<16xf32>
    %swap3A_42 = vector.shape_cast %broadcast_in_dim3A_7 : vector<16xf32> to vector<1x16xf32>
    tpu.vector_store %arg10[%swap3A_38, %swap3A_39], %swap3A_42 {strides = array<i32>} : memref<16x128xf32, #tpu.memory_space<vmem>>, vector<1x16xf32>,
    %swap3A_43 = arith.constant 0 : i32
    %swap3A_44 = arith.index_cast %swap3A_43 : i32 to index
    %swap3A_45 = arith.constant 96 : index
    %swap3A_46 = tpu.vector_load %arg10[%swap3A_44, %swap3A_45] {strides = array<i32>} : memref<16x128xf32, #tpu.memory_space<vmem>>, vector<1x16xf32>,
    %swap3A_47 = vector.shape_cast %swap3A_46 : vector<1x16xf32> to vector<16xf32>
    %swap3A_48 = vector.shape_cast %broadcast_in_dim3A_7 : vector<16xf32> to vector<1x16xf32>
    tpu.vector_store %arg10[%swap3A_44, %swap3A_45], %swap3A_48 {strides = array<i32>} : memref<16x128xf32, #tpu.memory_space<vmem>>, vector<1x16xf32>,
    %swap3A_49 = arith.constant 0 : i32
    %swap3A_50 = arith.index_cast %swap3A_49 : i32 to index
    %swap3A_51 = arith.constant 112 : index
    %swap3A_52 = tpu.vector_load %arg10[%swap3A_50, %swap3A_51] {strides = array<i32>} : memref<16x128xf32, #tpu.memory_space<vmem>>, vector<1x16xf32>,
    %swap3A_53 = vector.shape_cast %swap3A_52 : vector<1x16xf32> to vector<16xf32>
    %swap3A_54 = vector.shape_cast %broadcast_in_dim3A_7 : vector<16xf32> to vector<1x16xf32>
    tpu.vector_store %arg10[%swap3A_50, %swap3A_51], %swap3A_54 {strides = array<i32>} : memref<16x128xf32, #tpu.memory_space<vmem>>, vector<1x16xf32>,
    %swap3A_55 = arith.constant 1 : i32
    %swap3A_56 = arith.index_cast %swap3A_55 : i32 to index
    %swap3A_57 = arith.constant 0 : index
    %swap3A_58 = tpu.vector_load %arg10[%swap3A_56, %swap3A_57] {strides = array<i32>} : memref<16x128xf32, #tpu.memory_space<vmem>>, vector<1x16xf32>,
    %swap3A_59 = vector.shape_cast %swap3A_58 : vector<1x16xf32> to vector<16xf32>
    %swap3A_60 = vector.shape_cast %broadcast_in_dim3A_7 : vector<16xf32> to vector<1x16xf32>
    tpu.vector_store %arg10[%swap3A_56, %swap3A_57], %swap3A_60 {strides = array<i32>} : memref<16x128xf32, #tpu.memory_space<vmem>>, vector<1x16xf32>,
    %swap3A_61 = arith.constant 1 : i32
    %swap3A_62 = arith.index_cast %swap3A_61 : i32 to index
    %swap3A_63 = arith.constant 16 : index
    %swap3A_64 = tpu.vector_load %arg10[%swap3A_62, %swap3A_63] {strides = array<i32>} : memref<16x128xf32, #tpu.memory_space<vmem>>, vector<1x16xf32>,
    %swap3A_65 = vector.shape_cast %swap3A_64 : vector<1x16xf32> to vector<16xf32>
    %swap3A_66 = vector.shape_cast %broadcast_in_dim3A_7 : vector<16xf32> to vector<1x16xf32>
    tpu.vector_store %arg10[%swap3A_62, %swap3A_63], %swap3A_66 {strides = array<i32>} : memref<16x128xf32, #tpu.memory_space<vmem>>, vector<1x16xf32>,
    %swap3A_67 = arith.constant 1 : i32
    %swap3A_68 = arith.index_cast %swap3A_67 : i32 to index
    %swap3A_69 = arith.constant 32 : index
    %swap3A_70 = tpu.vector_load %arg10[%swap3A_68, %swap3A_69] {strides = array<i32>} : memref<16x128xf32, #tpu.memory_space<vmem>>, vector<1x16xf32>,
    %swap3A_71 = vector.shape_cast %swap3A_70 : vector<1x16xf32> to vector<16xf32>
    %swap3A_72 = vector.shape_cast %broadcast_in_dim3A_7 : vector<16xf32> to vector<1x16xf32>
    tpu.vector_store %arg10[%swap3A_68, %swap3A_69], %swap3A_72 {strides = array<i32>} : memref<16x128xf32, #tpu.memory_space<vmem>>, vector<1x16xf32>,
    %swap3A_73 = arith.constant 1 : i32
    %swap3A_74 = arith.index_cast %swap3A_73 : i32 to index
    %swap3A_75 = arith.constant 48 : index
    %swap3A_76 = tpu.vector_load %arg10[%swap3A_74, %swap3A_75] {strides = array<i32>} : memref<16x128xf32, #tpu.memory_space<vmem>>, vector<1x16xf32>,
    %swap3A_77 = vector.shape_cast %swap3A_76 : vector<1x16xf32> to vector<16xf32>
    %swap3A_78 = vector.shape_cast %broadcast_in_dim3A_7 : vector<16xf32> to vector<1x16xf32>
    tpu.vector_store %arg10[%swap3A_74, %swap3A_75], %swap3A_78 {strides = array<i32>} : memref<16x128xf32, #tpu.memory_space<vmem>>, vector<1x16xf32>,
    %swap3A_79 = arith.constant 1 : i32
    %swap3A_80 = arith.index_cast %swap3A_79 : i32 to index
    %swap3A_81 = arith.constant 64 : index
    %swap3A_82 = tpu.vector_load %arg10[%swap3A_80, %swap3A_81] {strides = array<i32>} : memref<16x128xf32, #tpu.memory_space<vmem>>, vector<1x16xf32>,
    %swap3A_83 = vector.shape_cast %swap3A_82 : vector<1x16xf32> to vector<16xf32>
    %swap3A_84 = vector.shape_cast %broadcast_in_dim3A_7 : vector<16xf32> to vector<1x16xf32>
    tpu.vector_store %arg10[%swap3A_80, %swap3A_81], %swap3A_84 {strides = array<i32>} : memref<16x128xf32, #tpu.memory_space<vmem>>, vector<1x16xf32>,
    %swap3A_85 = arith.constant 1 : i32
    %swap3A_86 = arith.index_cast %swap3A_85 : i32 to index
    %swap3A_87 = arith.constant 80 : index
    %swap3A_88 = tpu.vector_load %arg10[%swap3A_86, %swap3A_87] {strides = array<i32>} : memref<16x128xf32, #tpu.memory_space<vmem>>, vector<1x16xf32>,
    %swap3A_89 = vector.shape_cast %swap3A_88 : vector<1x16xf32> to vector<16xf32>
    %swap3A_90 = vector.shape_cast %broadcast_in_dim3A_7 : vector<16xf32> to vector<1x16xf32>
    tpu.vector_store %arg10[%swap3A_86, %swap3A_87], %swap3A_90 {strides = array<i32>} : memref<16x128xf32, #tpu.memory_space<vmem>>, vector<1x16xf32>,
    %swap3A_91 = arith.constant 1 : i32
    %swap3A_92 = arith.index_cast %swap3A_91 : i32 to index
    %swap3A_93 = arith.constant 96 : index
    %swap3A_94 = tpu.vector_load %arg10[%swap3A_92, %swap3A_93] {strides = array<i32>} : memref<16x128xf32, #tpu.memory_space<vmem>>, vector<1x16xf32>,
    %swap3A_95 = vector.shape_cast %swap3A_94 : vector<1x16xf32> to vector<16xf32>
    %swap3A_96 = vector.shape_cast %broadcast_in_dim3A_7 : vector<16xf32> to vector<1x16xf32>
    tpu.vector_store %arg10[%swap3A_92, %swap3A_93], %swap3A_96 {strides = array<i32>} : memref<16x128xf32, #tpu.memory_space<vmem>>, vector<1x16xf32>,
    %swap3A_97 = arith.constant 1 : i32
    %swap3A_98 = arith.index_cast %swap3A_97 : i32 to index
    %swap3A_99 = arith.constant 112 : index
    %swap3A_100 = tpu.vector_load %arg10[%swap3A_98, %swap3A_99] {strides = array<i32>} : memref<16x128xf32, #tpu.memory_space<vmem>>, vector<1x16xf32>,
    %swap3A_101 = vector.shape_cast %swap3A_100 : vector<1x16xf32> to vector<16xf32>
    %swap3A_102 = vector.shape_cast %broadcast_in_dim3A_7 : vector<16xf32> to vector<1x16xf32>
    tpu.vector_store %arg10[%swap3A_98, %swap3A_99], %swap3A_102 {strides = array<i32>} : memref<16x128xf32, #tpu.memory_space<vmem>>, vector<1x16xf32>,
    %swap3A_103 = arith.constant 2 : i32
    %swap3A_104 = arith.index_cast %swap3A_103 : i32 to index
    %swap3A_105 = arith.constant 0 : index
    %swap3A_106 = tpu.vector_load %arg10[%swap3A_104, %swap3A_105] {strides = array<i32>} : memref<16x128xf32, #tpu.memory_space<vmem>>, vector<1x16xf32>,
    %swap3A_107 = vector.shape_cast %swap3A_106 : vector<1x16xf32> to vector<16xf32>
    %swap3A_108 = vector.shape_cast %broadcast_in_dim3A_7 : vector<16xf32> to vector<1x16xf32>
    tpu.vector_store %arg10[%swap3A_104, %swap3A_105], %swap3A_108 {strides = array<i32>} : memref<16x128xf32, #tpu.memory_space<vmem>>, vector<1x16xf32>,
    %swap3A_109 = arith.constant 2 : i32
    %swap3A_110 = arith.index_cast %swap3A_109 : i32 to index
    %swap3A_111 = arith.constant 16 : index
    %swap3A_112 = tpu.vector_load %arg10[%swap3A_110, %swap3A_111] {strides = array<i32>} : memref<16x128xf32, #tpu.memory_space<vmem>>, vector<1x16xf32>,
    %swap3A_113 = vector.shape_cast %swap3A_112 : vector<1x16xf32> to vector<16xf32>
    %swap3A_114 = vector.shape_cast %broadcast_in_dim3A_7 : vector<16xf32> to vector<1x16xf32>
    tpu.vector_store %arg10[%swap3A_110, %swap3A_111], %swap3A_114 {strides = array<i32>} : memref<16x128xf32, #tpu.memory_space<vmem>>, vector<1x16xf32>,
    %swap3A_115 = arith.constant 2 : i32
    %swap3A_116 = arith.index_cast %swap3A_115 : i32 to index
    %swap3A_117 = arith.constant 32 : index
    %swap3A_118 = tpu.vector_load %arg10[%swap3A_116, %swap3A_117] {strides = array<i32>} : memref<16x128xf32, #tpu.memory_space<vmem>>, vector<1x16xf32>,
    %swap3A_119 = vector.shape_cast %swap3A_118 : vector<1x16xf32> to vector<16xf32>
    %swap3A_120 = vector.shape_cast %broadcast_in_dim3A_7 : vector<16xf32> to vector<1x16xf32>
    tpu.vector_store %arg10[%swap3A_116, %swap3A_117], %swap3A_120 {strides = array<i32>} : memref<16x128xf32, #tpu.memory_space<vmem>>, vector<1x16xf32>,
    %swap3A_121 = arith.constant 2 : i32
    %swap3A_122 = arith.index_cast %swap3A_121 : i32 to index
    %swap3A_123 = arith.constant 48 : index
    %swap3A_124 = tpu.vector_load %arg10[%swap3A_122, %swap3A_123] {strides = array<i32>} : memref<16x128xf32, #tpu.memory_space<vmem>>, vector<1x16xf32>,
    %swap3A_125 = vector.shape_cast %swap3A_124 : vector<1x16xf32> to vector<16xf32>
    %swap3A_126 = vector.shape_cast %broadcast_in_dim3A_7 : vector<16xf32> to vector<1x16xf32>
    tpu.vector_store %arg10[%swap3A_122, %swap3A_123], %swap3A_126 {strides = array<i32>} : memref<16x128xf32, #tpu.memory_space<vmem>>, vector<1x16xf32>,
    %swap3A_127 = arith.constant 2 : i32
    %swap3A_128 = arith.index_cast %swap3A_127 : i32 to index
    %swap3A_129 = arith.constant 64 : index
    %swap3A_130 = tpu.vector_load %arg10[%swap3A_128, %swap3A_129] {strides = array<i32>} : memref<16x128xf32, #tpu.memory_space<vmem>>, vector<1x16xf32>,
    %swap3A_131 = vector.shape_cast %swap3A_130 : vector<1x16xf32> to vector<16xf32>
    %swap3A_132 = vector.shape_cast %broadcast_in_dim3A_7 : vector<16xf32> to vector<1x16xf32>
    tpu.vector_store %arg10[%swap3A_128, %swap3A_129], %swap3A_132 {strides = array<i32>} : memref<16x128xf32, #tpu.memory_space<vmem>>, vector<1x16xf32>,
    %swap3A_133 = arith.constant 2 : i32
    %swap3A_134 = arith.index_cast %swap3A_133 : i32 to index
    %swap3A_135 = arith.constant 80 : index
    %swap3A_136 = tpu.vector_load %arg10[%swap3A_134, %swap3A_135] {strides = array<i32>} : memref<16x128xf32, #tpu.memory_space<vmem>>, vector<1x16xf32>,
    %swap3A_137 = vector.shape_cast %swap3A_136 : vector<1x16xf32> to vector<16xf32>
    %swap3A_138 = vector.shape_cast %broadcast_in_dim3A_7 : vector<16xf32> to vector<1x16xf32>
    tpu.vector_store %arg10[%swap3A_134, %swap3A_135], %swap3A_138 {strides = array<i32>} : memref<16x128xf32, #tpu.memory_space<vmem>>, vector<1x16xf32>,
    %swap3A_139 = arith.constant 2 : i32
    %swap3A_140 = arith.index_cast %swap3A_139 : i32 to index
    %swap3A_141 = arith.constant 96 : index
    %swap3A_142 = tpu.vector_load %arg10[%swap3A_140, %swap3A_141] {strides = array<i32>} : memref<16x128xf32, #tpu.memory_space<vmem>>, vector<1x16xf32>,
    %swap3A_143 = vector.shape_cast %swap3A_142 : vector<1x16xf32> to vector<16xf32>
    %swap3A_144 = vector.shape_cast %broadcast_in_dim3A_7 : vector<16xf32> to vector<1x16xf32>
    tpu.vector_store %arg10[%swap3A_140, %swap3A_141], %swap3A_144 {strides = array<i32>} : memref<16x128xf32, #tpu.memory_space<vmem>>, vector<1x16xf32>,
    %swap3A_145 = arith.constant 2 : i32
    %swap3A_146 = arith.index_cast %swap3A_145 : i32 to index
    %swap3A_147 = arith.constant 112 : index
    %swap3A_148 = tpu.vector_load %arg10[%swap3A_146, %swap3A_147] {strides = array<i32>} : memref<16x128xf32, #tpu.memory_space<vmem>>, vector<1x16xf32>,
    %swap3A_149 = vector.shape_cast %swap3A_148 : vector<1x16xf32> to vector<16xf32>
    %swap3A_150 = vector.shape_cast %broadcast_in_dim3A_7 : vector<16xf32> to vector<1x16xf32>
    tpu.vector_store %arg10[%swap3A_146, %swap3A_147], %swap3A_150 {strides = array<i32>} : memref<16x128xf32, #tpu.memory_space<vmem>>, vector<1x16xf32>,
    %swap3A_151 = arith.constant 3 : i32
    %swap3A_152 = arith.index_cast %swap3A_151 : i32 to index
    %swap3A_153 = arith.constant 0 : index
    %swap3A_154 = tpu.vector_load %arg10[%swap3A_152, %swap3A_153] {strides = array<i32>} : memref<16x128xf32, #tpu.memory_space<vmem>>, vector<1x16xf32>,
    %swap3A_155 = vector.shape_cast %swap3A_154 : vector<1x16xf32> to vector<16xf32>
    %swap3A_156 = vector.shape_cast %broadcast_in_dim3A_7 : vector<16xf32> to vector<1x16xf32>
    tpu.vector_store %arg10[%swap3A_152, %swap3A_153], %swap3A_156 {strides = array<i32>} : memref<16x128xf32, #tpu.memory_space<vmem>>, vector<1x16xf32>,
    %swap3A_157 = arith.constant 3 : i32
    %swap3A_158 = arith.index_cast %swap3A_157 : i32 to index
    %swap3A_159 = arith.constant 16 : index
    %swap3A_160 = tpu.vector_load %arg10[%swap3A_158, %swap3A_159] {strides = array<i32>} : memref<16x128xf32, #tpu.memory_space<vmem>>, vector<1x16xf32>,
    %swap3A_161 = vector.shape_cast %swap3A_160 : vector<1x16xf32> to vector<16xf32>
    %swap3A_162 = vector.shape_cast %broadcast_in_dim3A_7 : vector<16xf32> to vector<1x16xf32>
    tpu.vector_store %arg10[%swap3A_158, %swap3A_159], %swap3A_162 {strides = array<i32>} : memref<16x128xf32, #tpu.memory_space<vmem>>, vector<1x16xf32>,
    %swap3A_163 = arith.constant 3 : i32
    %swap3A_164 = arith.index_cast %swap3A_163 : i32 to index
    %swap3A_165 = arith.constant 32 : index
    %swap3A_166 = tpu.vector_load %arg10[%swap3A_164, %swap3A_165] {strides = array<i32>} : memref<16x128xf32, #tpu.memory_space<vmem>>, vector<1x16xf32>,
    %swap3A_167 = vector.shape_cast %swap3A_166 : vector<1x16xf32> to vector<16xf32>
    %swap3A_168 = vector.shape_cast %broadcast_in_dim3A_7 : vector<16xf32> to vector<1x16xf32>
    tpu.vector_store %arg10[%swap3A_164, %swap3A_165], %swap3A_168 {strides = array<i32>} : memref<16x128xf32, #tpu.memory_space<vmem>>, vector<1x16xf32>,
    %swap3A_169 = arith.constant 3 : i32
    %swap3A_170 = arith.index_cast %swap3A_169 : i32 to index
    %swap3A_171 = arith.constant 48 : index
    %swap3A_172 = tpu.vector_load %arg10[%swap3A_170, %swap3A_171] {strides = array<i32>} : memref<16x128xf32, #tpu.memory_space<vmem>>, vector<1x16xf32>,
    %swap3A_173 = vector.shape_cast %swap3A_172 : vector<1x16xf32> to vector<16xf32>
    %swap3A_174 = vector.shape_cast %broadcast_in_dim3A_7 : vector<16xf32> to vector<1x16xf32>
    tpu.vector_store %arg10[%swap3A_170, %swap3A_171], %swap3A_174 {strides = array<i32>} : memref<16x128xf32, #tpu.memory_space<vmem>>, vector<1x16xf32>,
    %swap3A_175 = arith.constant 3 : i32
    %swap3A_176 = arith.index_cast %swap3A_175 : i32 to index
    %swap3A_177 = arith.constant 64 : index
    %swap3A_178 = tpu.vector_load %arg10[%swap3A_176, %swap3A_177] {strides = array<i32>} : memref<16x128xf32, #tpu.memory_space<vmem>>, vector<1x16xf32>,
    %swap3A_179 = vector.shape_cast %swap3A_178 : vector<1x16xf32> to vector<16xf32>
    %swap3A_180 = vector.shape_cast %broadcast_in_dim3A_7 : vector<16xf32> to vector<1x16xf32>
    tpu.vector_store %arg10[%swap3A_176, %swap3A_177], %swap3A_180 {strides = array<i32>} : memref<16x128xf32, #tpu.memory_space<vmem>>, vector<1x16xf32>,
    %swap3A_181 = arith.constant 3 : i32
    %swap3A_182 = arith.index_cast %swap3A_181 : i32 to index
    %swap3A_183 = arith.constant 80 : index
    %swap3A_184 = tpu.vector_load %arg10[%swap3A_182, %swap3A_183] {strides = array<i32>} : memref<16x128xf32, #tpu.memory_space<vmem>>, vector<1x16xf32>,
    %swap3A_185 = vector.shape_cast %swap3A_184 : vector<1x16xf32> to vector<16xf32>
    %swap3A_186 = vector.shape_cast %broadcast_in_dim3A_7 : vector<16xf32> to vector<1x16xf32>
    tpu.vector_store %arg10[%swap3A_182, %swap3A_183], %swap3A_186 {strides = array<i32>} : memref<16x128xf32, #tpu.memory_space<vmem>>, vector<1x16xf32>,
    %swap3A_187 = arith.constant 3 : i32
    %swap3A_188 = arith.index_cast %swap3A_187 : i32 to index
    %swap3A_189 = arith.constant 96 : index
    %swap3A_190 = tpu.vector_load %arg10[%swap3A_188, %swap3A_189] {strides = array<i32>} : memref<16x128xf32, #tpu.memory_space<vmem>>, vector<1x16xf32>,
    %swap3A_191 = vector.shape_cast %swap3A_190 : vector<1x16xf32> to vector<16xf32>
    %swap3A_192 = vector.shape_cast %broadcast_in_dim3A_7 : vector<16xf32> to vector<1x16xf32>
    tpu.vector_store %arg10[%swap3A_188, %swap3A_189], %swap3A_192 {strides = array<i32>} : memref<16x128xf32, #tpu.memory_space<vmem>>, vector<1x16xf32>,
    %swap3A_193 = arith.constant 3 : i32
    %swap3A_194 = arith.index_cast %swap3A_193 : i32 to index
    %swap3A_195 = arith.constant 112 : index
    %swap3A_196 = tpu.vector_load %arg10[%swap3A_194, %swap3A_195] {strides = array<i32>} : memref<16x128xf32, #tpu.memory_space<vmem>>, vector<1x16xf32>,
    %swap3A_197 = vector.shape_cast %swap3A_196 : vector<1x16xf32> to vector<16xf32>
    %swap3A_198 = vector.shape_cast %broadcast_in_dim3A_7 : vector<16xf32> to vector<1x16xf32>
    tpu.vector_store %arg10[%swap3A_194, %swap3A_195], %swap3A_198 {strides = array<i32>} : memref<16x128xf32, #tpu.memory_space<vmem>>, vector<1x16xf32>,
    %swap3A_199 = arith.constant 4 : i32
    %swap3A_200 = arith.index_cast %swap3A_199 : i32 to index
    %swap3A_201 = arith.constant 0 : index
    %swap3A_202 = tpu.vector_load %arg10[%swap3A_200, %swap3A_201] {strides = array<i32>} : memref<16x128xf32, #tpu.memory_space<vmem>>, vector<1x16xf32>,
    %swap3A_203 = vector.shape_cast %swap3A_202 : vector<1x16xf32> to vector<16xf32>
    %swap3A_204 = vector.shape_cast %broadcast_in_dim3A_7 : vector<16xf32> to vector<1x16xf32>
    tpu.vector_store %arg10[%swap3A_200, %swap3A_201], %swap3A_204 {strides = array<i32>} : memref<16x128xf32, #tpu.memory_space<vmem>>, vector<1x16xf32>,
    %swap3A_205 = arith.constant 4 : i32
    %swap3A_206 = arith.index_cast %swap3A_205 : i32 to index
    %swap3A_207 = arith.constant 16 : index
    %swap3A_208 = tpu.vector_load %arg10[%swap3A_206, %swap3A_207] {strides = array<i32>} : memref<16x128xf32, #tpu.memory_space<vmem>>, vector<1x16xf32>,
    %swap3A_209 = vector.shape_cast %swap3A_208 : vector<1x16xf32> to vector<16xf32>
    %swap3A_210 = vector.shape_cast %broadcast_in_dim3A_7 : vector<16xf32> to vector<1x16xf32>
    tpu.vector_store %arg10[%swap3A_206, %swap3A_207], %swap3A_210 {strides = array<i32>} : memref<16x128xf32, #tpu.memory_space<vmem>>, vector<1x16xf32>,
    %swap3A_211 = arith.constant 4 : i32
    %swap3A_212 = arith.index_cast %swap3A_211 : i32 to index
    %swap3A_213 = arith.constant 32 : index
    %swap3A_214 = tpu.vector_load %arg10[%swap3A_212, %swap3A_213] {strides = array<i32>} : memref<16x128xf32, #tpu.memory_space<vmem>>, vector<1x16xf32>,
    %swap3A_215 = vector.shape_cast %swap3A_214 : vector<1x16xf32> to vector<16xf32>
    %swap3A_216 = vector.shape_cast %broadcast_in_dim3A_7 : vector<16xf32> to vector<1x16xf32>
    tpu.vector_store %arg10[%swap3A_212, %swap3A_213], %swap3A_216 {strides = array<i32>} : memref<16x128xf32, #tpu.memory_space<vmem>>, vector<1x16xf32>,
    %swap3A_217 = arith.constant 4 : i32
    %swap3A_218 = arith.index_cast %swap3A_217 : i32 to index
    %swap3A_219 = arith.constant 48 : index
    %swap3A_220 = tpu.vector_load %arg10[%swap3A_218, %swap3A_219] {strides = array<i32>} : memref<16x128xf32, #tpu.memory_space<vmem>>, vector<1x16xf32>,
    %swap3A_221 = vector.shape_cast %swap3A_220 : vector<1x16xf32> to vector<16xf32>
    %swap3A_222 = vector.shape_cast %broadcast_in_dim3A_7 : vector<16xf32> to vector<1x16xf32>
    tpu.vector_store %arg10[%swap3A_218, %swap3A_219], %swap3A_222 {strides = array<i32>} : memref<16x128xf32, #tpu.memory_space<vmem>>, vector<1x16xf32>,
    %swap3A_223 = arith.constant 4 : i32
    %swap3A_224 = arith.index_cast %swap3A_223 : i32 to index
    %swap3A_225 = arith.constant 64 : index
    %swap3A_226 = tpu.vector_load %arg10[%swap3A_224, %swap3A_225] {strides = array<i32>} : memref<16x128xf32, #tpu.memory_space<vmem>>, vector<1x16xf32>,
    %swap3A_227 = vector.shape_cast %swap3A_226 : vector<1x16xf32> to vector<16xf32>
    %swap3A_228 = vector.shape_cast %broadcast_in_dim3A_7 : vector<16xf32> to vector<1x16xf32>
    tpu.vector_store %arg10[%swap3A_224, %swap3A_225], %swap3A_228 {strides = array<i32>} : memref<16x128xf32, #tpu.memory_space<vmem>>, vector<1x16xf32>,
    %swap3A_229 = arith.constant 4 : i32
    %swap3A_230 = arith.index_cast %swap3A_229 : i32 to index
    %swap3A_231 = arith.constant 80 : index
    %swap3A_232 = tpu.vector_load %arg10[%swap3A_230, %swap3A_231] {strides = array<i32>} : memref<16x128xf32, #tpu.memory_space<vmem>>, vector<1x16xf32>,
    %swap3A_233 = vector.shape_cast %swap3A_232 : vector<1x16xf32> to vector<16xf32>
    %swap3A_234 = vector.shape_cast %broadcast_in_dim3A_7 : vector<16xf32> to vector<1x16xf32>
    tpu.vector_store %arg10[%swap3A_230, %swap3A_231], %swap3A_234 {strides = array<i32>} : memref<16x128xf32, #tpu.memory_space<vmem>>, vector<1x16xf32>,
    %swap3A_235 = arith.constant 4 : i32
    %swap3A_236 = arith.index_cast %swap3A_235 : i32 to index
    %swap3A_237 = arith.constant 96 : index
    %swap3A_238 = tpu.vector_load %arg10[%swap3A_236, %swap3A_237] {strides = array<i32>} : memref<16x128xf32, #tpu.memory_space<vmem>>, vector<1x16xf32>,
    %swap3A_239 = vector.shape_cast %swap3A_238 : vector<1x16xf32> to vector<16xf32>
    %swap3A_240 = vector.shape_cast %broadcast_in_dim3A_7 : vector<16xf32> to vector<1x16xf32>
    tpu.vector_store %arg10[%swap3A_236, %swap3A_237], %swap3A_240 {strides = array<i32>} : memref<16x128xf32, #tpu.memory_space<vmem>>, vector<1x16xf32>,
    %swap3A_241 = arith.constant 4 : i32
    %swap3A_242 = arith.index_cast %swap3A_241 : i32 to index
    %swap3A_243 = arith.constant 112 : index
    %swap3A_244 = tpu.vector_load %arg10[%swap3A_242, %swap3A_243] {strides = array<i32>} : memref<16x128xf32, #tpu.memory_space<vmem>>, vector<1x16xf32>,
    %swap3A_245 = vector.shape_cast %swap3A_244 : vector<1x16xf32> to vector<16xf32>
    %swap3A_246 = vector.shape_cast %broadcast_in_dim3A_7 : vector<16xf32> to vector<1x16xf32>
    tpu.vector_store %arg10[%swap3A_242, %swap3A_243], %swap3A_246 {strides = array<i32>} : memref<16x128xf32, #tpu.memory_space<vmem>>, vector<1x16xf32>,
    %swap3A_247 = arith.constant 5 : i32
    %swap3A_248 = arith.index_cast %swap3A_247 : i32 to index
    %swap3A_249 = arith.constant 0 : index
    %swap3A_250 = tpu.vector_load %arg10[%swap3A_248, %swap3A_249] {strides = array<i32>} : memref<16x128xf32, #tpu.memory_space<vmem>>, vector<1x16xf32>,
    %swap3A_251 = vector.shape_cast %swap3A_250 : vector<1x16xf32> to vector<16xf32>
    %swap3A_252 = vector.shape_cast %broadcast_in_dim3A_7 : vector<16xf32> to vector<1x16xf32>
    tpu.vector_store %arg10[%swap3A_248, %swap3A_249], %swap3A_252 {strides = array<i32>} : memref<16x128xf32, #tpu.memory_space<vmem>>, vector<1x16xf32>,
    %swap3A_253 = arith.constant 5 : i32
    %swap3A_254 = arith.index_cast %swap3A_253 : i32 to index
    %swap3A_255 = arith.constant 16 : index
    %swap3A_256 = tpu.vector_load %arg10[%swap3A_254, %swap3A_255] {strides = array<i32>} : memref<16x128xf32, #tpu.memory_space<vmem>>, vector<1x16xf32>,
    %swap3A_257 = vector.shape_cast %swap3A_256 : vector<1x16xf32> to vector<16xf32>
    %swap3A_258 = vector.shape_cast %broadcast_in_dim3A_7 : vector<16xf32> to vector<1x16xf32>
    tpu.vector_store %arg10[%swap3A_254, %swap3A_255], %swap3A_258 {strides = array<i32>} : memref<16x128xf32, #tpu.memory_space<vmem>>, vector<1x16xf32>,
    %swap3A_259 = arith.constant 5 : i32
    %swap3A_260 = arith.index_cast %swap3A_259 : i32 to index
    %swap3A_261 = arith.constant 32 : index
    %swap3A_262 = tpu.vector_load %arg10[%swap3A_260, %swap3A_261] {strides = array<i32>} : memref<16x128xf32, #tpu.memory_space<vmem>>, vector<1x16xf32>,
    %swap3A_263 = vector.shape_cast %swap3A_262 : vector<1x16xf32> to vector<16xf32>
    %swap3A_264 = vector.shape_cast %broadcast_in_dim3A_7 : vector<16xf32> to vector<1x16xf32>
    tpu.vector_store %arg10[%swap3A_260, %swap3A_261], %swap3A_264 {strides = array<i32>} : memref<16x128xf32, #tpu.memory_space<vmem>>, vector<1x16xf32>,
    %swap3A_265 = arith.constant 5 : i32
    %swap3A_266 = arith.index_cast %swap3A_265 : i32 to index
    %swap3A_267 = arith.constant 48 : index
    %swap3A_268 = tpu.vector_load %arg10[%swap3A_266, %swap3A_267] {strides = array<i32>} : memref<16x128xf32, #tpu.memory_space<vmem>>, vector<1x16xf32>,
    %swap3A_269 = vector.shape_cast %swap3A_268 : vector<1x16xf32> to vector<16xf32>
    %swap3A_270 = vector.shape_cast %broadcast_in_dim3A_7 : vector<16xf32> to vector<1x16xf32>
    tpu.vector_store %arg10[%swap3A_266, %swap3A_267], %swap3A_270 {strides = array<i32>} : memref<16x128xf32, #tpu.memory_space<vmem>>, vector<1x16xf32>,
    %swap3A_271 = arith.constant 5 : i32
    %swap3A_272 = arith.index_cast %swap3A_271 : i32 to index
    %swap3A_273 = arith.constant 64 : index
    %swap3A_274 = tpu.vector_load %arg10[%swap3A_272, %swap3A_273] {strides = array<i32>} : memref<16x128xf32, #tpu.memory_space<vmem>>, vector<1x16xf32>,
    %swap3A_275 = vector.shape_cast %swap3A_274 : vector<1x16xf32> to vector<16xf32>
    %swap3A_276 = vector.shape_cast %broadcast_in_dim3A_7 : vector<16xf32> to vector<1x16xf32>
    tpu.vector_store %arg10[%swap3A_272, %swap3A_273], %swap3A_276 {strides = array<i32>} : memref<16x128xf32, #tpu.memory_space<vmem>>, vector<1x16xf32>,
    %swap3A_277 = arith.constant 5 : i32
    %swap3A_278 = arith.index_cast %swap3A_277 : i32 to index
    %swap3A_279 = arith.constant 80 : index
    %swap3A_280 = tpu.vector_load %arg10[%swap3A_278, %swap3A_279] {strides = array<i32>} : memref<16x128xf32, #tpu.memory_space<vmem>>, vector<1x16xf32>,
    %swap3A_281 = vector.shape_cast %swap3A_280 : vector<1x16xf32> to vector<16xf32>
    %swap3A_282 = vector.shape_cast %broadcast_in_dim3A_7 : vector<16xf32> to vector<1x16xf32>
    tpu.vector_store %arg10[%swap3A_278, %swap3A_279], %swap3A_282 {strides = array<i32>} : memref<16x128xf32, #tpu.memory_space<vmem>>, vector<1x16xf32>,
    %swap3A_283 = arith.constant 5 : i32
    %swap3A_284 = arith.index_cast %swap3A_283 : i32 to index
    %swap3A_285 = arith.constant 96 : index
    %swap3A_286 = tpu.vector_load %arg10[%swap3A_284, %swap3A_285] {strides = array<i32>} : memref<16x128xf32, #tpu.memory_space<vmem>>, vector<1x16xf32>,
    %swap3A_287 = vector.shape_cast %swap3A_286 : vector<1x16xf32> to vector<16xf32>
    %swap3A_288 = vector.shape_cast %broadcast_in_dim3A_7 : vector<16xf32> to vector<1x16xf32>
    tpu.vector_store %arg10[%swap3A_284, %swap3A_285], %swap3A_288 {strides = array<i32>} : memref<16x128xf32, #tpu.memory_space<vmem>>, vector<1x16xf32>,
    %swap3A_289 = arith.constant 5 : i32
    %swap3A_290 = arith.index_cast %swap3A_289 : i32 to index
    %swap3A_291 = arith.constant 112 : index
    %swap3A_292 = tpu.vector_load %arg10[%swap3A_290, %swap3A_291] {strides = array<i32>} : memref<16x128xf32, #tpu.memory_space<vmem>>, vector<1x16xf32>,
    %swap3A_293 = vector.shape_cast %swap3A_292 : vector<1x16xf32> to vector<16xf32>
    %swap3A_294 = vector.shape_cast %broadcast_in_dim3A_7 : vector<16xf32> to vector<1x16xf32>
    tpu.vector_store %arg10[%swap3A_290, %swap3A_291], %swap3A_294 {strides = array<i32>} : memref<16x128xf32, #tpu.memory_space<vmem>>, vector<1x16xf32>,
    %swap3A_295 = arith.constant 6 : i32
    %swap3A_296 = arith.index_cast %swap3A_295 : i32 to index
    %swap3A_297 = arith.constant 0 : index
    %swap3A_298 = tpu.vector_load %arg10[%swap3A_296, %swap3A_297] {strides = array<i32>} : memref<16x128xf32, #tpu.memory_space<vmem>>, vector<1x16xf32>,
    %swap3A_299 = vector.shape_cast %swap3A_298 : vector<1x16xf32> to vector<16xf32>
    %swap3A_300 = vector.shape_cast %broadcast_in_dim3A_7 : vector<16xf32> to vector<1x16xf32>
    tpu.vector_store %arg10[%swap3A_296, %swap3A_297], %swap3A_300 {strides = array<i32>} : memref<16x128xf32, #tpu.memory_space<vmem>>, vector<1x16xf32>,
    %swap3A_301 = arith.constant 6 : i32
    %swap3A_302 = arith.index_cast %swap3A_301 : i32 to index
    %swap3A_303 = arith.constant 16 : index
    %swap3A_304 = tpu.vector_load %arg10[%swap3A_302, %swap3A_303] {strides = array<i32>} : memref<16x128xf32, #tpu.memory_space<vmem>>, vector<1x16xf32>,
    %swap3A_305 = vector.shape_cast %swap3A_304 : vector<1x16xf32> to vector<16xf32>
    %swap3A_306 = vector.shape_cast %broadcast_in_dim3A_7 : vector<16xf32> to vector<1x16xf32>
    tpu.vector_store %arg10[%swap3A_302, %swap3A_303], %swap3A_306 {strides = array<i32>} : memref<16x128xf32, #tpu.memory_space<vmem>>, vector<1x16xf32>,
    %swap3A_307 = arith.constant 6 : i32
    %swap3A_308 = arith.index_cast %swap3A_307 : i32 to index
    %swap3A_309 = arith.constant 32 : index
    %swap3A_310 = tpu.vector_load %arg10[%swap3A_308, %swap3A_309] {strides = array<i32>} : memref<16x128xf32, #tpu.memory_space<vmem>>, vector<1x16xf32>,
    %swap3A_311 = vector.shape_cast %swap3A_310 : vector<1x16xf32> to vector<16xf32>
    %swap3A_312 = vector.shape_cast %broadcast_in_dim3A_7 : vector<16xf32> to vector<1x16xf32>
    tpu.vector_store %arg10[%swap3A_308, %swap3A_309], %swap3A_312 {strides = array<i32>} : memref<16x128xf32, #tpu.memory_space<vmem>>, vector<1x16xf32>,
    %swap3A_313 = arith.constant 6 : i32
    %swap3A_314 = arith.index_cast %swap3A_313 : i32 to index
    %swap3A_315 = arith.constant 48 : index
    %swap3A_316 = tpu.vector_load %arg10[%swap3A_314, %swap3A_315] {strides = array<i32>} : memref<16x128xf32, #tpu.memory_space<vmem>>, vector<1x16xf32>,
    %swap3A_317 = vector.shape_cast %swap3A_316 : vector<1x16xf32> to vector<16xf32>
    %swap3A_318 = vector.shape_cast %broadcast_in_dim3A_7 : vector<16xf32> to vector<1x16xf32>
    tpu.vector_store %arg10[%swap3A_314, %swap3A_315], %swap3A_318 {strides = array<i32>} : memref<16x128xf32, #tpu.memory_space<vmem>>, vector<1x16xf32>,
    %swap3A_319 = arith.constant 6 : i32
    %swap3A_320 = arith.index_cast %swap3A_319 : i32 to index
    %swap3A_321 = arith.constant 64 : index
    %swap3A_322 = tpu.vector_load %arg10[%swap3A_320, %swap3A_321] {strides = array<i32>} : memref<16x128xf32, #tpu.memory_space<vmem>>, vector<1x16xf32>,
    %swap3A_323 = vector.shape_cast %swap3A_322 : vector<1x16xf32> to vector<16xf32>
    %swap3A_324 = vector.shape_cast %broadcast_in_dim3A_7 : vector<16xf32> to vector<1x16xf32>
    tpu.vector_store %arg10[%swap3A_320, %swap3A_321], %swap3A_324 {strides = array<i32>} : memref<16x128xf32, #tpu.memory_space<vmem>>, vector<1x16xf32>,
    %swap3A_325 = arith.constant 6 : i32
    %swap3A_326 = arith.index_cast %swap3A_325 : i32 to index
    %swap3A_327 = arith.constant 80 : index
    %swap3A_328 = tpu.vector_load %arg10[%swap3A_326, %swap3A_327] {strides = array<i32>} : memref<16x128xf32, #tpu.memory_space<vmem>>, vector<1x16xf32>,
    %swap3A_329 = vector.shape_cast %swap3A_328 : vector<1x16xf32> to vector<16xf32>
    %swap3A_330 = vector.shape_cast %broadcast_in_dim3A_7 : vector<16xf32> to vector<1x16xf32>
    tpu.vector_store %arg10[%swap3A_326, %swap3A_327], %swap3A_330 {strides = array<i32>} : memref<16x128xf32, #tpu.memory_space<vmem>>, vector<1x16xf32>,
    %swap3A_331 = arith.constant 6 : i32
    %swap3A_332 = arith.index_cast %swap3A_331 : i32 to index
    %swap3A_333 = arith.constant 96 : index
    %swap3A_334 = tpu.vector_load %arg10[%swap3A_332, %swap3A_333] {strides = array<i32>} : memref<16x128xf32, #tpu.memory_space<vmem>>, vector<1x16xf32>,
    %swap3A_335 = vector.shape_cast %swap3A_334 : vector<1x16xf32> to vector<16xf32>
    %swap3A_336 = vector.shape_cast %broadcast_in_dim3A_7 : vector<16xf32> to vector<1x16xf32>
    tpu.vector_store %arg10[%swap3A_332, %swap3A_333], %swap3A_336 {strides = array<i32>} : memref<16x128xf32, #tpu.memory_space<vmem>>, vector<1x16xf32>,
    %swap3A_337 = arith.constant 6 : i32
    %swap3A_338 = arith.index_cast %swap3A_337 : i32 to index
    %swap3A_339 = arith.constant 112 : index
    %swap3A_340 = tpu.vector_load %arg10[%swap3A_338, %swap3A_339] {strides = array<i32>} : memref<16x128xf32, #tpu.memory_space<vmem>>, vector<1x16xf32>,
    %swap3A_341 = vector.shape_cast %swap3A_340 : vector<1x16xf32> to vector<16xf32>
    %swap3A_342 = vector.shape_cast %broadcast_in_dim3A_7 : vector<16xf32> to vector<1x16xf32>
    tpu.vector_store %arg10[%swap3A_338, %swap3A_339], %swap3A_342 {strides = array<i32>} : memref<16x128xf32, #tpu.memory_space<vmem>>, vector<1x16xf32>,
    %swap3A_343 = arith.constant 7 : i32
    %swap3A_344 = arith.index_cast %swap3A_343 : i32 to index
    %swap3A_345 = arith.constant 0 : index
    %swap3A_346 = tpu.vector_load %arg10[%swap3A_344, %swap3A_345] {strides = array<i32>} : memref<16x128xf32, #tpu.memory_space<vmem>>, vector<1x16xf32>,
    %swap3A_347 = vector.shape_cast %swap3A_346 : vector<1x16xf32> to vector<16xf32>
    %swap3A_348 = vector.shape_cast %broadcast_in_dim3A_7 : vector<16xf32> to vector<1x16xf32>
    tpu.vector_store %arg10[%swap3A_344, %swap3A_345], %swap3A_348 {strides = array<i32>} : memref<16x128xf32, #tpu.memory_space<vmem>>, vector<1x16xf32>,
    %swap3A_349 = arith.constant 7 : i32
    %swap3A_350 = arith.index_cast %swap3A_349 : i32 to index
    %swap3A_351 = arith.constant 16 : index
    %swap3A_352 = tpu.vector_load %arg10[%swap3A_350, %swap3A_351] {strides = array<i32>} : memref<16x128xf32, #tpu.memory_space<vmem>>, vector<1x16xf32>,
    %swap3A_353 = vector.shape_cast %swap3A_352 : vector<1x16xf32> to vector<16xf32>
    %swap3A_354 = vector.shape_cast %broadcast_in_dim3A_7 : vector<16xf32> to vector<1x16xf32>
    tpu.vector_store %arg10[%swap3A_350, %swap3A_351], %swap3A_354 {strides = array<i32>} : memref<16x128xf32, #tpu.memory_space<vmem>>, vector<1x16xf32>,
    %swap3A_355 = arith.constant 7 : i32
    %swap3A_356 = arith.index_cast %swap3A_355 : i32 to index
    %swap3A_357 = arith.constant 32 : index
    %swap3A_358 = tpu.vector_load %arg10[%swap3A_356, %swap3A_357] {strides = array<i32>} : memref<16x128xf32, #tpu.memory_space<vmem>>, vector<1x16xf32>,
    %swap3A_359 = vector.shape_cast %swap3A_358 : vector<1x16xf32> to vector<16xf32>
    %swap3A_360 = vector.shape_cast %broadcast_in_dim3A_7 : vector<16xf32> to vector<1x16xf32>
    tpu.vector_store %arg10[%swap3A_356, %swap3A_357], %swap3A_360 {strides = array<i32>} : memref<16x128xf32, #tpu.memory_space<vmem>>, vector<1x16xf32>,
    %swap3A_361 = arith.constant 7 : i32
    %swap3A_362 = arith.index_cast %swap3A_361 : i32 to index
    %swap3A_363 = arith.constant 48 : index
    %swap3A_364 = tpu.vector_load %arg10[%swap3A_362, %swap3A_363] {strides = array<i32>} : memref<16x128xf32, #tpu.memory_space<vmem>>, vector<1x16xf32>,
    %swap3A_365 = vector.shape_cast %swap3A_364 : vector<1x16xf32> to vector<16xf32>
    %swap3A_366 = vector.shape_cast %broadcast_in_dim3A_7 : vector<16xf32> to vector<1x16xf32>
    tpu.vector_store %arg10[%swap3A_362, %swap3A_363], %swap3A_366 {strides = array<i32>} : memref<16x128xf32, #tpu.memory_space<vmem>>, vector<1x16xf32>,
    %swap3A_367 = arith.constant 7 : i32
    %swap3A_368 = arith.index_cast %swap3A_367 : i32 to index
    %swap3A_369 = arith.constant 64 : index
    %swap3A_370 = tpu.vector_load %arg10[%swap3A_368, %swap3A_369] {strides = array<i32>} : memref<16x128xf32, #tpu.memory_space<vmem>>, vector<1x16xf32>,
    %swap3A_371 = vector.shape_cast %swap3A_370 : vector<1x16xf32> to vector<16xf32>
    %swap3A_372 = vector.shape_cast %broadcast_in_dim3A_7 : vector<16xf32> to vector<1x16xf32>
    tpu.vector_store %arg10[%swap3A_368, %swap3A_369], %swap3A_372 {strides = array<i32>} : memref<16x128xf32, #tpu.memory_space<vmem>>, vector<1x16xf32>,
    %swap3A_373 = arith.constant 7 : i32
    %swap3A_374 = arith.index_cast %swap3A_373 : i32 to index
    %swap3A_375 = arith.constant 80 : index
    %swap3A_376 = tpu.vector_load %arg10[%swap3A_374, %swap3A_375] {strides = array<i32>} : memref<16x128xf32, #tpu.memory_space<vmem>>, vector<1x16xf32>,
    %swap3A_377 = vector.shape_cast %swap3A_376 : vector<1x16xf32> to vector<16xf32>
    %swap3A_378 = vector.shape_cast %broadcast_in_dim3A_7 : vector<16xf32> to vector<1x16xf32>
    tpu.vector_store %arg10[%swap3A_374, %swap3A_375], %swap3A_378 {strides = array<i32>} : memref<16x128xf32, #tpu.memory_space<vmem>>, vector<1x16xf32>,
    %swap3A_379 = arith.constant 7 : i32
    %swap3A_380 = arith.index_cast %swap3A_379 : i32 to index
    %swap3A_381 = arith.constant 96 : index
    %swap3A_382 = tpu.vector_load %arg10[%swap3A_380, %swap3A_381] {strides = array<i32>} : memref<16x128xf32, #tpu.memory_space<vmem>>, vector<1x16xf32>,
    %swap3A_383 = vector.shape_cast %swap3A_382 : vector<1x16xf32> to vector<16xf32>
    %swap3A_384 = vector.shape_cast %broadcast_in_dim3A_7 : vector<16xf32> to vector<1x16xf32>
    tpu.vector_store %arg10[%swap3A_380, %swap3A_381], %swap3A_384 {strides = array<i32>} : memref<16x128xf32, #tpu.memory_space<vmem>>, vector<1x16xf32>,
    %swap3A_385 = arith.constant 7 : i32
    %swap3A_386 = arith.index_cast %swap3A_385 : i32 to index
    %swap3A_387 = arith.constant 112 : index
    %swap3A_388 = tpu.vector_load %arg10[%swap3A_386, %swap3A_387] {strides = array<i32>} : memref<16x128xf32, #tpu.memory_space<vmem>>, vector<1x16xf32>,
    %swap3A_389 = vector.shape_cast %swap3A_388 : vector<1x16xf32> to vector<16xf32>
    %swap3A_390 = vector.shape_cast %broadcast_in_dim3A_7 : vector<16xf32> to vector<1x16xf32>
    tpu.vector_store %arg10[%swap3A_386, %swap3A_387], %swap3A_390 {strides = array<i32>} : memref<16x128xf32, #tpu.memory_space<vmem>>, vector<1x16xf32>,
    %swap3A_391 = arith.constant 8 : i32
    %swap3A_392 = arith.index_cast %swap3A_391 : i32 to index
    %swap3A_393 = arith.constant 0 : index
    %swap3A_394 = tpu.vector_load %arg10[%swap3A_392, %swap3A_393] {strides = array<i32>} : memref<16x128xf32, #tpu.memory_space<vmem>>, vector<1x16xf32>,
    %swap3A_395 = vector.shape_cast %swap3A_394 : vector<1x16xf32> to vector<16xf32>
    %swap3A_396 = vector.shape_cast %broadcast_in_dim3A_7 : vector<16xf32> to vector<1x16xf32>
    tpu.vector_store %arg10[%swap3A_392, %swap3A_393], %swap3A_396 {strides = array<i32>} : memref<16x128xf32, #tpu.memory_space<vmem>>, vector<1x16xf32>,
    %swap3A_397 = arith.constant 8 : i32
    %swap3A_398 = arith.index_cast %swap3A_397 : i32 to index
    %swap3A_399 = arith.constant 16 : index
    %swap3A_400 = tpu.vector_load %arg10[%swap3A_398, %swap3A_399] {strides = array<i32>} : memref<16x128xf32, #tpu.memory_space<vmem>>, vector<1x16xf32>,
    %swap3A_401 = vector.shape_cast %swap3A_400 : vector<1x16xf32> to vector<16xf32>
    %swap3A_402 = vector.shape_cast %broadcast_in_dim3A_7 : vector<16xf32> to vector<1x16xf32>
    tpu.vector_store %arg10[%swap3A_398, %swap3A_399], %swap3A_402 {strides = array<i32>} : memref<16x128xf32, #tpu.memory_space<vmem>>, vector<1x16xf32>,
    %swap3A_403 = arith.constant 8 : i32
    %swap3A_404 = arith.index_cast %swap3A_403 : i32 to index
    %swap3A_405 = arith.constant 32 : index
    %swap3A_406 = tpu.vector_load %arg10[%swap3A_404, %swap3A_405] {strides = array<i32>} : memref<16x128xf32, #tpu.memory_space<vmem>>, vector<1x16xf32>,
    %swap3A_407 = vector.shape_cast %swap3A_406 : vector<1x16xf32> to vector<16xf32>
    %swap3A_408 = vector.shape_cast %broadcast_in_dim3A_7 : vector<16xf32> to vector<1x16xf32>
    tpu.vector_store %arg10[%swap3A_404, %swap3A_405], %swap3A_408 {strides = array<i32>} : memref<16x128xf32, #tpu.memory_space<vmem>>, vector<1x16xf32>,
    %swap3A_409 = arith.constant 8 : i32
    %swap3A_410 = arith.index_cast %swap3A_409 : i32 to index
    %swap3A_411 = arith.constant 48 : index
    %swap3A_412 = tpu.vector_load %arg10[%swap3A_410, %swap3A_411] {strides = array<i32>} : memref<16x128xf32, #tpu.memory_space<vmem>>, vector<1x16xf32>,
    %swap3A_413 = vector.shape_cast %swap3A_412 : vector<1x16xf32> to vector<16xf32>
    %swap3A_414 = vector.shape_cast %broadcast_in_dim3A_7 : vector<16xf32> to vector<1x16xf32>
    tpu.vector_store %arg10[%swap3A_410, %swap3A_411], %swap3A_414 {strides = array<i32>} : memref<16x128xf32, #tpu.memory_space<vmem>>, vector<1x16xf32>,
    %swap3A_415 = arith.constant 8 : i32
    %swap3A_416 = arith.index_cast %swap3A_415 : i32 to index
    %swap3A_417 = arith.constant 64 : index
    %swap3A_418 = tpu.vector_load %arg10[%swap3A_416, %swap3A_417] {strides = array<i32>} : memref<16x128xf32, #tpu.memory_space<vmem>>, vector<1x16xf32>,
    %swap3A_419 = vector.shape_cast %swap3A_418 : vector<1x16xf32> to vector<16xf32>
    %swap3A_420 = vector.shape_cast %broadcast_in_dim3A_7 : vector<16xf32> to vector<1x16xf32>
    tpu.vector_store %arg10[%swap3A_416, %swap3A_417], %swap3A_420 {strides = array<i32>} : memref<16x128xf32, #tpu.memory_space<vmem>>, vector<1x16xf32>,
    %swap3A_421 = arith.constant 8 : i32
    %swap3A_422 = arith.index_cast %swap3A_421 : i32 to index
    %swap3A_423 = arith.constant 80 : index
    %swap3A_424 = tpu.vector_load %arg10[%swap3A_422, %swap3A_423] {strides = array<i32>} : memref<16x128xf32, #tpu.memory_space<vmem>>, vector<1x16xf32>,
    %swap3A_425 = vector.shape_cast %swap3A_424 : vector<1x16xf32> to vector<16xf32>
    %swap3A_426 = vector.shape_cast %broadcast_in_dim3A_7 : vector<16xf32> to vector<1x16xf32>
    tpu.vector_store %arg10[%swap3A_422, %swap3A_423], %swap3A_426 {strides = array<i32>} : memref<16x128xf32, #tpu.memory_space<vmem>>, vector<1x16xf32>,
    %swap3A_427 = arith.constant 8 : i32
    %swap3A_428 = arith.index_cast %swap3A_427 : i32 to index
    %swap3A_429 = arith.constant 96 : index
    %swap3A_430 = tpu.vector_load %arg10[%swap3A_428, %swap3A_429] {strides = array<i32>} : memref<16x128xf32, #tpu.memory_space<vmem>>, vector<1x16xf32>,
    %swap3A_431 = vector.shape_cast %swap3A_430 : vector<1x16xf32> to vector<16xf32>
    %swap3A_432 = vector.shape_cast %broadcast_in_dim3A_7 : vector<16xf32> to vector<1x16xf32>
    tpu.vector_store %arg10[%swap3A_428, %swap3A_429], %swap3A_432 {strides = array<i32>} : memref<16x128xf32, #tpu.memory_space<vmem>>, vector<1x16xf32>,
    %swap3A_433 = arith.constant 8 : i32
    %swap3A_434 = arith.index_cast %swap3A_433 : i32 to index
    %swap3A_435 = arith.constant 112 : index
    %swap3A_436 = tpu.vector_load %arg10[%swap3A_434, %swap3A_435] {strides = array<i32>} : memref<16x128xf32, #tpu.memory_space<vmem>>, vector<1x16xf32>,
    %swap3A_437 = vector.shape_cast %swap3A_436 : vector<1x16xf32> to vector<16xf32>
    %swap3A_438 = vector.shape_cast %broadcast_in_dim3A_7 : vector<16xf32> to vector<1x16xf32>
    tpu.vector_store %arg10[%swap3A_434, %swap3A_435], %swap3A_438 {strides = array<i32>} : memref<16x128xf32, #tpu.memory_space<vmem>>, vector<1x16xf32>,
    %swap3A_439 = arith.constant 9 : i32
    %swap3A_440 = arith.index_cast %swap3A_439 : i32 to index
    %swap3A_441 = arith.constant 0 : index
    %swap3A_442 = tpu.vector_load %arg10[%swap3A_440, %swap3A_441] {strides = array<i32>} : memref<16x128xf32, #tpu.memory_space<vmem>>, vector<1x16xf32>,
    %swap3A_443 = vector.shape_cast %swap3A_442 : vector<1x16xf32> to vector<16xf32>
    %swap3A_444 = vector.shape_cast %broadcast_in_dim3A_7 : vector<16xf32> to vector<1x16xf32>
    tpu.vector_store %arg10[%swap3A_440, %swap3A_441], %swap3A_444 {strides = array<i32>} : memref<16x128xf32, #tpu.memory_space<vmem>>, vector<1x16xf32>,
    %swap3A_445 = arith.constant 9 : i32
    %swap3A_446 = arith.index_cast %swap3A_445 : i32 to index
    %swap3A_447 = arith.constant 16 : index
    %swap3A_448 = tpu.vector_load %arg10[%swap3A_446, %swap3A_447] {strides = array<i32>} : memref<16x128xf32, #tpu.memory_space<vmem>>, vector<1x16xf32>,
    %swap3A_449 = vector.shape_cast %swap3A_448 : vector<1x16xf32> to vector<16xf32>
    %swap3A_450 = vector.shape_cast %broadcast_in_dim3A_7 : vector<16xf32> to vector<1x16xf32>
    tpu.vector_store %arg10[%swap3A_446, %swap3A_447], %swap3A_450 {strides = array<i32>} : memref<16x128xf32, #tpu.memory_space<vmem>>, vector<1x16xf32>,
    %swap3A_451 = arith.constant 9 : i32
    %swap3A_452 = arith.index_cast %swap3A_451 : i32 to index
    %swap3A_453 = arith.constant 32 : index
    %swap3A_454 = tpu.vector_load %arg10[%swap3A_452, %swap3A_453] {strides = array<i32>} : memref<16x128xf32, #tpu.memory_space<vmem>>, vector<1x16xf32>,
    %swap3A_455 = vector.shape_cast %swap3A_454 : vector<1x16xf32> to vector<16xf32>
    %swap3A_456 = vector.shape_cast %broadcast_in_dim3A_7 : vector<16xf32> to vector<1x16xf32>
    tpu.vector_store %arg10[%swap3A_452, %swap3A_453], %swap3A_456 {strides = array<i32>} : memref<16x128xf32, #tpu.memory_space<vmem>>, vector<1x16xf32>,
    %swap3A_457 = arith.constant 9 : i32
    %swap3A_458 = arith.index_cast %swap3A_457 : i32 to index
    %swap3A_459 = arith.constant 48 : index
    %swap3A_460 = tpu.vector_load %arg10[%swap3A_458, %swap3A_459] {strides = array<i32>} : memref<16x128xf32, #tpu.memory_space<vmem>>, vector<1x16xf32>,
    %swap3A_461 = vector.shape_cast %swap3A_460 : vector<1x16xf32> to vector<16xf32>
    %swap3A_462 = vector.shape_cast %broadcast_in_dim3A_7 : vector<16xf32> to vector<1x16xf32>
    tpu.vector_store %arg10[%swap3A_458, %swap3A_459], %swap3A_462 {strides = array<i32>} : memref<16x128xf32, #tpu.memory_space<vmem>>, vector<1x16xf32>,
    %swap3A_463 = arith.constant 9 : i32
    %swap3A_464 = arith.index_cast %swap3A_463 : i32 to index
    %swap3A_465 = arith.constant 64 : index
    %swap3A_466 = tpu.vector_load %arg10[%swap3A_464, %swap3A_465] {strides = array<i32>} : memref<16x128xf32, #tpu.memory_space<vmem>>, vector<1x16xf32>,
    %swap3A_467 = vector.shape_cast %swap3A_466 : vector<1x16xf32> to vector<16xf32>
    %swap3A_468 = vector.shape_cast %broadcast_in_dim3A_7 : vector<16xf32> to vector<1x16xf32>
    tpu.vector_store %arg10[%swap3A_464, %swap3A_465], %swap3A_468 {strides = array<i32>} : memref<16x128xf32, #tpu.memory_space<vmem>>, vector<1x16xf32>,
    %swap3A_469 = arith.constant 9 : i32
    %swap3A_470 = arith.index_cast %swap3A_469 : i32 to index
    %swap3A_471 = arith.constant 80 : index
    %swap3A_472 = tpu.vector_load %arg10[%swap3A_470, %swap3A_471] {strides = array<i32>} : memref<16x128xf32, #tpu.memory_space<vmem>>, vector<1x16xf32>,
    %swap3A_473 = vector.shape_cast %swap3A_472 : vector<1x16xf32> to vector<16xf32>
    %swap3A_474 = vector.shape_cast %broadcast_in_dim3A_7 : vector<16xf32> to vector<1x16xf32>
    tpu.vector_store %arg10[%swap3A_470, %swap3A_471], %swap3A_474 {strides = array<i32>} : memref<16x128xf32, #tpu.memory_space<vmem>>, vector<1x16xf32>,
    %swap3A_475 = arith.constant 9 : i32
    %swap3A_476 = arith.index_cast %swap3A_475 : i32 to index
    %swap3A_477 = arith.constant 96 : index
    %swap3A_478 = tpu.vector_load %arg10[%swap3A_476, %swap3A_477] {strides = array<i32>} : memref<16x128xf32, #tpu.memory_space<vmem>>, vector<1x16xf32>,
    %swap3A_479 = vector.shape_cast %swap3A_478 : vector<1x16xf32> to vector<16xf32>
    %swap3A_480 = vector.shape_cast %broadcast_in_dim3A_7 : vector<16xf32> to vector<1x16xf32>
    tpu.vector_store %arg10[%swap3A_476, %swap3A_477], %swap3A_480 {strides = array<i32>} : memref<16x128xf32, #tpu.memory_space<vmem>>, vector<1x16xf32>,
    %swap3A_481 = arith.constant 9 : i32
    %swap3A_482 = arith.index_cast %swap3A_481 : i32 to index
    %swap3A_483 = arith.constant 112 : index
    %swap3A_484 = tpu.vector_load %arg10[%swap3A_482, %swap3A_483] {strides = array<i32>} : memref<16x128xf32, #tpu.memory_space<vmem>>, vector<1x16xf32>,
    %swap3A_485 = vector.shape_cast %swap3A_484 : vector<1x16xf32> to vector<16xf32>
    %swap3A_486 = vector.shape_cast %broadcast_in_dim3A_7 : vector<16xf32> to vector<1x16xf32>
    tpu.vector_store %arg10[%swap3A_482, %swap3A_483], %swap3A_486 {strides = array<i32>} : memref<16x128xf32, #tpu.memory_space<vmem>>, vector<1x16xf32>,
    %swap3A_487 = arith.constant 10 : i32
    %swap3A_488 = arith.index_cast %swap3A_487 : i32 to index
    %swap3A_489 = arith.constant 0 : index
    %swap3A_490 = tpu.vector_load %arg10[%swap3A_488, %swap3A_489] {strides = array<i32>} : memref<16x128xf32, #tpu.memory_space<vmem>>, vector<1x16xf32>,
    %swap3A_491 = vector.shape_cast %swap3A_490 : vector<1x16xf32> to vector<16xf32>
    %swap3A_492 = vector.shape_cast %broadcast_in_dim3A_7 : vector<16xf32> to vector<1x16xf32>
    tpu.vector_store %arg10[%swap3A_488, %swap3A_489], %swap3A_492 {strides = array<i32>} : memref<16x128xf32, #tpu.memory_space<vmem>>, vector<1x16xf32>,
    %swap3A_493 = arith.constant 10 : i32
    %swap3A_494 = arith.index_cast %swap3A_493 : i32 to index
    %swap3A_495 = arith.constant 16 : index
    %swap3A_496 = tpu.vector_load %arg10[%swap3A_494, %swap3A_495] {strides = array<i32>} : memref<16x128xf32, #tpu.memory_space<vmem>>, vector<1x16xf32>,
    %swap3A_497 = vector.shape_cast %swap3A_496 : vector<1x16xf32> to vector<16xf32>
    %swap3A_498 = vector.shape_cast %broadcast_in_dim3A_7 : vector<16xf32> to vector<1x16xf32>
    tpu.vector_store %arg10[%swap3A_494, %swap3A_495], %swap3A_498 {strides = array<i32>} : memref<16x128xf32, #tpu.memory_space<vmem>>, vector<1x16xf32>,
    %swap3A_499 = arith.constant 10 : i32
    %swap3A_500 = arith.index_cast %swap3A_499 : i32 to index
    %swap3A_501 = arith.constant 32 : index
    %swap3A_502 = tpu.vector_load %arg10[%swap3A_500, %swap3A_501] {strides = array<i32>} : memref<16x128xf32, #tpu.memory_space<vmem>>, vector<1x16xf32>,
    %swap3A_503 = vector.shape_cast %swap3A_502 : vector<1x16xf32> to vector<16xf32>
    %swap3A_504 = vector.shape_cast %broadcast_in_dim3A_7 : vector<16xf32> to vector<1x16xf32>
    tpu.vector_store %arg10[%swap3A_500, %swap3A_501], %swap3A_504 {strides = array<i32>} : memref<16x128xf32, #tpu.memory_space<vmem>>, vector<1x16xf32>,
    %swap3A_505 = arith.constant 10 : i32
    %swap3A_506 = arith.index_cast %swap3A_505 : i32 to index
    %swap3A_507 = arith.constant 48 : index
    %swap3A_508 = tpu.vector_load %arg10[%swap3A_506, %swap3A_507] {strides = array<i32>} : memref<16x128xf32, #tpu.memory_space<vmem>>, vector<1x16xf32>,
    %swap3A_509 = vector.shape_cast %swap3A_508 : vector<1x16xf32> to vector<16xf32>
    %swap3A_510 = vector.shape_cast %broadcast_in_dim3A_7 : vector<16xf32> to vector<1x16xf32>
    tpu.vector_store %arg10[%swap3A_506, %swap3A_507], %swap3A_510 {strides = array<i32>} : memref<16x128xf32, #tpu.memory_space<vmem>>, vector<1x16xf32>,
    %swap3A_511 = arith.constant 10 : i32
    %swap3A_512 = arith.index_cast %swap3A_511 : i32 to index
    %swap3A_513 = arith.constant 64 : index
    %swap3A_514 = tpu.vector_load %arg10[%swap3A_512, %swap3A_513] {strides = array<i32>} : memref<16x128xf32, #tpu.memory_space<vmem>>, vector<1x16xf32>,
    %swap3A_515 = vector.shape_cast %swap3A_514 : vector<1x16xf32> to vector<16xf32>
    %swap3A_516 = vector.shape_cast %broadcast_in_dim3A_7 : vector<16xf32> to vector<1x16xf32>
    tpu.vector_store %arg10[%swap3A_512, %swap3A_513], %swap3A_516 {strides = array<i32>} : memref<16x128xf32, #tpu.memory_space<vmem>>, vector<1x16xf32>,
    %swap3A_517 = arith.constant 10 : i32
    %swap3A_518 = arith.index_cast %swap3A_517 : i32 to index
    %swap3A_519 = arith.constant 80 : index
    %swap3A_520 = tpu.vector_load %arg10[%swap3A_518, %swap3A_519] {strides = array<i32>} : memref<16x128xf32, #tpu.memory_space<vmem>>, vector<1x16xf32>,
    %swap3A_521 = vector.shape_cast %swap3A_520 : vector<1x16xf32> to vector<16xf32>
    %swap3A_522 = vector.shape_cast %broadcast_in_dim3A_7 : vector<16xf32> to vector<1x16xf32>
    tpu.vector_store %arg10[%swap3A_518, %swap3A_519], %swap3A_522 {strides = array<i32>} : memref<16x128xf32, #tpu.memory_space<vmem>>, vector<1x16xf32>,
    %swap3A_523 = arith.constant 10 : i32
    %swap3A_524 = arith.index_cast %swap3A_523 : i32 to index
    %swap3A_525 = arith.constant 96 : index
    %swap3A_526 = tpu.vector_load %arg10[%swap3A_524, %swap3A_525] {strides = array<i32>} : memref<16x128xf32, #tpu.memory_space<vmem>>, vector<1x16xf32>,
    %swap3A_527 = vector.shape_cast %swap3A_526 : vector<1x16xf32> to vector<16xf32>
    %swap3A_528 = vector.shape_cast %broadcast_in_dim3A_7 : vector<16xf32> to vector<1x16xf32>
    tpu.vector_store %arg10[%swap3A_524, %swap3A_525], %swap3A_528 {strides = array<i32>} : memref<16x128xf32, #tpu.memory_space<vmem>>, vector<1x16xf32>,
    %swap3A_529 = arith.constant 10 : i32
    %swap3A_530 = arith.index_cast %swap3A_529 : i32 to index
    %swap3A_531 = arith.constant 112 : index
    %swap3A_532 = tpu.vector_load %arg10[%swap3A_530, %swap3A_531] {strides = array<i32>} : memref<16x128xf32, #tpu.memory_space<vmem>>, vector<1x16xf32>,
    %swap3A_533 = vector.shape_cast %swap3A_532 : vector<1x16xf32> to vector<16xf32>
    %swap3A_534 = vector.shape_cast %broadcast_in_dim3A_7 : vector<16xf32> to vector<1x16xf32>
    tpu.vector_store %arg10[%swap3A_530, %swap3A_531], %swap3A_534 {strides = array<i32>} : memref<16x128xf32, #tpu.memory_space<vmem>>, vector<1x16xf32>,
    %swap3A_535 = arith.constant 11 : i32
    %swap3A_536 = arith.index_cast %swap3A_535 : i32 to index
    %swap3A_537 = arith.constant 0 : index
    %swap3A_538 = tpu.vector_load %arg10[%swap3A_536, %swap3A_537] {strides = array<i32>} : memref<16x128xf32, #tpu.memory_space<vmem>>, vector<1x16xf32>,
    %swap3A_539 = vector.shape_cast %swap3A_538 : vector<1x16xf32> to vector<16xf32>
    %swap3A_540 = vector.shape_cast %broadcast_in_dim3A_7 : vector<16xf32> to vector<1x16xf32>
    tpu.vector_store %arg10[%swap3A_536, %swap3A_537], %swap3A_540 {strides = array<i32>} : memref<16x128xf32, #tpu.memory_space<vmem>>, vector<1x16xf32>,
    %swap3A_541 = arith.constant 11 : i32
    %swap3A_542 = arith.index_cast %swap3A_541 : i32 to index
    %swap3A_543 = arith.constant 16 : index
    %swap3A_544 = tpu.vector_load %arg10[%swap3A_542, %swap3A_543] {strides = array<i32>} : memref<16x128xf32, #tpu.memory_space<vmem>>, vector<1x16xf32>,
    %swap3A_545 = vector.shape_cast %swap3A_544 : vector<1x16xf32> to vector<16xf32>
    %swap3A_546 = vector.shape_cast %broadcast_in_dim3A_7 : vector<16xf32> to vector<1x16xf32>
    tpu.vector_store %arg10[%swap3A_542, %swap3A_543], %swap3A_546 {strides = array<i32>} : memref<16x128xf32, #tpu.memory_space<vmem>>, vector<1x16xf32>,
    %swap3A_547 = arith.constant 11 : i32
    %swap3A_548 = arith.index_cast %swap3A_547 : i32 to index
    %swap3A_549 = arith.constant 32 : index
    %swap3A_550 = tpu.vector_load %arg10[%swap3A_548, %swap3A_549] {strides = array<i32>} : memref<16x128xf32, #tpu.memory_space<vmem>>, vector<1x16xf32>,
    %swap3A_551 = vector.shape_cast %swap3A_550 : vector<1x16xf32> to vector<16xf32>
    %swap3A_552 = vector.shape_cast %broadcast_in_dim3A_7 : vector<16xf32> to vector<1x16xf32>
    tpu.vector_store %arg10[%swap3A_548, %swap3A_549], %swap3A_552 {strides = array<i32>} : memref<16x128xf32, #tpu.memory_space<vmem>>, vector<1x16xf32>,
    %swap3A_553 = arith.constant 11 : i32
    %swap3A_554 = arith.index_cast %swap3A_553 : i32 to index
    %swap3A_555 = arith.constant 48 : index
    %swap3A_556 = tpu.vector_load %arg10[%swap3A_554, %swap3A_555] {strides = array<i32>} : memref<16x128xf32, #tpu.memory_space<vmem>>, vector<1x16xf32>,
    %swap3A_557 = vector.shape_cast %swap3A_556 : vector<1x16xf32> to vector<16xf32>
    %swap3A_558 = vector.shape_cast %broadcast_in_dim3A_7 : vector<16xf32> to vector<1x16xf32>
    tpu.vector_store %arg10[%swap3A_554, %swap3A_555], %swap3A_558 {strides = array<i32>} : memref<16x128xf32, #tpu.memory_space<vmem>>, vector<1x16xf32>,
    %swap3A_559 = arith.constant 11 : i32
    %swap3A_560 = arith.index_cast %swap3A_559 : i32 to index
    %swap3A_561 = arith.constant 64 : index
    %swap3A_562 = tpu.vector_load %arg10[%swap3A_560, %swap3A_561] {strides = array<i32>} : memref<16x128xf32, #tpu.memory_space<vmem>>, vector<1x16xf32>,
    %swap3A_563 = vector.shape_cast %swap3A_562 : vector<1x16xf32> to vector<16xf32>
    %swap3A_564 = vector.shape_cast %broadcast_in_dim3A_7 : vector<16xf32> to vector<1x16xf32>
    tpu.vector_store %arg10[%swap3A_560, %swap3A_561], %swap3A_564 {strides = array<i32>} : memref<16x128xf32, #tpu.memory_space<vmem>>, vector<1x16xf32>,
    %swap3A_565 = arith.constant 11 : i32
    %swap3A_566 = arith.index_cast %swap3A_565 : i32 to index
    %swap3A_567 = arith.constant 80 : index
    %swap3A_568 = tpu.vector_load %arg10[%swap3A_566, %swap3A_567] {strides = array<i32>} : memref<16x128xf32, #tpu.memory_space<vmem>>, vector<1x16xf32>,
    %swap3A_569 = vector.shape_cast %swap3A_568 : vector<1x16xf32> to vector<16xf32>
    %swap3A_570 = vector.shape_cast %broadcast_in_dim3A_7 : vector<16xf32> to vector<1x16xf32>
    tpu.vector_store %arg10[%swap3A_566, %swap3A_567], %swap3A_570 {strides = array<i32>} : memref<16x128xf32, #tpu.memory_space<vmem>>, vector<1x16xf32>,
    %swap3A_571 = arith.constant 11 : i32
    %swap3A_572 = arith.index_cast %swap3A_571 : i32 to index
    %swap3A_573 = arith.constant 96 : index
    %swap3A_574 = tpu.vector_load %arg10[%swap3A_572, %swap3A_573] {strides = array<i32>} : memref<16x128xf32, #tpu.memory_space<vmem>>, vector<1x16xf32>,
    %swap3A_575 = vector.shape_cast %swap3A_574 : vector<1x16xf32> to vector<16xf32>
    %swap3A_576 = vector.shape_cast %broadcast_in_dim3A_7 : vector<16xf32> to vector<1x16xf32>
    tpu.vector_store %arg10[%swap3A_572, %swap3A_573], %swap3A_576 {strides = array<i32>} : memref<16x128xf32, #tpu.memory_space<vmem>>, vector<1x16xf32>,
    %swap3A_577 = arith.constant 11 : i32
    %swap3A_578 = arith.index_cast %swap3A_577 : i32 to index
    %swap3A_579 = arith.constant 112 : index
    %swap3A_580 = tpu.vector_load %arg10[%swap3A_578, %swap3A_579] {strides = array<i32>} : memref<16x128xf32, #tpu.memory_space<vmem>>, vector<1x16xf32>,
    %swap3A_581 = vector.shape_cast %swap3A_580 : vector<1x16xf32> to vector<16xf32>
    %swap3A_582 = vector.shape_cast %broadcast_in_dim3A_7 : vector<16xf32> to vector<1x16xf32>
    tpu.vector_store %arg10[%swap3A_578, %swap3A_579], %swap3A_582 {strides = array<i32>} : memref<16x128xf32, #tpu.memory_space<vmem>>, vector<1x16xf32>,
    %swap3A_583 = arith.constant 12 : i32
    %swap3A_584 = arith.index_cast %swap3A_583 : i32 to index
    %swap3A_585 = arith.constant 0 : index
    %swap3A_586 = tpu.vector_load %arg10[%swap3A_584, %swap3A_585] {strides = array<i32>} : memref<16x128xf32, #tpu.memory_space<vmem>>, vector<1x16xf32>,
    %swap3A_587 = vector.shape_cast %swap3A_586 : vector<1x16xf32> to vector<16xf32>
    %swap3A_588 = vector.shape_cast %broadcast_in_dim3A_7 : vector<16xf32> to vector<1x16xf32>
    tpu.vector_store %arg10[%swap3A_584, %swap3A_585], %swap3A_588 {strides = array<i32>} : memref<16x128xf32, #tpu.memory_space<vmem>>, vector<1x16xf32>,
    %swap3A_589 = arith.constant 12 : i32
    %swap3A_590 = arith.index_cast %swap3A_589 : i32 to index
    %swap3A_591 = arith.constant 16 : index
    %swap3A_592 = tpu.vector_load %arg10[%swap3A_590, %swap3A_591] {strides = array<i32>} : memref<16x128xf32, #tpu.memory_space<vmem>>, vector<1x16xf32>,
    %swap3A_593 = vector.shape_cast %swap3A_592 : vector<1x16xf32> to vector<16xf32>
    %swap3A_594 = vector.shape_cast %broadcast_in_dim3A_7 : vector<16xf32> to vector<1x16xf32>
    tpu.vector_store %arg10[%swap3A_590, %swap3A_591], %swap3A_594 {strides = array<i32>} : memref<16x128xf32, #tpu.memory_space<vmem>>, vector<1x16xf32>,
    %swap3A_595 = arith.constant 12 : i32
    %swap3A_596 = arith.index_cast %swap3A_595 : i32 to index
    %swap3A_597 = arith.constant 32 : index
    %swap3A_598 = tpu.vector_load %arg10[%swap3A_596, %swap3A_597] {strides = array<i32>} : memref<16x128xf32, #tpu.memory_space<vmem>>, vector<1x16xf32>,
    %swap3A_599 = vector.shape_cast %swap3A_598 : vector<1x16xf32> to vector<16xf32>
    %swap3A_600 = vector.shape_cast %broadcast_in_dim3A_7 : vector<16xf32> to vector<1x16xf32>
    tpu.vector_store %arg10[%swap3A_596, %swap3A_597], %swap3A_600 {strides = array<i32>} : memref<16x128xf32, #tpu.memory_space<vmem>>, vector<1x16xf32>,
    %swap3A_601 = arith.constant 12 : i32
    %swap3A_602 = arith.index_cast %swap3A_601 : i32 to index
    %swap3A_603 = arith.constant 48 : index
    %swap3A_604 = tpu.vector_load %arg10[%swap3A_602, %swap3A_603] {strides = array<i32>} : memref<16x128xf32, #tpu.memory_space<vmem>>, vector<1x16xf32>,
    %swap3A_605 = vector.shape_cast %swap3A_604 : vector<1x16xf32> to vector<16xf32>
    %swap3A_606 = vector.shape_cast %broadcast_in_dim3A_7 : vector<16xf32> to vector<1x16xf32>
    tpu.vector_store %arg10[%swap3A_602, %swap3A_603], %swap3A_606 {strides = array<i32>} : memref<16x128xf32, #tpu.memory_space<vmem>>, vector<1x16xf32>,
    %swap3A_607 = arith.constant 12 : i32
    %swap3A_608 = arith.index_cast %swap3A_607 : i32 to index
    %swap3A_609 = arith.constant 64 : index
    %swap3A_610 = tpu.vector_load %arg10[%swap3A_608, %swap3A_609] {strides = array<i32>} : memref<16x128xf32, #tpu.memory_space<vmem>>, vector<1x16xf32>,
    %swap3A_611 = vector.shape_cast %swap3A_610 : vector<1x16xf32> to vector<16xf32>
    %swap3A_612 = vector.shape_cast %broadcast_in_dim3A_7 : vector<16xf32> to vector<1x16xf32>
    tpu.vector_store %arg10[%swap3A_608, %swap3A_609], %swap3A_612 {strides = array<i32>} : memref<16x128xf32, #tpu.memory_space<vmem>>, vector<1x16xf32>,
    %swap3A_613 = arith.constant 12 : i32
    %swap3A_614 = arith.index_cast %swap3A_613 : i32 to index
    %swap3A_615 = arith.constant 80 : index
    %swap3A_616 = tpu.vector_load %arg10[%swap3A_614, %swap3A_615] {strides = array<i32>} : memref<16x128xf32, #tpu.memory_space<vmem>>, vector<1x16xf32>,
    %swap3A_617 = vector.shape_cast %swap3A_616 : vector<1x16xf32> to vector<16xf32>
    %swap3A_618 = vector.shape_cast %broadcast_in_dim3A_7 : vector<16xf32> to vector<1x16xf32>
    tpu.vector_store %arg10[%swap3A_614, %swap3A_615], %swap3A_618 {strides = array<i32>} : memref<16x128xf32, #tpu.memory_space<vmem>>, vector<1x16xf32>,
    %swap3A_619 = arith.constant 12 : i32
    %swap3A_620 = arith.index_cast %swap3A_619 : i32 to index
    %swap3A_621 = arith.constant 96 : index
    %swap3A_622 = tpu.vector_load %arg10[%swap3A_620, %swap3A_621] {strides = array<i32>} : memref<16x128xf32, #tpu.memory_space<vmem>>, vector<1x16xf32>,
    %swap3A_623 = vector.shape_cast %swap3A_622 : vector<1x16xf32> to vector<16xf32>
    %swap3A_624 = vector.shape_cast %broadcast_in_dim3A_7 : vector<16xf32> to vector<1x16xf32>
    tpu.vector_store %arg10[%swap3A_620, %swap3A_621], %swap3A_624 {strides = array<i32>} : memref<16x128xf32, #tpu.memory_space<vmem>>, vector<1x16xf32>,
    %swap3A_625 = arith.constant 12 : i32
    %swap3A_626 = arith.index_cast %swap3A_625 : i32 to index
    %swap3A_627 = arith.constant 112 : index
    %swap3A_628 = tpu.vector_load %arg10[%swap3A_626, %swap3A_627] {strides = array<i32>} : memref<16x128xf32, #tpu.memory_space<vmem>>, vector<1x16xf32>,
    %swap3A_629 = vector.shape_cast %swap3A_628 : vector<1x16xf32> to vector<16xf32>
    %swap3A_630 = vector.shape_cast %broadcast_in_dim3A_7 : vector<16xf32> to vector<1x16xf32>
    tpu.vector_store %arg10[%swap3A_626, %swap3A_627], %swap3A_630 {strides = array<i32>} : memref<16x128xf32, #tpu.memory_space<vmem>>, vector<1x16xf32>,
    %swap3A_631 = arith.constant 13 : i32
    %swap3A_632 = arith.index_cast %swap3A_631 : i32 to index
    %swap3A_633 = arith.constant 0 : index
    %swap3A_634 = tpu.vector_load %arg10[%swap3A_632, %swap3A_633] {strides = array<i32>} : memref<16x128xf32, #tpu.memory_space<vmem>>, vector<1x16xf32>,
    %swap3A_635 = vector.shape_cast %swap3A_634 : vector<1x16xf32> to vector<16xf32>
    %swap3A_636 = vector.shape_cast %broadcast_in_dim3A_7 : vector<16xf32> to vector<1x16xf32>
    tpu.vector_store %arg10[%swap3A_632, %swap3A_633], %swap3A_636 {strides = array<i32>} : memref<16x128xf32, #tpu.memory_space<vmem>>, vector<1x16xf32>,
    %swap3A_637 = arith.constant 13 : i32
    %swap3A_638 = arith.index_cast %swap3A_637 : i32 to index
    %swap3A_639 = arith.constant 16 : index
    %swap3A_640 = tpu.vector_load %arg10[%swap3A_638, %swap3A_639] {strides = array<i32>} : memref<16x128xf32, #tpu.memory_space<vmem>>, vector<1x16xf32>,
    %swap3A_641 = vector.shape_cast %swap3A_640 : vector<1x16xf32> to vector<16xf32>
    %swap3A_642 = vector.shape_cast %broadcast_in_dim3A_7 : vector<16xf32> to vector<1x16xf32>
    tpu.vector_store %arg10[%swap3A_638, %swap3A_639], %swap3A_642 {strides = array<i32>} : memref<16x128xf32, #tpu.memory_space<vmem>>, vector<1x16xf32>,
    %swap3A_643 = arith.constant 13 : i32
    %swap3A_644 = arith.index_cast %swap3A_643 : i32 to index
    %swap3A_645 = arith.constant 32 : index
    %swap3A_646 = tpu.vector_load %arg10[%swap3A_644, %swap3A_645] {strides = array<i32>} : memref<16x128xf32, #tpu.memory_space<vmem>>, vector<1x16xf32>,
    %swap3A_647 = vector.shape_cast %swap3A_646 : vector<1x16xf32> to vector<16xf32>
    %swap3A_648 = vector.shape_cast %broadcast_in_dim3A_7 : vector<16xf32> to vector<1x16xf32>
    tpu.vector_store %arg10[%swap3A_644, %swap3A_645], %swap3A_648 {strides = array<i32>} : memref<16x128xf32, #tpu.memory_space<vmem>>, vector<1x16xf32>,
    %swap3A_649 = arith.constant 13 : i32
    %swap3A_650 = arith.index_cast %swap3A_649 : i32 to index
    %swap3A_651 = arith.constant 48 : index
    %swap3A_652 = tpu.vector_load %arg10[%swap3A_650, %swap3A_651] {strides = array<i32>} : memref<16x128xf32, #tpu.memory_space<vmem>>, vector<1x16xf32>,
    %swap3A_653 = vector.shape_cast %swap3A_652 : vector<1x16xf32> to vector<16xf32>
    %swap3A_654 = vector.shape_cast %broadcast_in_dim3A_7 : vector<16xf32> to vector<1x16xf32>
    tpu.vector_store %arg10[%swap3A_650, %swap3A_651], %swap3A_654 {strides = array<i32>} : memref<16x128xf32, #tpu.memory_space<vmem>>, vector<1x16xf32>,
    %swap3A_655 = arith.constant 13 : i32
    %swap3A_656 = arith.index_cast %swap3A_655 : i32 to index
    %swap3A_657 = arith.constant 64 : index
    %swap3A_658 = tpu.vector_load %arg10[%swap3A_656, %swap3A_657] {strides = array<i32>} : memref<16x128xf32, #tpu.memory_space<vmem>>, vector<1x16xf32>,
    %swap3A_659 = vector.shape_cast %swap3A_658 : vector<1x16xf32> to vector<16xf32>
    %swap3A_660 = vector.shape_cast %broadcast_in_dim3A_7 : vector<16xf32> to vector<1x16xf32>
    tpu.vector_store %arg10[%swap3A_656, %swap3A_657], %swap3A_660 {strides = array<i32>} : memref<16x128xf32, #tpu.memory_space<vmem>>, vector<1x16xf32>,
    %swap3A_661 = arith.constant 13 : i32
    %swap3A_662 = arith.index_cast %swap3A_661 : i32 to index
    %swap3A_663 = arith.constant 80 : index
    %swap3A_664 = tpu.vector_load %arg10[%swap3A_662, %swap3A_663] {strides = array<i32>} : memref<16x128xf32, #tpu.memory_space<vmem>>, vector<1x16xf32>,
    %swap3A_665 = vector.shape_cast %swap3A_664 : vector<1x16xf32> to vector<16xf32>
    %swap3A_666 = vector.shape_cast %broadcast_in_dim3A_7 : vector<16xf32> to vector<1x16xf32>
    tpu.vector_store %arg10[%swap3A_662, %swap3A_663], %swap3A_666 {strides = array<i32>} : memref<16x128xf32, #tpu.memory_space<vmem>>, vector<1x16xf32>,
    %swap3A_667 = arith.constant 13 : i32
    %swap3A_668 = arith.index_cast %swap3A_667 : i32 to index
    %swap3A_669 = arith.constant 96 : index
    %swap3A_670 = tpu.vector_load %arg10[%swap3A_668, %swap3A_669] {strides = array<i32>} : memref<16x128xf32, #tpu.memory_space<vmem>>, vector<1x16xf32>,
    %swap3A_671 = vector.shape_cast %swap3A_670 : vector<1x16xf32> to vector<16xf32>
    %swap3A_672 = vector.shape_cast %broadcast_in_dim3A_7 : vector<16xf32> to vector<1x16xf32>
    tpu.vector_store %arg10[%swap3A_668, %swap3A_669], %swap3A_672 {strides = array<i32>} : memref<16x128xf32, #tpu.memory_space<vmem>>, vector<1x16xf32>,
    %swap3A_673 = arith.constant 13 : i32
    %swap3A_674 = arith.index_cast %swap3A_673 : i32 to index
    %swap3A_675 = arith.constant 112 : index
    %swap3A_676 = tpu.vector_load %arg10[%swap3A_674, %swap3A_675] {strides = array<i32>} : memref<16x128xf32, #tpu.memory_space<vmem>>, vector<1x16xf32>,
    %swap3A_677 = vector.shape_cast %swap3A_676 : vector<1x16xf32> to vector<16xf32>
    %swap3A_678 = vector.shape_cast %broadcast_in_dim3A_7 : vector<16xf32> to vector<1x16xf32>
    tpu.vector_store %arg10[%swap3A_674, %swap3A_675], %swap3A_678 {strides = array<i32>} : memref<16x128xf32, #tpu.memory_space<vmem>>, vector<1x16xf32>,
    %swap3A_679 = arith.constant 14 : i32
    %swap3A_680 = arith.index_cast %swap3A_679 : i32 to index
    %swap3A_681 = arith.constant 0 : index
    %swap3A_682 = tpu.vector_load %arg10[%swap3A_680, %swap3A_681] {strides = array<i32>} : memref<16x128xf32, #tpu.memory_space<vmem>>, vector<1x16xf32>,
    %swap3A_683 = vector.shape_cast %swap3A_682 : vector<1x16xf32> to vector<16xf32>
    %swap3A_684 = vector.shape_cast %broadcast_in_dim3A_7 : vector<16xf32> to vector<1x16xf32>
    tpu.vector_store %arg10[%swap3A_680, %swap3A_681], %swap3A_684 {strides = array<i32>} : memref<16x128xf32, #tpu.memory_space<vmem>>, vector<1x16xf32>,
    %swap3A_685 = arith.constant 14 : i32
    %swap3A_686 = arith.index_cast %swap3A_685 : i32 to index
    %swap3A_687 = arith.constant 16 : index
    %swap3A_688 = tpu.vector_load %arg10[%swap3A_686, %swap3A_687] {strides = array<i32>} : memref<16x128xf32, #tpu.memory_space<vmem>>, vector<1x16xf32>,
    %swap3A_689 = vector.shape_cast %swap3A_688 : vector<1x16xf32> to vector<16xf32>
    %swap3A_690 = vector.shape_cast %broadcast_in_dim3A_7 : vector<16xf32> to vector<1x16xf32>
    tpu.vector_store %arg10[%swap3A_686, %swap3A_687], %swap3A_690 {strides = array<i32>} : memref<16x128xf32, #tpu.memory_space<vmem>>, vector<1x16xf32>,
    %swap3A_691 = arith.constant 14 : i32
    %swap3A_692 = arith.index_cast %swap3A_691 : i32 to index
    %swap3A_693 = arith.constant 32 : index
    %swap3A_694 = tpu.vector_load %arg10[%swap3A_692, %swap3A_693] {strides = array<i32>} : memref<16x128xf32, #tpu.memory_space<vmem>>, vector<1x16xf32>,
    %swap3A_695 = vector.shape_cast %swap3A_694 : vector<1x16xf32> to vector<16xf32>
    %swap3A_696 = vector.shape_cast %broadcast_in_dim3A_7 : vector<16xf32> to vector<1x16xf32>
    tpu.vector_store %arg10[%swap3A_692, %swap3A_693], %swap3A_696 {strides = array<i32>} : memref<16x128xf32, #tpu.memory_space<vmem>>, vector<1x16xf32>,
    %swap3A_697 = arith.constant 14 : i32
    %swap3A_698 = arith.index_cast %swap3A_697 : i32 to index
    %swap3A_699 = arith.constant 48 : index
    %swap3A_700 = tpu.vector_load %arg10[%swap3A_698, %swap3A_699] {strides = array<i32>} : memref<16x128xf32, #tpu.memory_space<vmem>>, vector<1x16xf32>,
    %swap3A_701 = vector.shape_cast %swap3A_700 : vector<1x16xf32> to vector<16xf32>
    %swap3A_702 = vector.shape_cast %broadcast_in_dim3A_7 : vector<16xf32> to vector<1x16xf32>
    tpu.vector_store %arg10[%swap3A_698, %swap3A_699], %swap3A_702 {strides = array<i32>} : memref<16x128xf32, #tpu.memory_space<vmem>>, vector<1x16xf32>,
    %swap3A_703 = arith.constant 14 : i32
    %swap3A_704 = arith.index_cast %swap3A_703 : i32 to index
    %swap3A_705 = arith.constant 64 : index
    %swap3A_706 = tpu.vector_load %arg10[%swap3A_704, %swap3A_705] {strides = array<i32>} : memref<16x128xf32, #tpu.memory_space<vmem>>, vector<1x16xf32>,
    %swap3A_707 = vector.shape_cast %swap3A_706 : vector<1x16xf32> to vector<16xf32>
    %swap3A_708 = vector.shape_cast %broadcast_in_dim3A_7 : vector<16xf32> to vector<1x16xf32>
    tpu.vector_store %arg10[%swap3A_704, %swap3A_705], %swap3A_708 {strides = array<i32>} : memref<16x128xf32, #tpu.memory_space<vmem>>, vector<1x16xf32>,
    %swap3A_709 = arith.constant 14 : i32
    %swap3A_710 = arith.index_cast %swap3A_709 : i32 to index
    %swap3A_711 = arith.constant 80 : index
    %swap3A_712 = tpu.vector_load %arg10[%swap3A_710, %swap3A_711] {strides = array<i32>} : memref<16x128xf32, #tpu.memory_space<vmem>>, vector<1x16xf32>,
    %swap3A_713 = vector.shape_cast %swap3A_712 : vector<1x16xf32> to vector<16xf32>
    %swap3A_714 = vector.shape_cast %broadcast_in_dim3A_7 : vector<16xf32> to vector<1x16xf32>
    tpu.vector_store %arg10[%swap3A_710, %swap3A_711], %swap3A_714 {strides = array<i32>} : memref<16x128xf32, #tpu.memory_space<vmem>>, vector<1x16xf32>,
    %swap3A_715 = arith.constant 14 : i32
    %swap3A_716 = arith.index_cast %swap3A_715 : i32 to index
    %swap3A_717 = arith.constant 96 : index
    %swap3A_718 = tpu.vector_load %arg10[%swap3A_716, %swap3A_717] {strides = array<i32>} : memref<16x128xf32, #tpu.memory_space<vmem>>, vector<1x16xf32>,
    %swap3A_719 = vector.shape_cast %swap3A_718 : vector<1x16xf32> to vector<16xf32>
    %swap3A_720 = vector.shape_cast %broadcast_in_dim3A_7 : vector<16xf32> to vector<1x16xf32>
    tpu.vector_store %arg10[%swap3A_716, %swap3A_717], %swap3A_720 {strides = array<i32>} : memref<16x128xf32, #tpu.memory_space<vmem>>, vector<1x16xf32>,
    %swap3A_721 = arith.constant 14 : i32
    %swap3A_722 = arith.index_cast %swap3A_721 : i32 to index
    %swap3A_723 = arith.constant 112 : index
    %swap3A_724 = tpu.vector_load %arg10[%swap3A_722, %swap3A_723] {strides = array<i32>} : memref<16x128xf32, #tpu.memory_space<vmem>>, vector<1x16xf32>,
    %swap3A_725 = vector.shape_cast %swap3A_724 : vector<1x16xf32> to vector<16xf32>
    %swap3A_726 = vector.shape_cast %broadcast_in_dim3A_7 : vector<16xf32> to vector<1x16xf32>
    tpu.vector_store %arg10[%swap3A_722, %swap3A_723], %swap3A_726 {strides = array<i32>} : memref<16x128xf32, #tpu.memory_space<vmem>>, vector<1x16xf32>,
    %swap3A_727 = arith.constant 15 : i32
    %swap3A_728 = arith.index_cast %swap3A_727 : i32 to index
    %swap3A_729 = arith.constant 0 : index
    %swap3A_730 = tpu.vector_load %arg10[%swap3A_728, %swap3A_729] {strides = array<i32>} : memref<16x128xf32, #tpu.memory_space<vmem>>, vector<1x16xf32>,
    %swap3A_731 = vector.shape_cast %swap3A_730 : vector<1x16xf32> to vector<16xf32>
    %swap3A_732 = vector.shape_cast %broadcast_in_dim3A_7 : vector<16xf32> to vector<1x16xf32>
    tpu.vector_store %arg10[%swap3A_728, %swap3A_729], %swap3A_732 {strides = array<i32>} : memref<16x128xf32, #tpu.memory_space<vmem>>, vector<1x16xf32>,
    %swap3A_733 = arith.constant 15 : i32
    %swap3A_734 = arith.index_cast %swap3A_733 : i32 to index
    %swap3A_735 = arith.constant 16 : index
    %swap3A_736 = tpu.vector_load %arg10[%swap3A_734, %swap3A_735] {strides = array<i32>} : memref<16x128xf32, #tpu.memory_space<vmem>>, vector<1x16xf32>,
    %swap3A_737 = vector.shape_cast %swap3A_736 : vector<1x16xf32> to vector<16xf32>
    %swap3A_738 = vector.shape_cast %broadcast_in_dim3A_7 : vector<16xf32> to vector<1x16xf32>
    tpu.vector_store %arg10[%swap3A_734, %swap3A_735], %swap3A_738 {strides = array<i32>} : memref<16x128xf32, #tpu.memory_space<vmem>>, vector<1x16xf32>,
    %swap3A_739 = arith.constant 15 : i32
    %swap3A_740 = arith.index_cast %swap3A_739 : i32 to index
    %swap3A_741 = arith.constant 32 : index
    %swap3A_742 = tpu.vector_load %arg10[%swap3A_740, %swap3A_741] {strides = array<i32>} : memref<16x128xf32, #tpu.memory_space<vmem>>, vector<1x16xf32>,
    %swap3A_743 = vector.shape_cast %swap3A_742 : vector<1x16xf32> to vector<16xf32>
    %swap3A_744 = vector.shape_cast %broadcast_in_dim3A_7 : vector<16xf32> to vector<1x16xf32>
    tpu.vector_store %arg10[%swap3A_740, %swap3A_741], %swap3A_744 {strides = array<i32>} : memref<16x128xf32, #tpu.memory_space<vmem>>, vector<1x16xf32>,
    %swap3A_745 = arith.constant 15 : i32
    %swap3A_746 = arith.index_cast %swap3A_745 : i32 to index
    %swap3A_747 = arith.constant 48 : index
    %swap3A_748 = tpu.vector_load %arg10[%swap3A_746, %swap3A_747] {strides = array<i32>} : memref<16x128xf32, #tpu.memory_space<vmem>>, vector<1x16xf32>,
    %swap3A_749 = vector.shape_cast %swap3A_748 : vector<1x16xf32> to vector<16xf32>
    %swap3A_750 = vector.shape_cast %broadcast_in_dim3A_7 : vector<16xf32> to vector<1x16xf32>
    tpu.vector_store %arg10[%swap3A_746, %swap3A_747], %swap3A_750 {strides = array<i32>} : memref<16x128xf32, #tpu.memory_space<vmem>>, vector<1x16xf32>,
    %swap3A_751 = arith.constant 15 : i32
    %swap3A_752 = arith.index_cast %swap3A_751 : i32 to index
    %swap3A_753 = arith.constant 64 : index
    %swap3A_754 = tpu.vector_load %arg10[%swap3A_752, %swap3A_753] {strides = array<i32>} : memref<16x128xf32, #tpu.memory_space<vmem>>, vector<1x16xf32>,
    %swap3A_755 = vector.shape_cast %swap3A_754 : vector<1x16xf32> to vector<16xf32>
    %swap3A_756 = vector.shape_cast %broadcast_in_dim3A_7 : vector<16xf32> to vector<1x16xf32>
    tpu.vector_store %arg10[%swap3A_752, %swap3A_753], %swap3A_756 {strides = array<i32>} : memref<16x128xf32, #tpu.memory_space<vmem>>, vector<1x16xf32>,
    %swap3A_757 = arith.constant 15 : i32
    %swap3A_758 = arith.index_cast %swap3A_757 : i32 to index
    %swap3A_759 = arith.constant 80 : index
    %swap3A_760 = tpu.vector_load %arg10[%swap3A_758, %swap3A_759] {strides = array<i32>} : memref<16x128xf32, #tpu.memory_space<vmem>>, vector<1x16xf32>,
    %swap3A_761 = vector.shape_cast %swap3A_760 : vector<1x16xf32> to vector<16xf32>
    %swap3A_762 = vector.shape_cast %broadcast_in_dim3A_7 : vector<16xf32> to vector<1x16xf32>
    tpu.vector_store %arg10[%swap3A_758, %swap3A_759], %swap3A_762 {strides = array<i32>} : memref<16x128xf32, #tpu.memory_space<vmem>>, vector<1x16xf32>,
    %swap3A_763 = arith.constant 15 : i32
    %swap3A_764 = arith.index_cast %swap3A_763 : i32 to index
    %swap3A_765 = arith.constant 96 : index
    %swap3A_766 = tpu.vector_load %arg10[%swap3A_764, %swap3A_765] {strides = array<i32>} : memref<16x128xf32, #tpu.memory_space<vmem>>, vector<1x16xf32>,
    %swap3A_767 = vector.shape_cast %swap3A_766 : vector<1x16xf32> to vector<16xf32>
    %swap3A_768 = vector.shape_cast %broadcast_in_dim3A_7 : vector<16xf32> to vector<1x16xf32>
    tpu.vector_store %arg10[%swap3A_764, %swap3A_765], %swap3A_768 {strides = array<i32>} : memref<16x128xf32, #tpu.memory_space<vmem>>, vector<1x16xf32>,
    %swap3A_769 = arith.constant 15 : i32
    %swap3A_770 = arith.index_cast %swap3A_769 : i32 to index
    %swap3A_771 = arith.constant 112 : index
    %swap3A_772 = tpu.vector_load %arg10[%swap3A_770, %swap3A_771] {strides = array<i32>} : memref<16x128xf32, #tpu.memory_space<vmem>>, vector<1x16xf32>,
    %swap3A_773 = vector.shape_cast %swap3A_772 : vector<1x16xf32> to vector<16xf32>
    %swap3A_774 = vector.shape_cast %broadcast_in_dim3A_7 : vector<16xf32> to vector<1x16xf32>
    tpu.vector_store %arg10[%swap3A_770, %swap3A_771], %swap3A_774 {strides = array<i32>} : memref<16x128xf32, #tpu.memory_space<vmem>>, vector<1x16xf32>,
    %scan3A = arith.constant 0 : i32
    %scan3A_775 = arith.constant 0 : i32
    %scan3A_776 = arith.constant 20 : i32
    %scan3A_777 = arith.addi %scan3A_775, %scan3A_776 : i32
    %scan3A_778 = arith.constant 1 : i32
    scf.for %scan3A_874 = %scan3A_775 to %scan3A_777 step %scan3A_778  : i32 {
      %mul3A_875 = arith.constant 16 : i32
      %mul3A_876 = arith.muli %scan3A_874, %mul3A_875 : i32
      %add3A_877 = arith.addi %mul3A_2, %mul3A_876 : i32
      "tpu.region"() ({
        %run_scoped3A = tpu.sem_alloc : memref<!tpu.dma_semaphore, #tpu.memory_space<semaphore_mem>>
        %dma_start3A_878 = arith.constant 0 : i32
        %dma_start3A_879 = tpu.memref_slice %arg11[%add3A_877, %dma_start3A_878] : memref<5120x128xf32, #tpu.memory_space<vmem_shared>> -> memref<16x128xf32, #tpu.memory_space<vmem_shared>>
        %dma_start3A_880 = arith.constant 0 : i32
        %dma_start3A_881 = tpu.memref_slice %arg11[%add3A_877, %dma_start3A_880] : memref<5120x128xf32, #tpu.memory_space<vmem_shared>> -> memref<16x128xf32, #tpu.memory_space<vmem_shared>>
        tpu.enqueue_dma source(%arg10 : memref<16x128xf32, #tpu.memory_space<vmem>>) target(%dma_start3A_881 : memref<16x128xf32, #tpu.memory_space<vmem_shared>>) target_semaphore(%run_scoped3A : memref<!tpu.dma_semaphore, #tpu.memory_space<semaphore_mem>>)
        %dma_wait3A_882 = arith.constant 0 : i32
        %dma_wait3A_883 = tpu.memref_slice %arg11[%add3A_877, %dma_wait3A_882] : memref<5120x128xf32, #tpu.memory_space<vmem_shared>> -> memref<16x128xf32, #tpu.memory_space<vmem_shared>>
        %dma_wait3A_884 = arith.constant 0 : i32
        %dma_wait3A_885 = tpu.memref_slice %arg11[%add3A_877, %dma_wait3A_884] : memref<5120x128xf32, #tpu.memory_space<vmem_shared>> -> memref<16x128xf32, #tpu.memory_space<vmem_shared>>
        tpu.wait_dma2 semaphore(%run_scoped3A : memref<!tpu.dma_semaphore, #tpu.memory_space<semaphore_mem>>) src(%arg10 : memref<16x128xf32, #tpu.memory_space<vmem>>) dst(%dma_wait3A_885 : memref<16x128xf32, #tpu.memory_space<vmem_shared>>)
        tpu.yield
      }) : () -> ()
    }
    %scan3A_779 = arith.constant 20 : i32
    %iota3A = tpu.iota {dimensions = array<i32: 0>} : vector<16xi32>
    %broadcast_in_dim3A_780 = arith.constant -1 : i32
    %broadcast_in_dim3A_781 = vector.broadcast %broadcast_in_dim3A_780 : i32 to vector<16xi32>
    %scan3A_782 = arith.constant 0 : i32
    %scan3A_783 = arith.constant 0 : i32
    %scan3A_784 = arith.constant 80 : i32
    %scan3A_785 = arith.addi %scan3A_783, %scan3A_784 : i32
    %scan3A_786 = arith.constant 1 : i32
    scf.for %scan3A_874 = %scan3A_783 to %scan3A_785 step %scan3A_786  : i32 {
      %jit3A = arith.constant 4 : i32
      %div3A = arith.divsi %scan3A_874, %jit3A : i32
      %sign3A = arith.constant 0 : i32
      %sign3A_875 = arith.cmpi sgt, %scan3A_874, %sign3A : i32
      %sign3A_876 = arith.extui %sign3A_875 : i1 to i32
      %sign3A_877 = arith.constant 0 : i32
      %sign3A_878 = arith.cmpi slt, %scan3A_874, %sign3A_877 : i32
      %sign3A_879 = arith.extui %sign3A_878 : i1 to i32
      %sign3A_880 = arith.subi %sign3A_876, %sign3A_879 : i32
      %sign3A_881 = arith.constant 0 : i32
      %sign3A_882 = arith.cmpi sgt, %jit3A, %sign3A_881 : i32
      %sign3A_883 = arith.extui %sign3A_882 : i1 to i32
      %sign3A_884 = arith.constant 0 : i32
      %sign3A_885 = arith.cmpi slt, %jit3A, %sign3A_884 : i32
      %sign3A_886 = arith.extui %sign3A_885 : i1 to i32
      %sign3A_887 = arith.subi %sign3A_883, %sign3A_886 : i32
      %ne3A = arith.cmpi ne, %sign3A_880, %sign3A_887 : i32
      %rem3A = arith.remsi %scan3A_874, %jit3A : i32
      %ne3A_888 = arith.constant 0 : i32
      %ne3A_889 = arith.cmpi ne, %rem3A, %ne3A_888 : i32
      %and3A = arith.andi %ne3A, %ne3A_889 : i1
      %sub3A = arith.constant 1 : i32
      %sub3A_890 = arith.subi %div3A, %sub3A : i32
      %select_n3A = arith.select %and3A, %sub3A_890, %div3A : i32
      %mul3A_891 = arith.constant 16 : i32
      %mul3A_892 = arith.muli %select_n3A, %mul3A_891 : i32
      %get3A = arith.index_cast %mul3A_892 : i32 to index
      %get3A_893 = tpu.vector_load %arg8[%get3A] {strides = array<i32>} : memref<320xi32, #tpu.memory_space<vmem>>, vector<16xi32>,
      %get3A_894 = vector.shape_cast %get3A_893 : vector<16xi32> to vector<16xi32>
      %mul3A_895 = arith.constant 4 : i32
      %mul3A_896 = arith.muli %mul3A_895, %scan3A_874 : i32
      %add3A_897 = arith.constant 0 : i32
      %add3A_898 = arith.addi %mul3A_896, %add3A_897 : i32
      %jit3A_899 = arith.constant 4 : i32
      %eq3A = arith.constant 0 : i32
      %eq3A_900 = arith.cmpi eq, %jit3A_899, %eq3A : i32
      %jit3A_901 = arith.constant 1 : i32
      %select_n3A_902 = arith.select %eq3A_900, %jit3A_901, %jit3A_899 : i32
      %rem3A_903 = arith.remsi %scan3A_874, %select_n3A_902 : i32
      %ne3A_904 = arith.constant 0 : i32
      %ne3A_905 = arith.cmpi ne, %rem3A_903, %ne3A_904 : i32
      %lt3A = arith.constant 0 : i32
      %lt3A_906 = arith.cmpi slt, %rem3A_903, %lt3A : i32
      %lt3A_907 = arith.constant 0 : i32
      %lt3A_908 = arith.cmpi slt, %select_n3A_902, %lt3A_907 : i32
      %ne3A_909 = arith.xori %lt3A_906, %lt3A_908 : i1
      %and3A_910 = arith.andi %ne3A_909, %ne3A_905 : i1
      %add3A_911 = arith.addi %rem3A_903, %select_n3A_902 : i32
      %select_n3A_912 = arith.select %and3A_910, %add3A_911, %rem3A_903 : i32
      %mul3A_913 = arith.constant 4 : i32
      %mul3A_914 = arith.muli %mul3A_913, %select_n3A_912 : i32
      %add3A_915 = arith.constant 0 : i32
      %add3A_916 = arith.addi %mul3A_914, %add3A_915 : i32
      %broadcast_in_dim3A_917 = vector.broadcast %add3A_916 : i32 to vector<16xi32>
      %lt3A_918 = arith.constant 0 : i32
      %lt3A_919 = vector.broadcast %lt3A_918 : i32 to vector<16xi32>
      %lt3A_920 = arith.cmpi slt, %broadcast_in_dim3A_917, %lt3A_919 : vector<16xi32>
      %add3A_921 = arith.constant 16 : i32
      %add3A_922 = vector.broadcast %add3A_921 : i32 to vector<16xi32>
      %add3A_923 = arith.addi %broadcast_in_dim3A_917, %add3A_922 : vector<16xi32>
      %select_n3A_924 = arith.select %lt3A_920, %add3A_923, %broadcast_in_dim3A_917 : vector<16xi1>, vector<16xi32>
      %broadcast_in_dim3A_925 = vector.shape_cast %select_n3A_924 : vector<16xi32> to vector<16x1xi32>
      %gather3A = vector.shape_cast %broadcast_in_dim3A_925 : vector<16x1xi32> to vector<16xi32>
      %gather3A_926 = tpu.dynamic_gather %get3A_894[%gather3A] in [0] : vector<16xi32>, vector<16xi32> -> vector<16xi32>
      %add3A_927 = arith.constant 0 : i32
      %add3A_928 = vector.broadcast %add3A_927 : i32 to vector<16xi32>
      %add3A_929 = arith.addi %iota3A, %add3A_928 : vector<16xi32>
      %lt3A_930 = arith.cmpi slt, %add3A_929, %gather3A_926 : vector<16xi32>
      %get3A_931 = arith.index_cast %scan3A_874 : i32 to index
      %get3A_932 = arith.constant 0 : index
      %get3A_933 = tpu.vector_load %arg6[%get3A_931, %get3A_932] {strides = array<i32>} : memref<80x128xi32, #tpu.memory_space<vmem>>, vector<1x16xi32>,
      %get3A_934 = vector.shape_cast %get3A_933 : vector<1x16xi32> to vector<16xi32>
      %select_n3A_935 = arith.select %lt3A_930, %get3A_934, %broadcast_in_dim3A_781 : vector<16xi1>, vector<16xi32>
      %swap3A_936 = arith.index_cast %scan3A_874 : i32 to index
      %swap3A_937 = arith.constant 0 : index
      %swap3A_938 = tpu.vector_load %arg6[%swap3A_936, %swap3A_937] {strides = array<i32>} : memref<80x128xi32, #tpu.memory_space<vmem>>, vector<1x16xi32>,
      %swap3A_939 = vector.shape_cast %swap3A_938 : vector<1x16xi32> to vector<16xi32>
      %swap3A_940 = vector.shape_cast %select_n3A_935 : vector<16xi32> to vector<1x16xi32>
      tpu.vector_store %arg6[%swap3A_936, %swap3A_937], %swap3A_940 {strides = array<i32>} : memref<80x128xi32, #tpu.memory_space<vmem>>, vector<1x16xi32>,
      %add3A_941 = arith.addi %mul3A_2, %add3A_898 : i32
      %broadcast_in_dim3A_942 = vector.broadcast %add3A_941 : i32 to vector<16xi32>
      %select_n3A_943 = arith.select %lt3A_930, %broadcast_in_dim3A_942, %broadcast_in_dim3A_781 : vector<16xi1>, vector<16xi32>
      %swap3A_944 = arith.index_cast %scan3A_874 : i32 to index
      %swap3A_945 = arith.constant 0 : index
      %swap3A_946 = tpu.vector_load %arg7[%swap3A_944, %swap3A_945] {strides = array<i32>} : memref<80x128xi32, #tpu.memory_space<vmem>>, vector<1x16xi32>,
      %swap3A_947 = vector.shape_cast %swap3A_946 : vector<1x16xi32> to vector<16xi32>
      %swap3A_948 = vector.shape_cast %select_n3A_943 : vector<16xi32> to vector<1x16xi32>
      tpu.vector_store %arg7[%swap3A_944, %swap3A_945], %swap3A_948 {strides = array<i32>} : memref<80x128xi32, #tpu.memory_space<vmem>>, vector<1x16xi32>,
      %mul3A_949 = arith.constant 4 : i32
      %mul3A_950 = arith.muli %mul3A_949, %scan3A_874 : i32
      %add3A_951 = arith.constant 0 : i32
      %add3A_952 = arith.addi %mul3A_950, %add3A_951 : i32
      %jit3A_953 = arith.constant 4 : i32
      %eq3A_954 = arith.constant 0 : i32
      %eq3A_955 = arith.cmpi eq, %jit3A_953, %eq3A_954 : i32
      %jit3A_956 = arith.constant 1 : i32
      %select_n3A_957 = arith.select %eq3A_955, %jit3A_956, %jit3A_953 : i32
      %rem3A_958 = arith.remsi %scan3A_874, %select_n3A_957 : i32
      %ne3A_959 = arith.constant 0 : i32
      %ne3A_960 = arith.cmpi ne, %rem3A_958, %ne3A_959 : i32
      %lt3A_961 = arith.constant 0 : i32
      %lt3A_962 = arith.cmpi slt, %rem3A_958, %lt3A_961 : i32
      %lt3A_963 = arith.constant 0 : i32
      %lt3A_964 = arith.cmpi slt, %select_n3A_957, %lt3A_963 : i32
      %ne3A_965 = arith.xori %lt3A_962, %lt3A_964 : i1
      %and3A_966 = arith.andi %ne3A_965, %ne3A_960 : i1
      %add3A_967 = arith.addi %rem3A_958, %select_n3A_957 : i32
      %select_n3A_968 = arith.select %and3A_966, %add3A_967, %rem3A_958 : i32
      %mul3A_969 = arith.constant 4 : i32
      %mul3A_970 = arith.muli %mul3A_969, %select_n3A_968 : i32
      %add3A_971 = arith.constant 0 : i32
      %add3A_972 = arith.addi %mul3A_970, %add3A_971 : i32
      %broadcast_in_dim3A_973 = vector.broadcast %add3A_972 : i32 to vector<16xi32>
      %lt3A_974 = arith.constant 0 : i32
      %lt3A_975 = vector.broadcast %lt3A_974 : i32 to vector<16xi32>
      %lt3A_976 = arith.cmpi slt, %broadcast_in_dim3A_973, %lt3A_975 : vector<16xi32>
      %add3A_977 = arith.constant 16 : i32
      %add3A_978 = vector.broadcast %add3A_977 : i32 to vector<16xi32>
      %add3A_979 = arith.addi %broadcast_in_dim3A_973, %add3A_978 : vector<16xi32>
      %select_n3A_980 = arith.select %lt3A_976, %add3A_979, %broadcast_in_dim3A_973 : vector<16xi1>, vector<16xi32>
      %broadcast_in_dim3A_981 = vector.shape_cast %select_n3A_980 : vector<16xi32> to vector<16x1xi32>
      %gather3A_982 = vector.shape_cast %broadcast_in_dim3A_981 : vector<16x1xi32> to vector<16xi32>
      %gather3A_983 = tpu.dynamic_gather %get3A_894[%gather3A_982] in [0] : vector<16xi32>, vector<16xi32> -> vector<16xi32>
      %add3A_984 = arith.constant 16 : i32
      %add3A_985 = vector.broadcast %add3A_984 : i32 to vector<16xi32>
      %add3A_986 = arith.addi %iota3A, %add3A_985 : vector<16xi32>
      %lt3A_987 = arith.cmpi slt, %add3A_986, %gather3A_983 : vector<16xi32>
      %get3A_988 = arith.index_cast %scan3A_874 : i32 to index
      %get3A_989 = arith.constant 16 : index
      %get3A_990 = tpu.vector_load %arg6[%get3A_988, %get3A_989] {strides = array<i32>} : memref<80x128xi32, #tpu.memory_space<vmem>>, vector<1x16xi32>,
      %get3A_991 = vector.shape_cast %get3A_990 : vector<1x16xi32> to vector<16xi32>
      %select_n3A_992 = arith.select %lt3A_987, %get3A_991, %broadcast_in_dim3A_781 : vector<16xi1>, vector<16xi32>
      %swap3A_993 = arith.index_cast %scan3A_874 : i32 to index
      %swap3A_994 = arith.constant 16 : index
      %swap3A_995 = tpu.vector_load %arg6[%swap3A_993, %swap3A_994] {strides = array<i32>} : memref<80x128xi32, #tpu.memory_space<vmem>>, vector<1x16xi32>,
      %swap3A_996 = vector.shape_cast %swap3A_995 : vector<1x16xi32> to vector<16xi32>
      %swap3A_997 = vector.shape_cast %select_n3A_992 : vector<16xi32> to vector<1x16xi32>
      tpu.vector_store %arg6[%swap3A_993, %swap3A_994], %swap3A_997 {strides = array<i32>} : memref<80x128xi32, #tpu.memory_space<vmem>>, vector<1x16xi32>,
      %add3A_998 = arith.addi %mul3A_2, %add3A_952 : i32
      %broadcast_in_dim3A_999 = vector.broadcast %add3A_998 : i32 to vector<16xi32>
      %select_n3A_1000 = arith.select %lt3A_987, %broadcast_in_dim3A_999, %broadcast_in_dim3A_781 : vector<16xi1>, vector<16xi32>
      %swap3A_1001 = arith.index_cast %scan3A_874 : i32 to index
      %swap3A_1002 = arith.constant 16 : index
      %swap3A_1003 = tpu.vector_load %arg7[%swap3A_1001, %swap3A_1002] {strides = array<i32>} : memref<80x128xi32, #tpu.memory_space<vmem>>, vector<1x16xi32>,
      %swap3A_1004 = vector.shape_cast %swap3A_1003 : vector<1x16xi32> to vector<16xi32>
      %swap3A_1005 = vector.shape_cast %select_n3A_1000 : vector<16xi32> to vector<1x16xi32>
      tpu.vector_store %arg7[%swap3A_1001, %swap3A_1002], %swap3A_1005 {strides = array<i32>} : memref<80x128xi32, #tpu.memory_space<vmem>>, vector<1x16xi32>,
      %mul3A_1006 = arith.constant 4 : i32
      %mul3A_1007 = arith.muli %mul3A_1006, %scan3A_874 : i32
      %add3A_1008 = arith.constant 1 : i32
      %add3A_1009 = arith.addi %mul3A_1007, %add3A_1008 : i32
      %jit3A_1010 = arith.constant 4 : i32
      %eq3A_1011 = arith.constant 0 : i32
      %eq3A_1012 = arith.cmpi eq, %jit3A_1010, %eq3A_1011 : i32
      %jit3A_1013 = arith.constant 1 : i32
      %select_n3A_1014 = arith.select %eq3A_1012, %jit3A_1013, %jit3A_1010 : i32
      %rem3A_1015 = arith.remsi %scan3A_874, %select_n3A_1014 : i32
      %ne3A_1016 = arith.constant 0 : i32
      %ne3A_1017 = arith.cmpi ne, %rem3A_1015, %ne3A_1016 : i32
      %lt3A_1018 = arith.constant 0 : i32
      %lt3A_1019 = arith.cmpi slt, %rem3A_1015, %lt3A_1018 : i32
      %lt3A_1020 = arith.constant 0 : i32
      %lt3A_1021 = arith.cmpi slt, %select_n3A_1014, %lt3A_1020 : i32
      %ne3A_1022 = arith.xori %lt3A_1019, %lt3A_1021 : i1
      %and3A_1023 = arith.andi %ne3A_1022, %ne3A_1017 : i1
      %add3A_1024 = arith.addi %rem3A_1015, %select_n3A_1014 : i32
      %select_n3A_1025 = arith.select %and3A_1023, %add3A_1024, %rem3A_1015 : i32
      %mul3A_1026 = arith.constant 4 : i32
      %mul3A_1027 = arith.muli %mul3A_1026, %select_n3A_1025 : i32
      %add3A_1028 = arith.constant 1 : i32
      %add3A_1029 = arith.addi %mul3A_1027, %add3A_1028 : i32
      %broadcast_in_dim3A_1030 = vector.broadcast %add3A_1029 : i32 to vector<16xi32>
      %lt3A_1031 = arith.constant 0 : i32
      %lt3A_1032 = vector.broadcast %lt3A_1031 : i32 to vector<16xi32>
      %lt3A_1033 = arith.cmpi slt, %broadcast_in_dim3A_1030, %lt3A_1032 : vector<16xi32>
      %add3A_1034 = arith.constant 16 : i32
      %add3A_1035 = vector.broadcast %add3A_1034 : i32 to vector<16xi32>
      %add3A_1036 = arith.addi %broadcast_in_dim3A_1030, %add3A_1035 : vector<16xi32>
      %select_n3A_1037 = arith.select %lt3A_1033, %add3A_1036, %broadcast_in_dim3A_1030 : vector<16xi1>, vector<16xi32>
      %broadcast_in_dim3A_1038 = vector.shape_cast %select_n3A_1037 : vector<16xi32> to vector<16x1xi32>
      %gather3A_1039 = vector.shape_cast %broadcast_in_dim3A_1038 : vector<16x1xi32> to vector<16xi32>
      %gather3A_1040 = tpu.dynamic_gather %get3A_894[%gather3A_1039] in [0] : vector<16xi32>, vector<16xi32> -> vector<16xi32>
      %add3A_1041 = arith.constant 0 : i32
      %add3A_1042 = vector.broadcast %add3A_1041 : i32 to vector<16xi32>
      %add3A_1043 = arith.addi %iota3A, %add3A_1042 : vector<16xi32>
      %lt3A_1044 = arith.cmpi slt, %add3A_1043, %gather3A_1040 : vector<16xi32>
      %get3A_1045 = arith.index_cast %scan3A_874 : i32 to index
      %get3A_1046 = arith.constant 32 : index
      %get3A_1047 = tpu.vector_load %arg6[%get3A_1045, %get3A_1046] {strides = array<i32>} : memref<80x128xi32, #tpu.memory_space<vmem>>, vector<1x16xi32>,
      %get3A_1048 = vector.shape_cast %get3A_1047 : vector<1x16xi32> to vector<16xi32>
      %select_n3A_1049 = arith.select %lt3A_1044, %get3A_1048, %broadcast_in_dim3A_781 : vector<16xi1>, vector<16xi32>
      %swap3A_1050 = arith.index_cast %scan3A_874 : i32 to index
      %swap3A_1051 = arith.constant 32 : index
      %swap3A_1052 = tpu.vector_load %arg6[%swap3A_1050, %swap3A_1051] {strides = array<i32>} : memref<80x128xi32, #tpu.memory_space<vmem>>, vector<1x16xi32>,
      %swap3A_1053 = vector.shape_cast %swap3A_1052 : vector<1x16xi32> to vector<16xi32>
      %swap3A_1054 = vector.shape_cast %select_n3A_1049 : vector<16xi32> to vector<1x16xi32>
      tpu.vector_store %arg6[%swap3A_1050, %swap3A_1051], %swap3A_1054 {strides = array<i32>} : memref<80x128xi32, #tpu.memory_space<vmem>>, vector<1x16xi32>,
      %add3A_1055 = arith.addi %mul3A_2, %add3A_1009 : i32
      %broadcast_in_dim3A_1056 = vector.broadcast %add3A_1055 : i32 to vector<16xi32>
      %select_n3A_1057 = arith.select %lt3A_1044, %broadcast_in_dim3A_1056, %broadcast_in_dim3A_781 : vector<16xi1>, vector<16xi32>
      %swap3A_1058 = arith.index_cast %scan3A_874 : i32 to index
      %swap3A_1059 = arith.constant 32 : index
      %swap3A_1060 = tpu.vector_load %arg7[%swap3A_1058, %swap3A_1059] {strides = array<i32>} : memref<80x128xi32, #tpu.memory_space<vmem>>, vector<1x16xi32>,
      %swap3A_1061 = vector.shape_cast %swap3A_1060 : vector<1x16xi32> to vector<16xi32>
      %swap3A_1062 = vector.shape_cast %select_n3A_1057 : vector<16xi32> to vector<1x16xi32>
      tpu.vector_store %arg7[%swap3A_1058, %swap3A_1059], %swap3A_1062 {strides = array<i32>} : memref<80x128xi32, #tpu.memory_space<vmem>>, vector<1x16xi32>,
      %mul3A_1063 = arith.constant 4 : i32
      %mul3A_1064 = arith.muli %mul3A_1063, %scan3A_874 : i32
      %add3A_1065 = arith.constant 1 : i32
      %add3A_1066 = arith.addi %mul3A_1064, %add3A_1065 : i32
      %jit3A_1067 = arith.constant 4 : i32
      %eq3A_1068 = arith.constant 0 : i32
      %eq3A_1069 = arith.cmpi eq, %jit3A_1067, %eq3A_1068 : i32
      %jit3A_1070 = arith.constant 1 : i32
      %select_n3A_1071 = arith.select %eq3A_1069, %jit3A_1070, %jit3A_1067 : i32
      %rem3A_1072 = arith.remsi %scan3A_874, %select_n3A_1071 : i32
      %ne3A_1073 = arith.constant 0 : i32
      %ne3A_1074 = arith.cmpi ne, %rem3A_1072, %ne3A_1073 : i32
      %lt3A_1075 = arith.constant 0 : i32
      %lt3A_1076 = arith.cmpi slt, %rem3A_1072, %lt3A_1075 : i32
      %lt3A_1077 = arith.constant 0 : i32
      %lt3A_1078 = arith.cmpi slt, %select_n3A_1071, %lt3A_1077 : i32
      %ne3A_1079 = arith.xori %lt3A_1076, %lt3A_1078 : i1
      %and3A_1080 = arith.andi %ne3A_1079, %ne3A_1074 : i1
      %add3A_1081 = arith.addi %rem3A_1072, %select_n3A_1071 : i32
      %select_n3A_1082 = arith.select %and3A_1080, %add3A_1081, %rem3A_1072 : i32
      %mul3A_1083 = arith.constant 4 : i32
      %mul3A_1084 = arith.muli %mul3A_1083, %select_n3A_1082 : i32
      %add3A_1085 = arith.constant 1 : i32
      %add3A_1086 = arith.addi %mul3A_1084, %add3A_1085 : i32
      %broadcast_in_dim3A_1087 = vector.broadcast %add3A_1086 : i32 to vector<16xi32>
      %lt3A_1088 = arith.constant 0 : i32
      %lt3A_1089 = vector.broadcast %lt3A_1088 : i32 to vector<16xi32>
      %lt3A_1090 = arith.cmpi slt, %broadcast_in_dim3A_1087, %lt3A_1089 : vector<16xi32>
      %add3A_1091 = arith.constant 16 : i32
      %add3A_1092 = vector.broadcast %add3A_1091 : i32 to vector<16xi32>
      %add3A_1093 = arith.addi %broadcast_in_dim3A_1087, %add3A_1092 : vector<16xi32>
      %select_n3A_1094 = arith.select %lt3A_1090, %add3A_1093, %broadcast_in_dim3A_1087 : vector<16xi1>, vector<16xi32>
      %broadcast_in_dim3A_1095 = vector.shape_cast %select_n3A_1094 : vector<16xi32> to vector<16x1xi32>
      %gather3A_1096 = vector.shape_cast %broadcast_in_dim3A_1095 : vector<16x1xi32> to vector<16xi32>
      %gather3A_1097 = tpu.dynamic_gather %get3A_894[%gather3A_1096] in [0] : vector<16xi32>, vector<16xi32> -> vector<16xi32>
      %add3A_1098 = arith.constant 16 : i32
      %add3A_1099 = vector.broadcast %add3A_1098 : i32 to vector<16xi32>
      %add3A_1100 = arith.addi %iota3A, %add3A_1099 : vector<16xi32>
      %lt3A_1101 = arith.cmpi slt, %add3A_1100, %gather3A_1097 : vector<16xi32>
      %get3A_1102 = arith.index_cast %scan3A_874 : i32 to index
      %get3A_1103 = arith.constant 48 : index
      %get3A_1104 = tpu.vector_load %arg6[%get3A_1102, %get3A_1103] {strides = array<i32>} : memref<80x128xi32, #tpu.memory_space<vmem>>, vector<1x16xi32>,
      %get3A_1105 = vector.shape_cast %get3A_1104 : vector<1x16xi32> to vector<16xi32>
      %select_n3A_1106 = arith.select %lt3A_1101, %get3A_1105, %broadcast_in_dim3A_781 : vector<16xi1>, vector<16xi32>
      %swap3A_1107 = arith.index_cast %scan3A_874 : i32 to index
      %swap3A_1108 = arith.constant 48 : index
      %swap3A_1109 = tpu.vector_load %arg6[%swap3A_1107, %swap3A_1108] {strides = array<i32>} : memref<80x128xi32, #tpu.memory_space<vmem>>, vector<1x16xi32>,
      %swap3A_1110 = vector.shape_cast %swap3A_1109 : vector<1x16xi32> to vector<16xi32>
      %swap3A_1111 = vector.shape_cast %select_n3A_1106 : vector<16xi32> to vector<1x16xi32>
      tpu.vector_store %arg6[%swap3A_1107, %swap3A_1108], %swap3A_1111 {strides = array<i32>} : memref<80x128xi32, #tpu.memory_space<vmem>>, vector<1x16xi32>,
      %add3A_1112 = arith.addi %mul3A_2, %add3A_1066 : i32
      %broadcast_in_dim3A_1113 = vector.broadcast %add3A_1112 : i32 to vector<16xi32>
      %select_n3A_1114 = arith.select %lt3A_1101, %broadcast_in_dim3A_1113, %broadcast_in_dim3A_781 : vector<16xi1>, vector<16xi32>
      %swap3A_1115 = arith.index_cast %scan3A_874 : i32 to index
      %swap3A_1116 = arith.constant 48 : index
      %swap3A_1117 = tpu.vector_load %arg7[%swap3A_1115, %swap3A_1116] {strides = array<i32>} : memref<80x128xi32, #tpu.memory_space<vmem>>, vector<1x16xi32>,
      %swap3A_1118 = vector.shape_cast %swap3A_1117 : vector<1x16xi32> to vector<16xi32>
      %swap3A_1119 = vector.shape_cast %select_n3A_1114 : vector<16xi32> to vector<1x16xi32>
      tpu.vector_store %arg7[%swap3A_1115, %swap3A_1116], %swap3A_1119 {strides = array<i32>} : memref<80x128xi32, #tpu.memory_space<vmem>>, vector<1x16xi32>,
      %mul3A_1120 = arith.constant 4 : i32
      %mul3A_1121 = arith.muli %mul3A_1120, %scan3A_874 : i32
      %add3A_1122 = arith.constant 2 : i32
      %add3A_1123 = arith.addi %mul3A_1121, %add3A_1122 : i32
      %jit3A_1124 = arith.constant 4 : i32
      %eq3A_1125 = arith.constant 0 : i32
      %eq3A_1126 = arith.cmpi eq, %jit3A_1124, %eq3A_1125 : i32
      %jit3A_1127 = arith.constant 1 : i32
      %select_n3A_1128 = arith.select %eq3A_1126, %jit3A_1127, %jit3A_1124 : i32
      %rem3A_1129 = arith.remsi %scan3A_874, %select_n3A_1128 : i32
      %ne3A_1130 = arith.constant 0 : i32
      %ne3A_1131 = arith.cmpi ne, %rem3A_1129, %ne3A_1130 : i32
      %lt3A_1132 = arith.constant 0 : i32
      %lt3A_1133 = arith.cmpi slt, %rem3A_1129, %lt3A_1132 : i32
      %lt3A_1134 = arith.constant 0 : i32
      %lt3A_1135 = arith.cmpi slt, %select_n3A_1128, %lt3A_1134 : i32
      %ne3A_1136 = arith.xori %lt3A_1133, %lt3A_1135 : i1
      %and3A_1137 = arith.andi %ne3A_1136, %ne3A_1131 : i1
      %add3A_1138 = arith.addi %rem3A_1129, %select_n3A_1128 : i32
      %select_n3A_1139 = arith.select %and3A_1137, %add3A_1138, %rem3A_1129 : i32
      %mul3A_1140 = arith.constant 4 : i32
      %mul3A_1141 = arith.muli %mul3A_1140, %select_n3A_1139 : i32
      %add3A_1142 = arith.constant 2 : i32
      %add3A_1143 = arith.addi %mul3A_1141, %add3A_1142 : i32
      %broadcast_in_dim3A_1144 = vector.broadcast %add3A_1143 : i32 to vector<16xi32>
      %lt3A_1145 = arith.constant 0 : i32
      %lt3A_1146 = vector.broadcast %lt3A_1145 : i32 to vector<16xi32>
      %lt3A_1147 = arith.cmpi slt, %broadcast_in_dim3A_1144, %lt3A_1146 : vector<16xi32>
      %add3A_1148 = arith.constant 16 : i32
      %add3A_1149 = vector.broadcast %add3A_1148 : i32 to vector<16xi32>
      %add3A_1150 = arith.addi %broadcast_in_dim3A_1144, %add3A_1149 : vector<16xi32>
      %select_n3A_1151 = arith.select %lt3A_1147, %add3A_1150, %broadcast_in_dim3A_1144 : vector<16xi1>, vector<16xi32>
      %broadcast_in_dim3A_1152 = vector.shape_cast %select_n3A_1151 : vector<16xi32> to vector<16x1xi32>
      %gather3A_1153 = vector.shape_cast %broadcast_in_dim3A_1152 : vector<16x1xi32> to vector<16xi32>
      %gather3A_1154 = tpu.dynamic_gather %get3A_894[%gather3A_1153] in [0] : vector<16xi32>, vector<16xi32> -> vector<16xi32>
      %add3A_1155 = arith.constant 0 : i32
      %add3A_1156 = vector.broadcast %add3A_1155 : i32 to vector<16xi32>
      %add3A_1157 = arith.addi %iota3A, %add3A_1156 : vector<16xi32>
      %lt3A_1158 = arith.cmpi slt, %add3A_1157, %gather3A_1154 : vector<16xi32>
      %get3A_1159 = arith.index_cast %scan3A_874 : i32 to index
      %get3A_1160 = arith.constant 64 : index
      %get3A_1161 = tpu.vector_load %arg6[%get3A_1159, %get3A_1160] {strides = array<i32>} : memref<80x128xi32, #tpu.memory_space<vmem>>, vector<1x16xi32>,
      %get3A_1162 = vector.shape_cast %get3A_1161 : vector<1x16xi32> to vector<16xi32>
      %select_n3A_1163 = arith.select %lt3A_1158, %get3A_1162, %broadcast_in_dim3A_781 : vector<16xi1>, vector<16xi32>
      %swap3A_1164 = arith.index_cast %scan3A_874 : i32 to index
      %swap3A_1165 = arith.constant 64 : index
      %swap3A_1166 = tpu.vector_load %arg6[%swap3A_1164, %swap3A_1165] {strides = array<i32>} : memref<80x128xi32, #tpu.memory_space<vmem>>, vector<1x16xi32>,
      %swap3A_1167 = vector.shape_cast %swap3A_1166 : vector<1x16xi32> to vector<16xi32>
      %swap3A_1168 = vector.shape_cast %select_n3A_1163 : vector<16xi32> to vector<1x16xi32>
      tpu.vector_store %arg6[%swap3A_1164, %swap3A_1165], %swap3A_1168 {strides = array<i32>} : memref<80x128xi32, #tpu.memory_space<vmem>>, vector<1x16xi32>,
      %add3A_1169 = arith.addi %mul3A_2, %add3A_1123 : i32
      %broadcast_in_dim3A_1170 = vector.broadcast %add3A_1169 : i32 to vector<16xi32>
      %select_n3A_1171 = arith.select %lt3A_1158, %broadcast_in_dim3A_1170, %broadcast_in_dim3A_781 : vector<16xi1>, vector<16xi32>
      %swap3A_1172 = arith.index_cast %scan3A_874 : i32 to index
      %swap3A_1173 = arith.constant 64 : index
      %swap3A_1174 = tpu.vector_load %arg7[%swap3A_1172, %swap3A_1173] {strides = array<i32>} : memref<80x128xi32, #tpu.memory_space<vmem>>, vector<1x16xi32>,
      %swap3A_1175 = vector.shape_cast %swap3A_1174 : vector<1x16xi32> to vector<16xi32>
      %swap3A_1176 = vector.shape_cast %select_n3A_1171 : vector<16xi32> to vector<1x16xi32>
      tpu.vector_store %arg7[%swap3A_1172, %swap3A_1173], %swap3A_1176 {strides = array<i32>} : memref<80x128xi32, #tpu.memory_space<vmem>>, vector<1x16xi32>,
      %mul3A_1177 = arith.constant 4 : i32
      %mul3A_1178 = arith.muli %mul3A_1177, %scan3A_874 : i32
      %add3A_1179 = arith.constant 2 : i32
      %add3A_1180 = arith.addi %mul3A_1178, %add3A_1179 : i32
      %jit3A_1181 = arith.constant 4 : i32
      %eq3A_1182 = arith.constant 0 : i32
      %eq3A_1183 = arith.cmpi eq, %jit3A_1181, %eq3A_1182 : i32
      %jit3A_1184 = arith.constant 1 : i32
      %select_n3A_1185 = arith.select %eq3A_1183, %jit3A_1184, %jit3A_1181 : i32
      %rem3A_1186 = arith.remsi %scan3A_874, %select_n3A_1185 : i32
      %ne3A_1187 = arith.constant 0 : i32
      %ne3A_1188 = arith.cmpi ne, %rem3A_1186, %ne3A_1187 : i32
      %lt3A_1189 = arith.constant 0 : i32
      %lt3A_1190 = arith.cmpi slt, %rem3A_1186, %lt3A_1189 : i32
      %lt3A_1191 = arith.constant 0 : i32
      %lt3A_1192 = arith.cmpi slt, %select_n3A_1185, %lt3A_1191 : i32
      %ne3A_1193 = arith.xori %lt3A_1190, %lt3A_1192 : i1
      %and3A_1194 = arith.andi %ne3A_1193, %ne3A_1188 : i1
      %add3A_1195 = arith.addi %rem3A_1186, %select_n3A_1185 : i32
      %select_n3A_1196 = arith.select %and3A_1194, %add3A_1195, %rem3A_1186 : i32
      %mul3A_1197 = arith.constant 4 : i32
      %mul3A_1198 = arith.muli %mul3A_1197, %select_n3A_1196 : i32
      %add3A_1199 = arith.constant 2 : i32
      %add3A_1200 = arith.addi %mul3A_1198, %add3A_1199 : i32
      %broadcast_in_dim3A_1201 = vector.broadcast %add3A_1200 : i32 to vector<16xi32>
      %lt3A_1202 = arith.constant 0 : i32
      %lt3A_1203 = vector.broadcast %lt3A_1202 : i32 to vector<16xi32>
      %lt3A_1204 = arith.cmpi slt, %broadcast_in_dim3A_1201, %lt3A_1203 : vector<16xi32>
      %add3A_1205 = arith.constant 16 : i32
      %add3A_1206 = vector.broadcast %add3A_1205 : i32 to vector<16xi32>
      %add3A_1207 = arith.addi %broadcast_in_dim3A_1201, %add3A_1206 : vector<16xi32>
      %select_n3A_1208 = arith.select %lt3A_1204, %add3A_1207, %broadcast_in_dim3A_1201 : vector<16xi1>, vector<16xi32>
      %broadcast_in_dim3A_1209 = vector.shape_cast %select_n3A_1208 : vector<16xi32> to vector<16x1xi32>
      %gather3A_1210 = vector.shape_cast %broadcast_in_dim3A_1209 : vector<16x1xi32> to vector<16xi32>
      %gather3A_1211 = tpu.dynamic_gather %get3A_894[%gather3A_1210] in [0] : vector<16xi32>, vector<16xi32> -> vector<16xi32>
      %add3A_1212 = arith.constant 16 : i32
      %add3A_1213 = vector.broadcast %add3A_1212 : i32 to vector<16xi32>
      %add3A_1214 = arith.addi %iota3A, %add3A_1213 : vector<16xi32>
      %lt3A_1215 = arith.cmpi slt, %add3A_1214, %gather3A_1211 : vector<16xi32>
      %get3A_1216 = arith.index_cast %scan3A_874 : i32 to index
      %get3A_1217 = arith.constant 80 : index
      %get3A_1218 = tpu.vector_load %arg6[%get3A_1216, %get3A_1217] {strides = array<i32>} : memref<80x128xi32, #tpu.memory_space<vmem>>, vector<1x16xi32>,
      %get3A_1219 = vector.shape_cast %get3A_1218 : vector<1x16xi32> to vector<16xi32>
      %select_n3A_1220 = arith.select %lt3A_1215, %get3A_1219, %broadcast_in_dim3A_781 : vector<16xi1>, vector<16xi32>
      %swap3A_1221 = arith.index_cast %scan3A_874 : i32 to index
      %swap3A_1222 = arith.constant 80 : index
      %swap3A_1223 = tpu.vector_load %arg6[%swap3A_1221, %swap3A_1222] {strides = array<i32>} : memref<80x128xi32, #tpu.memory_space<vmem>>, vector<1x16xi32>,
      %swap3A_1224 = vector.shape_cast %swap3A_1223 : vector<1x16xi32> to vector<16xi32>
      %swap3A_1225 = vector.shape_cast %select_n3A_1220 : vector<16xi32> to vector<1x16xi32>
      tpu.vector_store %arg6[%swap3A_1221, %swap3A_1222], %swap3A_1225 {strides = array<i32>} : memref<80x128xi32, #tpu.memory_space<vmem>>, vector<1x16xi32>,
      %add3A_1226 = arith.addi %mul3A_2, %add3A_1180 : i32
      %broadcast_in_dim3A_1227 = vector.broadcast %add3A_1226 : i32 to vector<16xi32>
      %select_n3A_1228 = arith.select %lt3A_1215, %broadcast_in_dim3A_1227, %broadcast_in_dim3A_781 : vector<16xi1>, vector<16xi32>
      %swap3A_1229 = arith.index_cast %scan3A_874 : i32 to index
      %swap3A_1230 = arith.constant 80 : index
      %swap3A_1231 = tpu.vector_load %arg7[%swap3A_1229, %swap3A_1230] {strides = array<i32>} : memref<80x128xi32, #tpu.memory_space<vmem>>, vector<1x16xi32>,
      %swap3A_1232 = vector.shape_cast %swap3A_1231 : vector<1x16xi32> to vector<16xi32>
      %swap3A_1233 = vector.shape_cast %select_n3A_1228 : vector<16xi32> to vector<1x16xi32>
      tpu.vector_store %arg7[%swap3A_1229, %swap3A_1230], %swap3A_1233 {strides = array<i32>} : memref<80x128xi32, #tpu.memory_space<vmem>>, vector<1x16xi32>,
      %mul3A_1234 = arith.constant 4 : i32
      %mul3A_1235 = arith.muli %mul3A_1234, %scan3A_874 : i32
      %add3A_1236 = arith.constant 3 : i32
      %add3A_1237 = arith.addi %mul3A_1235, %add3A_1236 : i32
      %jit3A_1238 = arith.constant 4 : i32
      %eq3A_1239 = arith.constant 0 : i32
      %eq3A_1240 = arith.cmpi eq, %jit3A_1238, %eq3A_1239 : i32
      %jit3A_1241 = arith.constant 1 : i32
      %select_n3A_1242 = arith.select %eq3A_1240, %jit3A_1241, %jit3A_1238 : i32
      %rem3A_1243 = arith.remsi %scan3A_874, %select_n3A_1242 : i32
      %ne3A_1244 = arith.constant 0 : i32
      %ne3A_1245 = arith.cmpi ne, %rem3A_1243, %ne3A_1244 : i32
      %lt3A_1246 = arith.constant 0 : i32
      %lt3A_1247 = arith.cmpi slt, %rem3A_1243, %lt3A_1246 : i32
      %lt3A_1248 = arith.constant 0 : i32
      %lt3A_1249 = arith.cmpi slt, %select_n3A_1242, %lt3A_1248 : i32
      %ne3A_1250 = arith.xori %lt3A_1247, %lt3A_1249 : i1
      %and3A_1251 = arith.andi %ne3A_1250, %ne3A_1245 : i1
      %add3A_1252 = arith.addi %rem3A_1243, %select_n3A_1242 : i32
      %select_n3A_1253 = arith.select %and3A_1251, %add3A_1252, %rem3A_1243 : i32
      %mul3A_1254 = arith.constant 4 : i32
      %mul3A_1255 = arith.muli %mul3A_1254, %select_n3A_1253 : i32
      %add3A_1256 = arith.constant 3 : i32
      %add3A_1257 = arith.addi %mul3A_1255, %add3A_1256 : i32
      %broadcast_in_dim3A_1258 = vector.broadcast %add3A_1257 : i32 to vector<16xi32>
      %lt3A_1259 = arith.constant 0 : i32
      %lt3A_1260 = vector.broadcast %lt3A_1259 : i32 to vector<16xi32>
      %lt3A_1261 = arith.cmpi slt, %broadcast_in_dim3A_1258, %lt3A_1260 : vector<16xi32>
      %add3A_1262 = arith.constant 16 : i32
      %add3A_1263 = vector.broadcast %add3A_1262 : i32 to vector<16xi32>
      %add3A_1264 = arith.addi %broadcast_in_dim3A_1258, %add3A_1263 : vector<16xi32>
      %select_n3A_1265 = arith.select %lt3A_1261, %add3A_1264, %broadcast_in_dim3A_1258 : vector<16xi1>, vector<16xi32>
      %broadcast_in_dim3A_1266 = vector.shape_cast %select_n3A_1265 : vector<16xi32> to vector<16x1xi32>
      %gather3A_1267 = vector.shape_cast %broadcast_in_dim3A_1266 : vector<16x1xi32> to vector<16xi32>
      %gather3A_1268 = tpu.dynamic_gather %get3A_894[%gather3A_1267] in [0] : vector<16xi32>, vector<16xi32> -> vector<16xi32>
      %add3A_1269 = arith.constant 0 : i32
      %add3A_1270 = vector.broadcast %add3A_1269 : i32 to vector<16xi32>
      %add3A_1271 = arith.addi %iota3A, %add3A_1270 : vector<16xi32>
      %lt3A_1272 = arith.cmpi slt, %add3A_1271, %gather3A_1268 : vector<16xi32>
      %get3A_1273 = arith.index_cast %scan3A_874 : i32 to index
      %get3A_1274 = arith.constant 96 : index
      %get3A_1275 = tpu.vector_load %arg6[%get3A_1273, %get3A_1274] {strides = array<i32>} : memref<80x128xi32, #tpu.memory_space<vmem>>, vector<1x16xi32>,
      %get3A_1276 = vector.shape_cast %get3A_1275 : vector<1x16xi32> to vector<16xi32>
      %select_n3A_1277 = arith.select %lt3A_1272, %get3A_1276, %broadcast_in_dim3A_781 : vector<16xi1>, vector<16xi32>
      %swap3A_1278 = arith.index_cast %scan3A_874 : i32 to index
      %swap3A_1279 = arith.constant 96 : index
      %swap3A_1280 = tpu.vector_load %arg6[%swap3A_1278, %swap3A_1279] {strides = array<i32>} : memref<80x128xi32, #tpu.memory_space<vmem>>, vector<1x16xi32>,
      %swap3A_1281 = vector.shape_cast %swap3A_1280 : vector<1x16xi32> to vector<16xi32>
      %swap3A_1282 = vector.shape_cast %select_n3A_1277 : vector<16xi32> to vector<1x16xi32>
      tpu.vector_store %arg6[%swap3A_1278, %swap3A_1279], %swap3A_1282 {strides = array<i32>} : memref<80x128xi32, #tpu.memory_space<vmem>>, vector<1x16xi32>,
      %add3A_1283 = arith.addi %mul3A_2, %add3A_1237 : i32
      %broadcast_in_dim3A_1284 = vector.broadcast %add3A_1283 : i32 to vector<16xi32>
      %select_n3A_1285 = arith.select %lt3A_1272, %broadcast_in_dim3A_1284, %broadcast_in_dim3A_781 : vector<16xi1>, vector<16xi32>
      %swap3A_1286 = arith.index_cast %scan3A_874 : i32 to index
      %swap3A_1287 = arith.constant 96 : index
      %swap3A_1288 = tpu.vector_load %arg7[%swap3A_1286, %swap3A_1287] {strides = array<i32>} : memref<80x128xi32, #tpu.memory_space<vmem>>, vector<1x16xi32>,
      %swap3A_1289 = vector.shape_cast %swap3A_1288 : vector<1x16xi32> to vector<16xi32>
      %swap3A_1290 = vector.shape_cast %select_n3A_1285 : vector<16xi32> to vector<1x16xi32>
      tpu.vector_store %arg7[%swap3A_1286, %swap3A_1287], %swap3A_1290 {strides = array<i32>} : memref<80x128xi32, #tpu.memory_space<vmem>>, vector<1x16xi32>,
      %mul3A_1291 = arith.constant 4 : i32
      %mul3A_1292 = arith.muli %mul3A_1291, %scan3A_874 : i32
      %add3A_1293 = arith.constant 3 : i32
      %add3A_1294 = arith.addi %mul3A_1292, %add3A_1293 : i32
      %jit3A_1295 = arith.constant 4 : i32
      %eq3A_1296 = arith.constant 0 : i32
      %eq3A_1297 = arith.cmpi eq, %jit3A_1295, %eq3A_1296 : i32
      %jit3A_1298 = arith.constant 1 : i32
      %select_n3A_1299 = arith.select %eq3A_1297, %jit3A_1298, %jit3A_1295 : i32
      %rem3A_1300 = arith.remsi %scan3A_874, %select_n3A_1299 : i32
      %ne3A_1301 = arith.constant 0 : i32
      %ne3A_1302 = arith.cmpi ne, %rem3A_1300, %ne3A_1301 : i32
      %lt3A_1303 = arith.constant 0 : i32
      %lt3A_1304 = arith.cmpi slt, %rem3A_1300, %lt3A_1303 : i32
      %lt3A_1305 = arith.constant 0 : i32
      %lt3A_1306 = arith.cmpi slt, %select_n3A_1299, %lt3A_1305 : i32
      %ne3A_1307 = arith.xori %lt3A_1304, %lt3A_1306 : i1
      %and3A_1308 = arith.andi %ne3A_1307, %ne3A_1302 : i1
      %add3A_1309 = arith.addi %rem3A_1300, %select_n3A_1299 : i32
      %select_n3A_1310 = arith.select %and3A_1308, %add3A_1309, %rem3A_1300 : i32
      %mul3A_1311 = arith.constant 4 : i32
      %mul3A_1312 = arith.muli %mul3A_1311, %select_n3A_1310 : i32
      %add3A_1313 = arith.constant 3 : i32
      %add3A_1314 = arith.addi %mul3A_1312, %add3A_1313 : i32
      %broadcast_in_dim3A_1315 = vector.broadcast %add3A_1314 : i32 to vector<16xi32>
      %lt3A_1316 = arith.constant 0 : i32
      %lt3A_1317 = vector.broadcast %lt3A_1316 : i32 to vector<16xi32>
      %lt3A_1318 = arith.cmpi slt, %broadcast_in_dim3A_1315, %lt3A_1317 : vector<16xi32>
      %add3A_1319 = arith.constant 16 : i32
      %add3A_1320 = vector.broadcast %add3A_1319 : i32 to vector<16xi32>
      %add3A_1321 = arith.addi %broadcast_in_dim3A_1315, %add3A_1320 : vector<16xi32>
      %select_n3A_1322 = arith.select %lt3A_1318, %add3A_1321, %broadcast_in_dim3A_1315 : vector<16xi1>, vector<16xi32>
      %broadcast_in_dim3A_1323 = vector.shape_cast %select_n3A_1322 : vector<16xi32> to vector<16x1xi32>
      %gather3A_1324 = vector.shape_cast %broadcast_in_dim3A_1323 : vector<16x1xi32> to vector<16xi32>
      %gather3A_1325 = tpu.dynamic_gather %get3A_894[%gather3A_1324] in [0] : vector<16xi32>, vector<16xi32> -> vector<16xi32>
      %add3A_1326 = arith.constant 16 : i32
      %add3A_1327 = vector.broadcast %add3A_1326 : i32 to vector<16xi32>
      %add3A_1328 = arith.addi %iota3A, %add3A_1327 : vector<16xi32>
      %lt3A_1329 = arith.cmpi slt, %add3A_1328, %gather3A_1325 : vector<16xi32>
      %get3A_1330 = arith.index_cast %scan3A_874 : i32 to index
      %get3A_1331 = arith.constant 112 : index
      %get3A_1332 = tpu.vector_load %arg6[%get3A_1330, %get3A_1331] {strides = array<i32>} : memref<80x128xi32, #tpu.memory_space<vmem>>, vector<1x16xi32>,
      %get3A_1333 = vector.shape_cast %get3A_1332 : vector<1x16xi32> to vector<16xi32>
      %select_n3A_1334 = arith.select %lt3A_1329, %get3A_1333, %broadcast_in_dim3A_781 : vector<16xi1>, vector<16xi32>
      %swap3A_1335 = arith.index_cast %scan3A_874 : i32 to index
      %swap3A_1336 = arith.constant 112 : index
      %swap3A_1337 = tpu.vector_load %arg6[%swap3A_1335, %swap3A_1336] {strides = array<i32>} : memref<80x128xi32, #tpu.memory_space<vmem>>, vector<1x16xi32>,
      %swap3A_1338 = vector.shape_cast %swap3A_1337 : vector<1x16xi32> to vector<16xi32>
      %swap3A_1339 = vector.shape_cast %select_n3A_1334 : vector<16xi32> to vector<1x16xi32>
      tpu.vector_store %arg6[%swap3A_1335, %swap3A_1336], %swap3A_1339 {strides = array<i32>} : memref<80x128xi32, #tpu.memory_space<vmem>>, vector<1x16xi32>,
      %add3A_1340 = arith.addi %mul3A_2, %add3A_1294 : i32
      %broadcast_in_dim3A_1341 = vector.broadcast %add3A_1340 : i32 to vector<16xi32>
      %select_n3A_1342 = arith.select %lt3A_1329, %broadcast_in_dim3A_1341, %broadcast_in_dim3A_781 : vector<16xi1>, vector<16xi32>
      %swap3A_1343 = arith.index_cast %scan3A_874 : i32 to index
      %swap3A_1344 = arith.constant 112 : index
      %swap3A_1345 = tpu.vector_load %arg7[%swap3A_1343, %swap3A_1344] {strides = array<i32>} : memref<80x128xi32, #tpu.memory_space<vmem>>, vector<1x16xi32>,
      %swap3A_1346 = vector.shape_cast %swap3A_1345 : vector<1x16xi32> to vector<16xi32>
      %swap3A_1347 = vector.shape_cast %select_n3A_1342 : vector<16xi32> to vector<1x16xi32>
      tpu.vector_store %arg7[%swap3A_1343, %swap3A_1344], %swap3A_1347 {strides = array<i32>} : memref<80x128xi32, #tpu.memory_space<vmem>>, vector<1x16xi32>,
    }
    %scan3A_787 = arith.constant 80 : i32
    %scan3A_788 = arith.constant 0 : i32
    %scan3A_789 = arith.constant 0 : i32
    %scan3A_790 = arith.constant 20 : i32
    %scan3A_791 = arith.addi %scan3A_789, %scan3A_790 : i32
    %scan3A_792 = arith.constant 1 : i32
    scf.for %scan3A_874 = %scan3A_789 to %scan3A_791 step %scan3A_792  : i32 {
      %mul3A_875 = arith.constant 4 : i32
      %mul3A_876 = arith.muli %mul3A_875, %scan3A_874 : i32
      %gt3A = arith.constant 0 : i32
      %gt3A_877 = arith.cmpi sgt, %scan3A_874, %gt3A : i32
      %convert_element_type3A = arith.extui %gt3A_877 : i1 to i32
      %cond3A = arith.constant 0 : i32
      %cond3A_878 = arith.cmpi ne, %convert_element_type3A, %cond3A : i32
      scf.if %cond3A_878 {
        %sub3A = arith.constant 4 : i32
        %sub3A_972 = arith.subi %mul3A_876, %sub3A : i32
        %dma_wait3A_973 = arith.constant 0 : i32
        %dma_wait3A_974 = arith.constant 0 : i32
        %dma_wait3A_975 = tpu.memref_slice %arg9[%dma_wait3A_973, %dma_wait3A_974] : memref<512x128xf32, #tpu.memory_space<vmem>> -> memref<128x128xf32, #tpu.memory_space<vmem>>
        %dma_wait3A_976 = arith.constant 0 : i32
        %dma_wait3A_977 = tpu.memref_slice %arg7[%sub3A_972, %dma_wait3A_976] : memref<80x128xi32, #tpu.memory_space<vmem>> -> memref<1x128xi32, #tpu.memory_space<vmem>>
        %dma_wait3A_978 = tpu.memref_squeeze %dma_wait3A_977 : memref<1x128xi32, #tpu.memory_space<vmem>> -> memref<128xi32, #tpu.memory_space<vmem>>
        %dma_wait3A_979 = arith.constant 0 : i32
        %dma_wait3A_980 = arith.constant 0 : i32
        %dma_wait3A_981 = tpu.memref_slice %arg11[%dma_wait3A_979, %dma_wait3A_980] : memref<5120x128xf32, #tpu.memory_space<vmem_shared>> -> memref<5120x128xf32, #tpu.memory_space<vmem_shared>>
        tpu.wait_indirect_dma semaphore(%arg13 : memref<!tpu.dma_semaphore, #tpu.memory_space<semaphore_mem>>) src(%dma_wait3A_975 : memref<128x128xf32, #tpu.memory_space<vmem>>) dst(%dma_wait3A_981 : memref<5120x128xf32, #tpu.memory_space<vmem_shared>>)
        %sub3A_982 = arith.constant 3 : i32
        %sub3A_983 = arith.subi %mul3A_876, %sub3A_982 : i32
        %dma_wait3A_984 = arith.constant 128 : i32
        %dma_wait3A_985 = arith.constant 0 : i32
        %dma_wait3A_986 = tpu.memref_slice %arg9[%dma_wait3A_984, %dma_wait3A_985] : memref<512x128xf32, #tpu.memory_space<vmem>> -> memref<128x128xf32, #tpu.memory_space<vmem>>
        %dma_wait3A_987 = arith.constant 0 : i32
        %dma_wait3A_988 = tpu.memref_slice %arg7[%sub3A_983, %dma_wait3A_987] : memref<80x128xi32, #tpu.memory_space<vmem>> -> memref<1x128xi32, #tpu.memory_space<vmem>>
        %dma_wait3A_989 = tpu.memref_squeeze %dma_wait3A_988 : memref<1x128xi32, #tpu.memory_space<vmem>> -> memref<128xi32, #tpu.memory_space<vmem>>
        %dma_wait3A_990 = arith.constant 0 : i32
        %dma_wait3A_991 = arith.constant 0 : i32
        %dma_wait3A_992 = tpu.memref_slice %arg11[%dma_wait3A_990, %dma_wait3A_991] : memref<5120x128xf32, #tpu.memory_space<vmem_shared>> -> memref<5120x128xf32, #tpu.memory_space<vmem_shared>>
        tpu.wait_indirect_dma semaphore(%arg13 : memref<!tpu.dma_semaphore, #tpu.memory_space<semaphore_mem>>) src(%dma_wait3A_986 : memref<128x128xf32, #tpu.memory_space<vmem>>) dst(%dma_wait3A_992 : memref<5120x128xf32, #tpu.memory_space<vmem_shared>>)
      } else {
      }
      %dma_start3A_879 = arith.constant 0 : i32
      %dma_start3A_880 = arith.constant 0 : i32
      %dma_start3A_881 = tpu.memref_slice %arg9[%dma_start3A_879, %dma_start3A_880] : memref<512x128xf32, #tpu.memory_space<vmem>> -> memref<128x128xf32, #tpu.memory_space<vmem>>
      %dma_start3A_882 = arith.constant 0 : i32
      %dma_start3A_883 = tpu.memref_slice %arg6[%mul3A_876, %dma_start3A_882] : memref<80x128xi32, #tpu.memory_space<vmem>> -> memref<1x128xi32, #tpu.memory_space<vmem>>
      %dma_start3A_884 = tpu.memref_squeeze %dma_start3A_883 : memref<1x128xi32, #tpu.memory_space<vmem>> -> memref<128xi32, #tpu.memory_space<vmem>>
      %dma_start3A_885 = arith.constant 0 : i32
      %dma_start3A_886 = arith.constant 0 : i32
      %dma_start3A_887 = tpu.memref_slice %arg2[%dma_start3A_885, %dma_start3A_886] : memref<10000x128xf32, #tpu.memory_space<hbm>> -> memref<10000x128xf32, #tpu.memory_space<hbm>>
      %dma_start3A_888 = arith.constant -1 : i32
      tpu.enqueue_indirect_dma source(%dma_start3A_887 : memref<10000x128xf32, #tpu.memory_space<hbm>>) target(%dma_start3A_881 : memref<128x128xf32, #tpu.memory_space<vmem>>) offsets(%dma_start3A_884 : memref<128xi32, #tpu.memory_space<vmem>>) offset_filter(%dma_start3A_888) semaphore(%arg12 : memref<!tpu.dma_semaphore, #tpu.memory_space<semaphore_mem>>)
      %add3A_889 = arith.constant 1 : i32
      %add3A_890 = arith.addi %mul3A_876, %add3A_889 : i32
      %dma_start3A_891 = arith.constant 128 : i32
      %dma_start3A_892 = arith.constant 0 : i32
      %dma_start3A_893 = tpu.memref_slice %arg9[%dma_start3A_891, %dma_start3A_892] : memref<512x128xf32, #tpu.memory_space<vmem>> -> memref<128x128xf32, #tpu.memory_space<vmem>>
      %dma_start3A_894 = arith.constant 0 : i32
      %dma_start3A_895 = tpu.memref_slice %arg6[%add3A_890, %dma_start3A_894] : memref<80x128xi32, #tpu.memory_space<vmem>> -> memref<1x128xi32, #tpu.memory_space<vmem>>
      %dma_start3A_896 = tpu.memref_squeeze %dma_start3A_895 : memref<1x128xi32, #tpu.memory_space<vmem>> -> memref<128xi32, #tpu.memory_space<vmem>>
      %dma_start3A_897 = arith.constant 0 : i32
      %dma_start3A_898 = arith.constant 0 : i32
      %dma_start3A_899 = tpu.memref_slice %arg2[%dma_start3A_897, %dma_start3A_898] : memref<10000x128xf32, #tpu.memory_space<hbm>> -> memref<10000x128xf32, #tpu.memory_space<hbm>>
      %dma_start3A_900 = arith.constant -1 : i32
      tpu.enqueue_indirect_dma source(%dma_start3A_899 : memref<10000x128xf32, #tpu.memory_space<hbm>>) target(%dma_start3A_893 : memref<128x128xf32, #tpu.memory_space<vmem>>) offsets(%dma_start3A_896 : memref<128xi32, #tpu.memory_space<vmem>>) offset_filter(%dma_start3A_900) semaphore(%arg12 : memref<!tpu.dma_semaphore, #tpu.memory_space<semaphore_mem>>)
      %gt3A_901 = arith.constant 0 : i32
      %gt3A_902 = arith.cmpi sgt, %scan3A_874, %gt3A_901 : i32
      %convert_element_type3A_903 = arith.extui %gt3A_902 : i1 to i32
      %cond3A_904 = arith.constant 0 : i32
      %cond3A_905 = arith.cmpi ne, %convert_element_type3A_903, %cond3A_904 : i32
      scf.if %cond3A_905 {
        %sub3A = arith.constant 2 : i32
        %sub3A_972 = arith.subi %mul3A_876, %sub3A : i32
        %dma_wait3A_973 = arith.constant 256 : i32
        %dma_wait3A_974 = arith.constant 0 : i32
        %dma_wait3A_975 = tpu.memref_slice %arg9[%dma_wait3A_973, %dma_wait3A_974] : memref<512x128xf32, #tpu.memory_space<vmem>> -> memref<128x128xf32, #tpu.memory_space<vmem>>
        %dma_wait3A_976 = arith.constant 0 : i32
        %dma_wait3A_977 = tpu.memref_slice %arg6[%sub3A_972, %dma_wait3A_976] : memref<80x128xi32, #tpu.memory_space<vmem>> -> memref<1x128xi32, #tpu.memory_space<vmem>>
        %dma_wait3A_978 = tpu.memref_squeeze %dma_wait3A_977 : memref<1x128xi32, #tpu.memory_space<vmem>> -> memref<128xi32, #tpu.memory_space<vmem>>
        %dma_wait3A_979 = arith.constant 0 : i32
        %dma_wait3A_980 = arith.constant 0 : i32
        %dma_wait3A_981 = tpu.memref_slice %arg2[%dma_wait3A_979, %dma_wait3A_980] : memref<10000x128xf32, #tpu.memory_space<hbm>> -> memref<10000x128xf32, #tpu.memory_space<hbm>>
        tpu.wait_indirect_dma semaphore(%arg12 : memref<!tpu.dma_semaphore, #tpu.memory_space<semaphore_mem>>) src(%dma_wait3A_981 : memref<10000x128xf32, #tpu.memory_space<hbm>>) dst(%dma_wait3A_975 : memref<128x128xf32, #tpu.memory_space<vmem>>)
        %sub3A_982 = arith.constant 1 : i32
        %sub3A_983 = arith.subi %mul3A_876, %sub3A_982 : i32
        %dma_wait3A_984 = arith.constant 384 : i32
        %dma_wait3A_985 = arith.constant 0 : i32
        %dma_wait3A_986 = tpu.memref_slice %arg9[%dma_wait3A_984, %dma_wait3A_985] : memref<512x128xf32, #tpu.memory_space<vmem>> -> memref<128x128xf32, #tpu.memory_space<vmem>>
        %dma_wait3A_987 = arith.constant 0 : i32
        %dma_wait3A_988 = tpu.memref_slice %arg6[%sub3A_983, %dma_wait3A_987] : memref<80x128xi32, #tpu.memory_space<vmem>> -> memref<1x128xi32, #tpu.memory_space<vmem>>
        %dma_wait3A_989 = tpu.memref_squeeze %dma_wait3A_988 : memref<1x128xi32, #tpu.memory_space<vmem>> -> memref<128xi32, #tpu.memory_space<vmem>>
        %dma_wait3A_990 = arith.constant 0 : i32
        %dma_wait3A_991 = arith.constant 0 : i32
        %dma_wait3A_992 = tpu.memref_slice %arg2[%dma_wait3A_990, %dma_wait3A_991] : memref<10000x128xf32, #tpu.memory_space<hbm>> -> memref<10000x128xf32, #tpu.memory_space<hbm>>
        tpu.wait_indirect_dma semaphore(%arg12 : memref<!tpu.dma_semaphore, #tpu.memory_space<semaphore_mem>>) src(%dma_wait3A_992 : memref<10000x128xf32, #tpu.memory_space<hbm>>) dst(%dma_wait3A_986 : memref<128x128xf32, #tpu.memory_space<vmem>>)
        %sub3A_993 = arith.constant 2 : i32
        %sub3A_994 = arith.subi %mul3A_876, %sub3A_993 : i32
        %dma_start3A_995 = arith.constant 256 : i32
        %dma_start3A_996 = arith.constant 0 : i32
        %dma_start3A_997 = tpu.memref_slice %arg9[%dma_start3A_995, %dma_start3A_996] : memref<512x128xf32, #tpu.memory_space<vmem>> -> memref<128x128xf32, #tpu.memory_space<vmem>>
        %dma_start3A_998 = arith.constant 0 : i32
        %dma_start3A_999 = tpu.memref_slice %arg7[%sub3A_994, %dma_start3A_998] : memref<80x128xi32, #tpu.memory_space<vmem>> -> memref<1x128xi32, #tpu.memory_space<vmem>>
        %dma_start3A_1000 = tpu.memref_squeeze %dma_start3A_999 : memref<1x128xi32, #tpu.memory_space<vmem>> -> memref<128xi32, #tpu.memory_space<vmem>>
        %dma_start3A_1001 = arith.constant 0 : i32
        %dma_start3A_1002 = arith.constant 0 : i32
        %dma_start3A_1003 = tpu.memref_slice %arg11[%dma_start3A_1001, %dma_start3A_1002] : memref<5120x128xf32, #tpu.memory_space<vmem_shared>> -> memref<5120x128xf32, #tpu.memory_space<vmem_shared>>
        %dma_start3A_1004 = arith.constant -1 : i32
        tpu.enqueue_indirect_dma source(%dma_start3A_997 : memref<128x128xf32, #tpu.memory_space<vmem>>) target(%dma_start3A_1003 : memref<5120x128xf32, #tpu.memory_space<vmem_shared>>) offsets(%dma_start3A_1000 : memref<128xi32, #tpu.memory_space<vmem>>) offset_filter(%dma_start3A_1004) semaphore(%arg13 : memref<!tpu.dma_semaphore, #tpu.memory_space<semaphore_mem>>) {add = true}
        %sub3A_1005 = arith.constant 1 : i32
        %sub3A_1006 = arith.subi %mul3A_876, %sub3A_1005 : i32
        %dma_start3A_1007 = arith.constant 384 : i32
        %dma_start3A_1008 = arith.constant 0 : i32
        %dma_start3A_1009 = tpu.memref_slice %arg9[%dma_start3A_1007, %dma_start3A_1008] : memref<512x128xf32, #tpu.memory_space<vmem>> -> memref<128x128xf32, #tpu.memory_space<vmem>>
        %dma_start3A_1010 = arith.constant 0 : i32
        %dma_start3A_1011 = tpu.memref_slice %arg7[%sub3A_1006, %dma_start3A_1010] : memref<80x128xi32, #tpu.memory_space<vmem>> -> memref<1x128xi32, #tpu.memory_space<vmem>>
        %dma_start3A_1012 = tpu.memref_squeeze %dma_start3A_1011 : memref<1x128xi32, #tpu.memory_space<vmem>> -> memref<128xi32, #tpu.memory_space<vmem>>
        %dma_start3A_1013 = arith.constant 0 : i32
        %dma_start3A_1014 = arith.constant 0 : i32
        %dma_start3A_1015 = tpu.memref_slice %arg11[%dma_start3A_1013, %dma_start3A_1014] : memref<5120x128xf32, #tpu.memory_space<vmem_shared>> -> memref<5120x128xf32, #tpu.memory_space<vmem_shared>>
        %dma_start3A_1016 = arith.constant -1 : i32
        tpu.enqueue_indirect_dma source(%dma_start3A_1009 : memref<128x128xf32, #tpu.memory_space<vmem>>) target(%dma_start3A_1015 : memref<5120x128xf32, #tpu.memory_space<vmem_shared>>) offsets(%dma_start3A_1012 : memref<128xi32, #tpu.memory_space<vmem>>) offset_filter(%dma_start3A_1016) semaphore(%arg13 : memref<!tpu.dma_semaphore, #tpu.memory_space<semaphore_mem>>) {add = true}
        %sub3A_1017 = arith.constant 2 : i32
        %sub3A_1018 = arith.subi %mul3A_876, %sub3A_1017 : i32
        %dma_wait3A_1019 = arith.constant 256 : i32
        %dma_wait3A_1020 = arith.constant 0 : i32
        %dma_wait3A_1021 = tpu.memref_slice %arg9[%dma_wait3A_1019, %dma_wait3A_1020] : memref<512x128xf32, #tpu.memory_space<vmem>> -> memref<128x128xf32, #tpu.memory_space<vmem>>
        %dma_wait3A_1022 = arith.constant 0 : i32
        %dma_wait3A_1023 = tpu.memref_slice %arg7[%sub3A_1018, %dma_wait3A_1022] : memref<80x128xi32, #tpu.memory_space<vmem>> -> memref<1x128xi32, #tpu.memory_space<vmem>>
        %dma_wait3A_1024 = tpu.memref_squeeze %dma_wait3A_1023 : memref<1x128xi32, #tpu.memory_space<vmem>> -> memref<128xi32, #tpu.memory_space<vmem>>
        %dma_wait3A_1025 = arith.constant 0 : i32
        %dma_wait3A_1026 = arith.constant 0 : i32
        %dma_wait3A_1027 = tpu.memref_slice %arg11[%dma_wait3A_1025, %dma_wait3A_1026] : memref<5120x128xf32, #tpu.memory_space<vmem_shared>> -> memref<5120x128xf32, #tpu.memory_space<vmem_shared>>
        tpu.wait_indirect_dma semaphore(%arg13 : memref<!tpu.dma_semaphore, #tpu.memory_space<semaphore_mem>>) src(%dma_wait3A_1021 : memref<128x128xf32, #tpu.memory_space<vmem>>) dst(%dma_wait3A_1027 : memref<5120x128xf32, #tpu.memory_space<vmem_shared>>)
        %sub3A_1028 = arith.constant 1 : i32
        %sub3A_1029 = arith.subi %mul3A_876, %sub3A_1028 : i32
        %dma_wait3A_1030 = arith.constant 384 : i32
        %dma_wait3A_1031 = arith.constant 0 : i32
        %dma_wait3A_1032 = tpu.memref_slice %arg9[%dma_wait3A_1030, %dma_wait3A_1031] : memref<512x128xf32, #tpu.memory_space<vmem>> -> memref<128x128xf32, #tpu.memory_space<vmem>>
        %dma_wait3A_1033 = arith.constant 0 : i32
        %dma_wait3A_1034 = tpu.memref_slice %arg7[%sub3A_1029, %dma_wait3A_1033] : memref<80x128xi32, #tpu.memory_space<vmem>> -> memref<1x128xi32, #tpu.memory_space<vmem>>
        %dma_wait3A_1035 = tpu.memref_squeeze %dma_wait3A_1034 : memref<1x128xi32, #tpu.memory_space<vmem>> -> memref<128xi32, #tpu.memory_space<vmem>>
        %dma_wait3A_1036 = arith.constant 0 : i32
        %dma_wait3A_1037 = arith.constant 0 : i32
        %dma_wait3A_1038 = tpu.memref_slice %arg11[%dma_wait3A_1036, %dma_wait3A_1037] : memref<5120x128xf32, #tpu.memory_space<vmem_shared>> -> memref<5120x128xf32, #tpu.memory_space<vmem_shared>>
        tpu.wait_indirect_dma semaphore(%arg13 : memref<!tpu.dma_semaphore, #tpu.memory_space<semaphore_mem>>) src(%dma_wait3A_1032 : memref<128x128xf32, #tpu.memory_space<vmem>>) dst(%dma_wait3A_1038 : memref<5120x128xf32, #tpu.memory_space<vmem_shared>>)
      } else {
      }
      %add3A_906 = arith.constant 2 : i32
      %add3A_907 = arith.addi %mul3A_876, %add3A_906 : i32
      %dma_start3A_908 = arith.constant 256 : i32
      %dma_start3A_909 = arith.constant 0 : i32
      %dma_start3A_910 = tpu.memref_slice %arg9[%dma_start3A_908, %dma_start3A_909] : memref<512x128xf32, #tpu.memory_space<vmem>> -> memref<128x128xf32, #tpu.memory_space<vmem>>
      %dma_start3A_911 = arith.constant 0 : i32
      %dma_start3A_912 = tpu.memref_slice %arg6[%add3A_907, %dma_start3A_911] : memref<80x128xi32, #tpu.memory_space<vmem>> -> memref<1x128xi32, #tpu.memory_space<vmem>>
      %dma_start3A_913 = tpu.memref_squeeze %dma_start3A_912 : memref<1x128xi32, #tpu.memory_space<vmem>> -> memref<128xi32, #tpu.memory_space<vmem>>
      %dma_start3A_914 = arith.constant 0 : i32
      %dma_start3A_915 = arith.constant 0 : i32
      %dma_start3A_916 = tpu.memref_slice %arg2[%dma_start3A_914, %dma_start3A_915] : memref<10000x128xf32, #tpu.memory_space<hbm>> -> memref<10000x128xf32, #tpu.memory_space<hbm>>
      %dma_start3A_917 = arith.constant -1 : i32
      tpu.enqueue_indirect_dma source(%dma_start3A_916 : memref<10000x128xf32, #tpu.memory_space<hbm>>) target(%dma_start3A_910 : memref<128x128xf32, #tpu.memory_space<vmem>>) offsets(%dma_start3A_913 : memref<128xi32, #tpu.memory_space<vmem>>) offset_filter(%dma_start3A_917) semaphore(%arg12 : memref<!tpu.dma_semaphore, #tpu.memory_space<semaphore_mem>>)
      %add3A_918 = arith.constant 3 : i32
      %add3A_919 = arith.addi %mul3A_876, %add3A_918 : i32
      %dma_start3A_920 = arith.constant 384 : i32
      %dma_start3A_921 = arith.constant 0 : i32
      %dma_start3A_922 = tpu.memref_slice %arg9[%dma_start3A_920, %dma_start3A_921] : memref<512x128xf32, #tpu.memory_space<vmem>> -> memref<128x128xf32, #tpu.memory_space<vmem>>
      %dma_start3A_923 = arith.constant 0 : i32
      %dma_start3A_924 = tpu.memref_slice %arg6[%add3A_919, %dma_start3A_923] : memref<80x128xi32, #tpu.memory_space<vmem>> -> memref<1x128xi32, #tpu.memory_space<vmem>>
      %dma_start3A_925 = tpu.memref_squeeze %dma_start3A_924 : memref<1x128xi32, #tpu.memory_space<vmem>> -> memref<128xi32, #tpu.memory_space<vmem>>
      %dma_start3A_926 = arith.constant 0 : i32
      %dma_start3A_927 = arith.constant 0 : i32
      %dma_start3A_928 = tpu.memref_slice %arg2[%dma_start3A_926, %dma_start3A_927] : memref<10000x128xf32, #tpu.memory_space<hbm>> -> memref<10000x128xf32, #tpu.memory_space<hbm>>
      %dma_start3A_929 = arith.constant -1 : i32
      tpu.enqueue_indirect_dma source(%dma_start3A_928 : memref<10000x128xf32, #tpu.memory_space<hbm>>) target(%dma_start3A_922 : memref<128x128xf32, #tpu.memory_space<vmem>>) offsets(%dma_start3A_925 : memref<128xi32, #tpu.memory_space<vmem>>) offset_filter(%dma_start3A_929) semaphore(%arg12 : memref<!tpu.dma_semaphore, #tpu.memory_space<semaphore_mem>>)
      %dma_wait3A_930 = arith.constant 0 : i32
      %dma_wait3A_931 = arith.constant 0 : i32
      %dma_wait3A_932 = tpu.memref_slice %arg9[%dma_wait3A_930, %dma_wait3A_931] : memref<512x128xf32, #tpu.memory_space<vmem>> -> memref<128x128xf32, #tpu.memory_space<vmem>>
      %dma_wait3A_933 = arith.constant 0 : i32
      %dma_wait3A_934 = tpu.memref_slice %arg6[%mul3A_876, %dma_wait3A_933] : memref<80x128xi32, #tpu.memory_space<vmem>> -> memref<1x128xi32, #tpu.memory_space<vmem>>
      %dma_wait3A_935 = tpu.memref_squeeze %dma_wait3A_934 : memref<1x128xi32, #tpu.memory_space<vmem>> -> memref<128xi32, #tpu.memory_space<vmem>>
      %dma_wait3A_936 = arith.constant 0 : i32
      %dma_wait3A_937 = arith.constant 0 : i32
      %dma_wait3A_938 = tpu.memref_slice %arg2[%dma_wait3A_936, %dma_wait3A_937] : memref<10000x128xf32, #tpu.memory_space<hbm>> -> memref<10000x128xf32, #tpu.memory_space<hbm>>
      tpu.wait_indirect_dma semaphore(%arg12 : memref<!tpu.dma_semaphore, #tpu.memory_space<semaphore_mem>>) src(%dma_wait3A_938 : memref<10000x128xf32, #tpu.memory_space<hbm>>) dst(%dma_wait3A_932 : memref<128x128xf32, #tpu.memory_space<vmem>>)
      %add3A_939 = arith.constant 1 : i32
      %add3A_940 = arith.addi %mul3A_876, %add3A_939 : i32
      %dma_wait3A_941 = arith.constant 128 : i32
      %dma_wait3A_942 = arith.constant 0 : i32
      %dma_wait3A_943 = tpu.memref_slice %arg9[%dma_wait3A_941, %dma_wait3A_942] : memref<512x128xf32, #tpu.memory_space<vmem>> -> memref<128x128xf32, #tpu.memory_space<vmem>>
      %dma_wait3A_944 = arith.constant 0 : i32
      %dma_wait3A_945 = tpu.memref_slice %arg6[%add3A_940, %dma_wait3A_944] : memref<80x128xi32, #tpu.memory_space<vmem>> -> memref<1x128xi32, #tpu.memory_space<vmem>>
      %dma_wait3A_946 = tpu.memref_squeeze %dma_wait3A_945 : memref<1x128xi32, #tpu.memory_space<vmem>> -> memref<128xi32, #tpu.memory_space<vmem>>
      %dma_wait3A_947 = arith.constant 0 : i32
      %dma_wait3A_948 = arith.constant 0 : i32
      %dma_wait3A_949 = tpu.memref_slice %arg2[%dma_wait3A_947, %dma_wait3A_948] : memref<10000x128xf32, #tpu.memory_space<hbm>> -> memref<10000x128xf32, #tpu.memory_space<hbm>>
      tpu.wait_indirect_dma semaphore(%arg12 : memref<!tpu.dma_semaphore, #tpu.memory_space<semaphore_mem>>) src(%dma_wait3A_949 : memref<10000x128xf32, #tpu.memory_space<hbm>>) dst(%dma_wait3A_943 : memref<128x128xf32, #tpu.memory_space<vmem>>)
      %dma_start3A_950 = arith.constant 0 : i32
      %dma_start3A_951 = arith.constant 0 : i32
      %dma_start3A_952 = tpu.memref_slice %arg9[%dma_start3A_950, %dma_start3A_951] : memref<512x128xf32, #tpu.memory_space<vmem>> -> memref<128x128xf32, #tpu.memory_space<vmem>>
      %dma_start3A_953 = arith.constant 0 : i32
      %dma_start3A_954 = tpu.memref_slice %arg7[%mul3A_876, %dma_start3A_953] : memref<80x128xi32, #tpu.memory_space<vmem>> -> memref<1x128xi32, #tpu.memory_space<vmem>>
      %dma_start3A_955 = tpu.memref_squeeze %dma_start3A_954 : memref<1x128xi32, #tpu.memory_space<vmem>> -> memref<128xi32, #tpu.memory_space<vmem>>
      %dma_start3A_956 = arith.constant 0 : i32
      %dma_start3A_957 = arith.constant 0 : i32
      %dma_start3A_958 = tpu.memref_slice %arg11[%dma_start3A_956, %dma_start3A_957] : memref<5120x128xf32, #tpu.memory_space<vmem_shared>> -> memref<5120x128xf32, #tpu.memory_space<vmem_shared>>
      %dma_start3A_959 = arith.constant -1 : i32
      tpu.enqueue_indirect_dma source(%dma_start3A_952 : memref<128x128xf32, #tpu.memory_space<vmem>>) target(%dma_start3A_958 : memref<5120x128xf32, #tpu.memory_space<vmem_shared>>) offsets(%dma_start3A_955 : memref<128xi32, #tpu.memory_space<vmem>>) offset_filter(%dma_start3A_959) semaphore(%arg13 : memref<!tpu.dma_semaphore, #tpu.memory_space<semaphore_mem>>) {add = true}
      %add3A_960 = arith.constant 1 : i32
      %add3A_961 = arith.addi %mul3A_876, %add3A_960 : i32
      %dma_start3A_962 = arith.constant 128 : i32
      %dma_start3A_963 = arith.constant 0 : i32
      %dma_start3A_964 = tpu.memref_slice %arg9[%dma_start3A_962, %dma_start3A_963] : memref<512x128xf32, #tpu.memory_space<vmem>> -> memref<128x128xf32, #tpu.memory_space<vmem>>
      %dma_start3A_965 = arith.constant 0 : i32
      %dma_start3A_966 = tpu.memref_slice %arg7[%add3A_961, %dma_start3A_965] : memref<80x128xi32, #tpu.memory_space<vmem>> -> memref<1x128xi32, #tpu.memory_space<vmem>>
      %dma_start3A_967 = tpu.memref_squeeze %dma_start3A_966 : memref<1x128xi32, #tpu.memory_space<vmem>> -> memref<128xi32, #tpu.memory_space<vmem>>
      %dma_start3A_968 = arith.constant 0 : i32
      %dma_start3A_969 = arith.constant 0 : i32
      %dma_start3A_970 = tpu.memref_slice %arg11[%dma_start3A_968, %dma_start3A_969] : memref<5120x128xf32, #tpu.memory_space<vmem_shared>> -> memref<5120x128xf32, #tpu.memory_space<vmem_shared>>
      %dma_start3A_971 = arith.constant -1 : i32
      tpu.enqueue_indirect_dma source(%dma_start3A_964 : memref<128x128xf32, #tpu.memory_space<vmem>>) target(%dma_start3A_970 : memref<5120x128xf32, #tpu.memory_space<vmem_shared>>) offsets(%dma_start3A_967 : memref<128xi32, #tpu.memory_space<vmem>>) offset_filter(%dma_start3A_971) semaphore(%arg13 : memref<!tpu.dma_semaphore, #tpu.memory_space<semaphore_mem>>) {add = true}
    }
    %scan3A_793 = arith.constant 20 : i32
    %dma_wait3A = arith.constant 76 : i32
    %dma_wait3A_794 = arith.constant 0 : i32
    %dma_wait3A_795 = arith.constant 0 : i32
    %dma_wait3A_796 = tpu.memref_slice %arg9[%dma_wait3A_794, %dma_wait3A_795] : memref<512x128xf32, #tpu.memory_space<vmem>> -> memref<128x128xf32, #tpu.memory_space<vmem>>
    %dma_wait3A_797 = arith.constant 0 : i32
    %dma_wait3A_798 = tpu.memref_slice %arg7[%dma_wait3A, %dma_wait3A_797] : memref<80x128xi32, #tpu.memory_space<vmem>> -> memref<1x128xi32, #tpu.memory_space<vmem>>
    %dma_wait3A_799 = tpu.memref_squeeze %dma_wait3A_798 : memref<1x128xi32, #tpu.memory_space<vmem>> -> memref<128xi32, #tpu.memory_space<vmem>>
    %dma_wait3A_800 = arith.constant 0 : i32
    %dma_wait3A_801 = arith.constant 0 : i32
    %dma_wait3A_802 = tpu.memref_slice %arg11[%dma_wait3A_800, %dma_wait3A_801] : memref<5120x128xf32, #tpu.memory_space<vmem_shared>> -> memref<5120x128xf32, #tpu.memory_space<vmem_shared>>
    tpu.wait_indirect_dma semaphore(%arg13 : memref<!tpu.dma_semaphore, #tpu.memory_space<semaphore_mem>>) src(%dma_wait3A_796 : memref<128x128xf32, #tpu.memory_space<vmem>>) dst(%dma_wait3A_802 : memref<5120x128xf32, #tpu.memory_space<vmem_shared>>)
    %dma_wait3A_803 = arith.constant 77 : i32
    %dma_wait3A_804 = arith.constant 128 : i32
    %dma_wait3A_805 = arith.constant 0 : i32
    %dma_wait3A_806 = tpu.memref_slice %arg9[%dma_wait3A_804, %dma_wait3A_805] : memref<512x128xf32, #tpu.memory_space<vmem>> -> memref<128x128xf32, #tpu.memory_space<vmem>>
    %dma_wait3A_807 = arith.constant 0 : i32
    %dma_wait3A_808 = tpu.memref_slice %arg7[%dma_wait3A_803, %dma_wait3A_807] : memref<80x128xi32, #tpu.memory_space<vmem>> -> memref<1x128xi32, #tpu.memory_space<vmem>>
    %dma_wait3A_809 = tpu.memref_squeeze %dma_wait3A_808 : memref<1x128xi32, #tpu.memory_space<vmem>> -> memref<128xi32, #tpu.memory_space<vmem>>
    %dma_wait3A_810 = arith.constant 0 : i32
    %dma_wait3A_811 = arith.constant 0 : i32
    %dma_wait3A_812 = tpu.memref_slice %arg11[%dma_wait3A_810, %dma_wait3A_811] : memref<5120x128xf32, #tpu.memory_space<vmem_shared>> -> memref<5120x128xf32, #tpu.memory_space<vmem_shared>>
    tpu.wait_indirect_dma semaphore(%arg13 : memref<!tpu.dma_semaphore, #tpu.memory_space<semaphore_mem>>) src(%dma_wait3A_806 : memref<128x128xf32, #tpu.memory_space<vmem>>) dst(%dma_wait3A_812 : memref<5120x128xf32, #tpu.memory_space<vmem_shared>>)
    %dma_wait3A_813 = arith.constant 78 : i32
    %dma_wait3A_814 = arith.constant 256 : i32
    %dma_wait3A_815 = arith.constant 0 : i32
    %dma_wait3A_816 = tpu.memref_slice %arg9[%dma_wait3A_814, %dma_wait3A_815] : memref<512x128xf32, #tpu.memory_space<vmem>> -> memref<128x128xf32, #tpu.memory_space<vmem>>
    %dma_wait3A_817 = arith.constant 0 : i32
    %dma_wait3A_818 = tpu.memref_slice %arg6[%dma_wait3A_813, %dma_wait3A_817] : memref<80x128xi32, #tpu.memory_space<vmem>> -> memref<1x128xi32, #tpu.memory_space<vmem>>
    %dma_wait3A_819 = tpu.memref_squeeze %dma_wait3A_818 : memref<1x128xi32, #tpu.memory_space<vmem>> -> memref<128xi32, #tpu.memory_space<vmem>>
    %dma_wait3A_820 = arith.constant 0 : i32
    %dma_wait3A_821 = arith.constant 0 : i32
    %dma_wait3A_822 = tpu.memref_slice %arg2[%dma_wait3A_820, %dma_wait3A_821] : memref<10000x128xf32, #tpu.memory_space<hbm>> -> memref<10000x128xf32, #tpu.memory_space<hbm>>
    tpu.wait_indirect_dma semaphore(%arg12 : memref<!tpu.dma_semaphore, #tpu.memory_space<semaphore_mem>>) src(%dma_wait3A_822 : memref<10000x128xf32, #tpu.memory_space<hbm>>) dst(%dma_wait3A_816 : memref<128x128xf32, #tpu.memory_space<vmem>>)
    %dma_wait3A_823 = arith.constant 79 : i32
    %dma_wait3A_824 = arith.constant 384 : i32
    %dma_wait3A_825 = arith.constant 0 : i32
    %dma_wait3A_826 = tpu.memref_slice %arg9[%dma_wait3A_824, %dma_wait3A_825] : memref<512x128xf32, #tpu.memory_space<vmem>> -> memref<128x128xf32, #tpu.memory_space<vmem>>
    %dma_wait3A_827 = arith.constant 0 : i32
    %dma_wait3A_828 = tpu.memref_slice %arg6[%dma_wait3A_823, %dma_wait3A_827] : memref<80x128xi32, #tpu.memory_space<vmem>> -> memref<1x128xi32, #tpu.memory_space<vmem>>
    %dma_wait3A_829 = tpu.memref_squeeze %dma_wait3A_828 : memref<1x128xi32, #tpu.memory_space<vmem>> -> memref<128xi32, #tpu.memory_space<vmem>>
    %dma_wait3A_830 = arith.constant 0 : i32
    %dma_wait3A_831 = arith.constant 0 : i32
    %dma_wait3A_832 = tpu.memref_slice %arg2[%dma_wait3A_830, %dma_wait3A_831] : memref<10000x128xf32, #tpu.memory_space<hbm>> -> memref<10000x128xf32, #tpu.memory_space<hbm>>
    tpu.wait_indirect_dma semaphore(%arg12 : memref<!tpu.dma_semaphore, #tpu.memory_space<semaphore_mem>>) src(%dma_wait3A_832 : memref<10000x128xf32, #tpu.memory_space<hbm>>) dst(%dma_wait3A_826 : memref<128x128xf32, #tpu.memory_space<vmem>>)
    %dma_start3A = arith.constant 78 : i32
    %dma_start3A_833 = arith.constant 256 : i32
    %dma_start3A_834 = arith.constant 0 : i32
    %dma_start3A_835 = tpu.memref_slice %arg9[%dma_start3A_833, %dma_start3A_834] : memref<512x128xf32, #tpu.memory_space<vmem>> -> memref<128x128xf32, #tpu.memory_space<vmem>>
    %dma_start3A_836 = arith.constant 0 : i32
    %dma_start3A_837 = tpu.memref_slice %arg7[%dma_start3A, %dma_start3A_836] : memref<80x128xi32, #tpu.memory_space<vmem>> -> memref<1x128xi32, #tpu.memory_space<vmem>>
    %dma_start3A_838 = tpu.memref_squeeze %dma_start3A_837 : memref<1x128xi32, #tpu.memory_space<vmem>> -> memref<128xi32, #tpu.memory_space<vmem>>
    %dma_start3A_839 = arith.constant 0 : i32
    %dma_start3A_840 = arith.constant 0 : i32
    %dma_start3A_841 = tpu.memref_slice %arg11[%dma_start3A_839, %dma_start3A_840] : memref<5120x128xf32, #tpu.memory_space<vmem_shared>> -> memref<5120x128xf32, #tpu.memory_space<vmem_shared>>
    %dma_start3A_842 = arith.constant -1 : i32
    tpu.enqueue_indirect_dma source(%dma_start3A_835 : memref<128x128xf32, #tpu.memory_space<vmem>>) target(%dma_start3A_841 : memref<5120x128xf32, #tpu.memory_space<vmem_shared>>) offsets(%dma_start3A_838 : memref<128xi32, #tpu.memory_space<vmem>>) offset_filter(%dma_start3A_842) semaphore(%arg13 : memref<!tpu.dma_semaphore, #tpu.memory_space<semaphore_mem>>) {add = true}
    %dma_start3A_843 = arith.constant 79 : i32
    %dma_start3A_844 = arith.constant 384 : i32
    %dma_start3A_845 = arith.constant 0 : i32
    %dma_start3A_846 = tpu.memref_slice %arg9[%dma_start3A_844, %dma_start3A_845] : memref<512x128xf32, #tpu.memory_space<vmem>> -> memref<128x128xf32, #tpu.memory_space<vmem>>
    %dma_start3A_847 = arith.constant 0 : i32
    %dma_start3A_848 = tpu.memref_slice %arg7[%dma_start3A_843, %dma_start3A_847] : memref<80x128xi32, #tpu.memory_space<vmem>> -> memref<1x128xi32, #tpu.memory_space<vmem>>
    %dma_start3A_849 = tpu.memref_squeeze %dma_start3A_848 : memref<1x128xi32, #tpu.memory_space<vmem>> -> memref<128xi32, #tpu.memory_space<vmem>>
    %dma_start3A_850 = arith.constant 0 : i32
    %dma_start3A_851 = arith.constant 0 : i32
    %dma_start3A_852 = tpu.memref_slice %arg11[%dma_start3A_850, %dma_start3A_851] : memref<5120x128xf32, #tpu.memory_space<vmem_shared>> -> memref<5120x128xf32, #tpu.memory_space<vmem_shared>>
    %dma_start3A_853 = arith.constant -1 : i32
    tpu.enqueue_indirect_dma source(%dma_start3A_846 : memref<128x128xf32, #tpu.memory_space<vmem>>) target(%dma_start3A_852 : memref<5120x128xf32, #tpu.memory_space<vmem_shared>>) offsets(%dma_start3A_849 : memref<128xi32, #tpu.memory_space<vmem>>) offset_filter(%dma_start3A_853) semaphore(%arg13 : memref<!tpu.dma_semaphore, #tpu.memory_space<semaphore_mem>>) {add = true}
    %dma_wait3A_854 = arith.constant 78 : i32
    %dma_wait3A_855 = arith.constant 256 : i32
    %dma_wait3A_856 = arith.constant 0 : i32
    %dma_wait3A_857 = tpu.memref_slice %arg9[%dma_wait3A_855, %dma_wait3A_856] : memref<512x128xf32, #tpu.memory_space<vmem>> -> memref<128x128xf32, #tpu.memory_space<vmem>>
    %dma_wait3A_858 = arith.constant 0 : i32
    %dma_wait3A_859 = tpu.memref_slice %arg7[%dma_wait3A_854, %dma_wait3A_858] : memref<80x128xi32, #tpu.memory_space<vmem>> -> memref<1x128xi32, #tpu.memory_space<vmem>>
    %dma_wait3A_860 = tpu.memref_squeeze %dma_wait3A_859 : memref<1x128xi32, #tpu.memory_space<vmem>> -> memref<128xi32, #tpu.memory_space<vmem>>
    %dma_wait3A_861 = arith.constant 0 : i32
    %dma_wait3A_862 = arith.constant 0 : i32
    %dma_wait3A_863 = tpu.memref_slice %arg11[%dma_wait3A_861, %dma_wait3A_862] : memref<5120x128xf32, #tpu.memory_space<vmem_shared>> -> memref<5120x128xf32, #tpu.memory_space<vmem_shared>>
    tpu.wait_indirect_dma semaphore(%arg13 : memref<!tpu.dma_semaphore, #tpu.memory_space<semaphore_mem>>) src(%dma_wait3A_857 : memref<128x128xf32, #tpu.memory_space<vmem>>) dst(%dma_wait3A_863 : memref<5120x128xf32, #tpu.memory_space<vmem_shared>>)
    %dma_wait3A_864 = arith.constant 79 : i32
    %dma_wait3A_865 = arith.constant 384 : i32
    %dma_wait3A_866 = arith.constant 0 : i32
    %dma_wait3A_867 = tpu.memref_slice %arg9[%dma_wait3A_865, %dma_wait3A_866] : memref<512x128xf32, #tpu.memory_space<vmem>> -> memref<128x128xf32, #tpu.memory_space<vmem>>
    %dma_wait3A_868 = arith.constant 0 : i32
    %dma_wait3A_869 = tpu.memref_slice %arg7[%dma_wait3A_864, %dma_wait3A_868] : memref<80x128xi32, #tpu.memory_space<vmem>> -> memref<1x128xi32, #tpu.memory_space<vmem>>
    %dma_wait3A_870 = tpu.memref_squeeze %dma_wait3A_869 : memref<1x128xi32, #tpu.memory_space<vmem>> -> memref<128xi32, #tpu.memory_space<vmem>>
    %dma_wait3A_871 = arith.constant 0 : i32
    %dma_wait3A_872 = arith.constant 0 : i32
    %dma_wait3A_873 = tpu.memref_slice %arg11[%dma_wait3A_871, %dma_wait3A_872] : memref<5120x128xf32, #tpu.memory_space<vmem_shared>> -> memref<5120x128xf32, #tpu.memory_space<vmem_shared>>
    tpu.wait_indirect_dma semaphore(%arg13 : memref<!tpu.dma_semaphore, #tpu.memory_space<semaphore_mem>>) src(%dma_wait3A_867 : memref<128x128xf32, #tpu.memory_space<vmem>>) dst(%dma_wait3A_873 : memref<5120x128xf32, #tpu.memory_space<vmem_shared>>)
    "tpu.region"() ({
      %run_scoped3A = tpu.sem_alloc : memref<!tpu.dma_semaphore, #tpu.memory_space<semaphore_mem>>
      %dma_start3A_874 = arith.constant 0 : i32
      %dma_start3A_875 = tpu.memref_slice %arg5[%mul3A_4, %dma_start3A_874] : memref<10240x128xf32, #tpu.memory_space<hbm>> -> memref<320x128xf32, #tpu.memory_space<hbm>>
      %dma_start3A_876 = arith.constant 0 : i32
      %dma_start3A_877 = tpu.memref_slice %arg11[%mul3A_2, %dma_start3A_876] : memref<5120x128xf32, #tpu.memory_space<vmem_shared>> -> memref<320x128xf32, #tpu.memory_space<vmem_shared>>
      tpu.enqueue_dma source(%dma_start3A_877 : memref<320x128xf32, #tpu.memory_space<vmem_shared>>) target(%dma_start3A_875 : memref<320x128xf32, #tpu.memory_space<hbm>>) target_semaphore(%run_scoped3A : memref<!tpu.dma_semaphore, #tpu.memory_space<semaphore_mem>>)
      %dma_wait3A_878 = arith.constant 0 : i32
      %dma_wait3A_879 = tpu.memref_slice %arg5[%mul3A_4, %dma_wait3A_878] : memref<10240x128xf32, #tpu.memory_space<hbm>> -> memref<320x128xf32, #tpu.memory_space<hbm>>
      %dma_wait3A_880 = arith.constant 0 : i32
      %dma_wait3A_881 = tpu.memref_slice %arg11[%mul3A_2, %dma_wait3A_880] : memref<5120x128xf32, #tpu.memory_space<vmem_shared>> -> memref<320x128xf32, #tpu.memory_space<vmem_shared>>
      tpu.wait_dma2 semaphore(%run_scoped3A : memref<!tpu.dma_semaphore, #tpu.memory_space<semaphore_mem>>) src(%dma_wait3A_881 : memref<320x128xf32, #tpu.memory_space<vmem_shared>>) dst(%dma_wait3A_879 : memref<320x128xf32, #tpu.memory_space<hbm>>)
      tpu.yield
    }) : () -> ()
    return
  }
}

module attributes {stable_mosaic.version = 14 : i64} {
  func.func @_tc_dense_body(%arg0: i32, %arg1: memref<1000x128xf32, #tpu.memory_space<vmem>>, %arg2: memref<1000x128xf32, #tpu.memory_space<vmem>>, %arg3: memref<1000x1xi32, #tpu.memory_space<vmem>>, %arg4: memref<128x128xf32, #tpu.memory_space<vmem>>, %arg5: memref<128x128xf32, #tpu.memory_space<vmem>>, %arg6: memref<1000x128xf32, #tpu.memory_space<vmem>>) attributes {dimension_semantics = [#tpu.dimension_semantics<arbitrary>], iteration_bounds = array<i64: 10>, scalar_prefetch = 0 : i64, scratch_operands = 0 : i64, tpu.core_type = #tpu.core_type<tc>, window_params = [{transform_indices = @transform_0, window_bounds = array<i64: 1000, 128>}, {transform_indices = @transform_1, window_bounds = array<i64: 1000, 128>}, {transform_indices = @transform_2, window_bounds = array<i64: 1000, 1>}, {pipeline_mode = #tpu.pipeline_mode<synchronous>, transform_indices = @transform_3, window_bounds = array<i64: 128, 128>}, {pipeline_mode = #tpu.pipeline_mode<synchronous>, transform_indices = @transform_4, window_bounds = array<i64: 128, 128>}, {transform_indices = @transform_5, window_bounds = array<i64: 1000, 128>}]} {
    %get3A = arith.constant 0 : index
    %get3A_0 = arith.constant 0 : index
    %get3A_1 = vector.load %arg3[%get3A, %get3A_0] : memref<1000x1xi32, #tpu.memory_space<vmem>>, vector<1000x1xi32>
    %max3A = arith.constant 1 : i32
    %max3A_2 = vector.broadcast %max3A : i32 to vector<1000x1xi32>
    %max3A_3 = arith.maxsi %get3A_1, %max3A_2 : vector<1000x1xi32>
    %convert_element_type3A = arith.sitofp %max3A_3 : vector<1000x1xi32> to vector<1000x1xf32>
    %get3A_4 = arith.constant 0 : index
    %get3A_5 = arith.constant 0 : index
    %get3A_6 = vector.load %arg1[%get3A_4, %get3A_5] : memref<1000x128xf32, #tpu.memory_space<vmem>>, vector<1000x128xf32>
    %div3A = vector.broadcast %convert_element_type3A : vector<1000x1xf32> to vector<1000x128xf32>
    %div3A_7 = arith.divf %get3A_6, %div3A : vector<1000x128xf32>
    %get3A_8 = arith.constant 0 : index
    %get3A_9 = arith.constant 0 : index
    %get3A_10 = vector.load %arg4[%get3A_8, %get3A_9] : memref<128x128xf32, #tpu.memory_space<vmem>>, vector<128x128xf32>
    %dot_general3A = arith.constant dense<0.000000e+00> : vector<1000x128xf32>
    %dot_general3A_11 = tpu.matmul %div3A_7, %get3A_10, %dot_general3A {dimension_numbers = #tpu.dot_dimension_numbers<[1], [0], [0], [1], [0, 0, 1, 1], [], []>, transpose_lhs_hint = false} : vector<1000x128xf32>, vector<128x128xf32>, vector<1000x128xf32> -> vector<1000x128xf32>
    %get3A_12 = arith.constant 0 : index
    %get3A_13 = arith.constant 0 : index
    %get3A_14 = vector.load %arg2[%get3A_12, %get3A_13] : memref<1000x128xf32, #tpu.memory_space<vmem>>, vector<1000x128xf32>
    %get3A_15 = arith.constant 0 : index
    %get3A_16 = arith.constant 0 : index
    %get3A_17 = vector.load %arg5[%get3A_15, %get3A_16] : memref<128x128xf32, #tpu.memory_space<vmem>>, vector<128x128xf32>
    %dot_general3A_18 = arith.constant dense<0.000000e+00> : vector<1000x128xf32>
    %dot_general3A_19 = tpu.matmul %get3A_14, %get3A_17, %dot_general3A_18 {dimension_numbers = #tpu.dot_dimension_numbers<[1], [0], [0], [1], [0, 0, 1, 1], [], []>, transpose_lhs_hint = false} : vector<1000x128xf32>, vector<128x128xf32>, vector<1000x128xf32> -> vector<1000x128xf32>
    %add3A = arith.addf %dot_general3A_11, %dot_general3A_19 : vector<1000x128xf32>
    %max3A_20 = arith.constant 0.000000e+00 : f32
    %max3A_21 = vector.broadcast %max3A_20 : f32 to vector<1000x128xf32>
    %max3A_22 = arith.maximumf %add3A, %max3A_21 : vector<1000x128xf32>
    %swap3A = arith.constant 0 : index
    %swap3A_23 = arith.constant 0 : index
    %swap3A_24 = vector.load %arg6[%swap3A, %swap3A_23] : memref<1000x128xf32, #tpu.memory_space<vmem>>, vector<1000x128xf32>
    tpu.vector_store %arg6[%swap3A, %swap3A_23], %max3A_22 {strides = array<i32>} : memref<1000x128xf32, #tpu.memory_space<vmem>>, vector<1000x128xf32>,
    return
  }
  func.func @transform_0(%arg0: i32) -> (i32, i32) {
    %c0_i32 = arith.constant 0 : i32
    %c0_i32_0 = arith.constant 0 : i32
    return %arg0, %c0_i32 : i32, i32
  }
  func.func @transform_1(%arg0: i32) -> (i32, i32) {
    %c0_i32 = arith.constant 0 : i32
    %c0_i32_0 = arith.constant 0 : i32
    return %arg0, %c0_i32 : i32, i32
  }
  func.func @transform_2(%arg0: i32) -> (i32, i32) {
    %c0_i32 = arith.constant 0 : i32
    %c0_i32_0 = arith.constant 0 : i32
    return %arg0, %c0_i32 : i32, i32
  }
  func.func @transform_3(%arg0: i32) -> (i32, i32) {
    %c0_i32 = arith.constant 0 : i32
    %c0_i32_0 = arith.constant 0 : i32
    %c0_i32_1 = arith.constant 0 : i32
    return %c0_i32, %c0_i32_0 : i32, i32
  }
  func.func @transform_4(%arg0: i32) -> (i32, i32) {
    %c0_i32 = arith.constant 0 : i32
    %c0_i32_0 = arith.constant 0 : i32
    %c0_i32_1 = arith.constant 0 : i32
    return %c0_i32, %c0_i32_0 : i32, i32
  }
  func.func @transform_5(%arg0: i32) -> (i32, i32) {
    %c0_i32 = arith.constant 0 : i32
    %c0_i32_0 = arith.constant 0 : i32
    return %arg0, %c0_i32 : i32, i32
  }
}

</mosaic_0001>

<sc_bundles>
// kernel: kernel.4.cloned.1.call-start
scs
__scs_entry_jumppad:
0x0: {  	(pc) =	sbr.rel $0x88, $3  }
0x1: {  	(tag) =	ssettag $0x0;
	lr =	simm.s32 $0x1  }
0x2: {  	[smem:$0x3F9C] =	sst lr;
	_ =	strace $0xD0000000  }
0x3: {  	_ = 	snop  }
0x4: {  	_ = 	snop  }
0x5: {  	_ = 	snop  }
0x6: {  	_ = 	snop  }
0x7: {  	_ = 	snop  }
__scs_overlays_trampoline_lowered:
0x8: {  	[smem:$0x3FAB] =	sst s0  }
0x9: {  	[smem:$0x3FAC] =	sst s1  }
0xa: {  	[smem:$0x3FAD] =	sst s2  }
0xb: {  	[smem:$0x3FAE] =	sst s3  }
0xc: {  	[smem:$0x3FAF] =	sst s4  }
0xd: {  	[smem:$0x3FB0] =	sst s5  }
0xe: {  	[smem:$0x3FB1] =	sst s6  }
0xf: {  	[smem:$0x3FB2] =	sst s7  }
0x10: {  	[smem:$0x3FB3] =	sst s8  }
0x11: {  	[smem:$0x3FB4] =	sst s9;
	s0 =	simm.s32 @!p0 $0x0  }
0x12: {  	s1 =	sld [smem:$0x3F9A];
	s0 =	simm.s32 @p0 $0x1  }
0x13: {  	[smem:$0x3FB5] =	sst s0;
	s0 =	simm.s32 @!p1 $0x0  }
0x14: {  	s2 =	sld [smem:$0x3F99];
	s0 =	simm.s32 @p1 $0x1  }
0x15: {  	[smem:$0x3FB6] =	sst s0;
	s0 =	simm.s32 @!p2 $0x0  }
0x16: {  	s3 =	sld [smem:$0x3FDB];
	s0 =	simm.s32 @p2 $0x1  }
0x17: {  	s4 =	simm.s32 $0x1BF5;
	[smem:$0x3FB8] =	sst s0  }
0x18: {  	s0 =	sld [smem:$0x3F9B];
	_ =	swait.ge [sflag:s4], $0x0  }
0x19: {  	s7 =	sld [smem:$0x3F9C]  }
0x1a: {  	s8 =	sadd.s32 $0xFFFFE003, lr  }
0x1b: {  	s9 =	sadd.s32 $0xFFFFFEF7, lr;
	s5 =	simm.s32 $0xFFFFFFFF;
	p2 =	slt.u32 s8, $0xFFFFF086  }
0x1c: {  	p1 =	slt.u32 s9, $0xF7A;
	s5 =	simm.s32 @!p2 $0x0  }
0x1d: {  	s5 =	simm.s32 @p1 $0x1;
	p0 =	seq.s32 s7, s2  }
0x1e: {  	s7 =	smul.u32 @!p0 $0xF7A, s2;
	p2 =	seq.s32 @!p0 s5, $0x0  }
0x1f: {  	s9 =	smul.u32 $0xF7A, s1;
	s8 =	simm.s32 @!p0 $0x1BF5;
	p2 =	por !p2, p0  }
0x20: {  	[sflag:s8] =	ssyncset.s32 @!p0 $0xFFFFF086;
	s6 =	sadd.s32 @!p0 s3, s7;
	s7 =	simm.s32 @!p0 $0x108  }
0x21: {  	s3 =	sadd.s32 s3, s9;
	s6 =	sadd.s32 @!p0 $0x88, s6;
	s7 =	simm.s32 @p2 $0x1082  }
0x22: {  	[simem:s7], [sflag:s8] =	dma.local @!p0 [hbm:s6], $0xF7A  }
0x23: {  	s9 =	sor.u32 $0xD0000000, s2;
	s6 =	simm.s32 $0x108;
	_ =	swait.ge @!p0 [sflag:s8], $0x0  }
0x24: {  	s3 =	sadd.s32 $0x88, s3;
	s6 =	simm.s32 @!p1 $0x1082;
	[sflag:s4] =	ssyncset.s32 $0xFFFFF086  }
0x25: {  	[simem:s6], [sflag:s4] =	dma.local [hbm:s3], $0xF7A  }
0x26: {  	[smem:$0x3F9C] =	sst s1;
	(tag) =	ssettag s2;
	_ =	strace s9  }
0x27: {  	s1 =	sld [smem:$0x3FAC]  }
0x28: {  	s2 =	sld [smem:$0x3FAD]  }
0x29: {  	s4 =	sld [smem:$0x3FAF]  }
0x2a: {  	p0 =	seq.s32 s5, $0x0;
	s5 =	sld [smem:$0x3FB0]  }
0x2b: {  	s6 =	sld [smem:$0x3FB1]  }
0x2c: {  	s7 =	sld [smem:$0x3FB2]  }
0x2d: {  	s3 =	simm.s32 $0x108;
	s8 =	sld [smem:$0x3FB3]  }
0x2e: {  	s3 =	simm.s32 @!p0 $0x1082;
	s9 =	sld [smem:$0x3FB4]  }
0x2f: {  	lr =	sadd.s32 s0, s3;
	s0 =	sld [smem:$0x3FAB]  }
0x30: {  	s3 =	sld [smem:$0x3FAE]  }
0x31: {  	[smem:$0x3FB7] =	sst s10  }
0x32: {  	s10 =	sld [smem:$0x3FB5];
	_ =	sdelay $0x3  }
0x33: {  	p0 =	seq.s32 s10, $0x1;
	s10 =	sld [smem:$0x3FB7];
	_ =	sdelay $0x3  }
0x34: {  	[smem:$0x3FB7] =	sst s10  }
0x35: {  	s10 =	sld [smem:$0x3FB6];
	_ =	sdelay $0x3  }
0x36: {  	p1 =	seq.s32 s10, $0x1;
	s10 =	sld [smem:$0x3FB7];
	_ =	sdelay $0x3  }
0x37: {  	[smem:$0x3FB7] =	sst s10  }
0x38: {  	s10 =	sld [smem:$0x3FB8]  }
0x39: {  	_ = 	snop;
	(pc) =	sbr.ind lr, $3  }
0x3a: {  	_ = 	snop  }
0x3b: {  	_ = 	snop  }
0x3c: {  	p2 =	seq.s32 s10, $0x1;
	s10 =	sld [smem:$0x3FB7]  }
0x3d: {  	_ =	shalt  }
0x3e: {  	_ =	shalt  }
0x3f: {  	_ =	shalt  }
0x40: {  	_ =	shalt  }
0x41: {  	_ =	shalt  }
0x42: {  	_ =	shalt  }
0x43: {  	_ =	shalt  }
0x44: {  	_ =	shalt  }
0x45: {  	_ =	shalt  }
0x46: {  	_ =	shalt  }
0x47: {  	_ =	shalt  }
0x48: {  	_ =	shalt  }
0x49: {  	_ =	shalt  }
0x4a: {  	_ =	shalt  }
0x4b: {  	_ =	shalt  }
0x4c: {  	_ =	shalt  }
0x4d: {  	_ =	shalt  }
0x4e: {  	_ =	shalt  }
0x4f: {  	_ =	shalt  }
0x50: {  	_ =	shalt  }
0x51: {  	_ =	shalt  }
0x52: {  	_ =	shalt  }
0x53: {  	_ =	shalt  }
0x54: {  	_ =	shalt  }
0x55: {  	_ =	shalt  }
0x56: {  	_ =	shalt  }
0x57: {  	_ =	shalt  }
0x58: {  	_ =	shalt  }
0x59: {  	_ =	shalt  }
0x5a: {  	_ =	shalt  }
0x5b: {  	_ =	shalt  }
0x5c: {  	_ =	shalt  }
0x5d: {  	_ =	shalt  }
0x5e: {  	_ =	shalt  }
0x5f: {  	_ =	shalt  }
0x60: {  	_ =	shalt  }
0x61: {  	_ =	shalt  }
0x62: {  	_ =	shalt  }
0x63: {  	_ =	shalt  }
0x64: {  	_ =	shalt  }
0x65: {  	_ =	shalt  }
0x66: {  	_ =	shalt  }
0x67: {  	_ =	shalt  }
0x68: {  	_ =	shalt  }
0x69: {  	_ =	shalt  }
0x6a: {  	_ =	shalt  }
0x6b: {  	_ =	shalt  }
0x6c: {  	_ =	shalt  }
0x6d: {  	_ =	shalt  }
0x6e: {  	_ =	shalt  }
0x6f: {  	_ =	shalt  }
0x70: {  	_ =	shalt  }
0x71: {  	_ =	shalt  }
0x72: {  	_ =	shalt  }
0x73: {  	_ =	shalt  }
0x74: {  	_ =	shalt  }
0x75: {  	_ =	shalt  }
0x76: {  	_ =	shalt  }
0x77: {  	_ =	shalt  }
0x78: {  	_ =	shalt  }
0x79: {  	_ =	shalt  }
0x7a: {  	_ =	shalt  }
0x7b: {  	_ =	shalt  }
0x7c: {  	_ =	shalt  }
0x7d: {  	_ =	shalt  }
0x7e: {  	_ =	shalt  }
0x7f: {  	_ =	shalt  }
0x80: {  	_ =	shalt  }
0x81: {  	_ =	shalt  }
0x82: {  	_ =	shalt  }
0x83: {  	_ =	shalt  }
0x84: {  	_ =	shalt  }
0x85: {  	_ =	shalt  }
0x86: {  	_ =	shalt  }
0x87: {  	_ =	shalt  }
.Lfunc_end0:
.L_simem_size_0:
called_computation_lowered:
.L_overlay_start_0:
0x88: {  	s2 =	sld [smem:$0x3FD9]  }
0x89: {  	s3 =	sld [smem:$0x3FFE];
	_ =	sdelay $0x1  }
0x8a: {  	s1 =	srdreg.scid  }
0x8b: {  	s0 =	sand.u32 $0x1, s1  }
0x8c: {  	s17 =	sshll.u32 s0, $0xA;
	s2 =	sadd.s32 s3, s2  }
0x8d: {  	s2 =	sadd.s32 s2, s17  }
0x8e: {  	[smem:$0x3FC3] =	sst s2  }
0x8f: {  	_ = 	snop  }
0x90: {  	s2 =	sld [smem:$0x3FC9]  }
0x91: {  	s18 =	sld [smem:$0x3FD0];
	(tm) =	ssettm $0x1  }
0x92: {  	s4 =	sld [smem:$0x3FFB];
	_ =	sdelay $0x3  }
0x93: {  	_ =	strace s4  }
0x94: {  	s4 =	sld [smem:$0x3FFC];
	_ =	sdelay $0x3  }
0x95: {  	_ =	strace s4  }
0x96: {  	s4 =	sld [smem:$0x3FFD];
	_ =	sdelay $0x3  }
0x97: {  	_ =	strace s4  }
0x98: {  	_ =	strace $0x8FFFFFFF  }
0x99: {  	s19 =	sld [smem:$0x3FDB];
	_ =	sdelay $0x1  }
0x9a: {  	s5 =	simm.s32 $_scs_section_size  }
0x9b: {  	s6 =	simm.s32 $_size__tile_overlayer_lowered;
	s7 =	simm.s32 $_tile_overlayer_lowered  }
0x9c: {  	s22 =	simm.s32 $0x1BFF;
	s21 =	sshll.u32 s7, $0x1;
	s4 =	sadd.s32 s5, s19  }
0x9d: {  	s8 =	simm.s32 $0x0;
	s20 =	sshll.u32 s6, $0x1;
	s6 =	sadd.s32 s21, s4  }
0x9e: {  	[timem:s8], [sflag:s22] =	dma.local [hbm:s6], s20  }
0x9f: {  	_ =	swait.ge [sflag:s22], s20  }
0xa0: {  	s5 =	ssub.s32 $0x0, s20;
	[sflag:s22] =	ssyncset.done $0x0  }
0xa1: {  	[sflag:s22] =	ssyncadd.s32 s5;
	_ =	sdelay $0x1  }
0xa2: {  	s23 =	simm.s32 $0x1B8B  }
0xa3: {  	_ =	swait.ge [sflag:s23], $0x1  }
0xa4: {  	[sflag:s23] =	ssyncset.done $0x0  }
0xa5: {  	s25 =	simm.s32 $0x1B8E;
	s24 =	sld [smem:$0x3FFE];
	[sflag:s23] =	ssyncadd.s32 $0xFFFFFFFF  }
0xa6: {  	s26 =	simm.s32 $execute0_lowered;
	[smem:$0x3FD2] =	sst s25  }
0xa7: {  	s6 =	sshll.u32 s26, $0x1;
	_ =	strace $0x80000046;
	[dreg:$0x1] =	wrdreg $0xFFFFFFFF  }
0xa8: {  	s28 =	simm.s32 $_size_execute0_lowered;
	s4 =	sadd.s32 s4, s6;
	[dreg:$0x0] =	wrdreg $0x0  }
0xa9: {  	s6 =	sshll.u32 s28, $0x1;
	[dreg:$0x2] =	wrdreg s4  }
0xaa: {  	[dreg:$0x3] =	wrdreg s6  }
0xab: {  	[dreg:$0x4] =	wrdreg $0xC0  }
0xac: {  	_ =	task [dreg:s8], $0x5FFFF  }
0xad: {  	[dreg:$0x1] =	wrdreg $0xFFFFFFFF  }
0xae: {  	[dreg:$0x0] =	wrdreg $0x60  }
0xaf: {  	[dreg:$0x2] =	wrdreg s2  }
0xb0: {  	[dreg:$0x3] =	wrdreg s18  }
0xb1: {  	[dreg:$0x4] =	wrdreg s24  }
0xb2: {  	[dreg:$0x5] =	wrdreg $0x159800  }
0xb3: {  	[dreg:$0x6] =	wrdreg $0x9  }
0xb4: {  	_ =	task.clear_ibuf [dreg:s8], $0x7FFFF;
	_ =	strace $0x90000046  }
0xb5: {  	s29 =	simm.s32 $0x9;
	_ =	strace $0x80000048  }
0xb6: {  	_ =	swait.ge [sflag:s29], $0x1  }
0xb7: {  	[sflag:s29] =	ssyncadd.s32 $0xFFFFFFFF  }
0xb8: {  	_ =	strace $0x90000048  }
0xb9: {  	_ =	sfence  }
0xba: {  	s30 =	sld [smem:$0x0];
	_ =	sdelay $0x2  }
0xbb: {  	s31 =	sshll.u32 s1, $0xD;
	s1 =	sshrl.u32 s1, $0x2  }
0xbc: {  	s3 =	sand.u32 $0x4000, s31;
	s1 =	sadd.s32 s1, s30  }
0xbd: {  	s0 =	sor.u32 s3, s0;
	s1 =	sshll.u32 s1, $0x11  }
0xbe: {  	s0 =	sor.u32 s1, s0  }
0xbf: {  	s0 =	sadd.s32 $0x8F2B, s0  }
0xc0: {  	[sflag:s0] =	ssyncadd.remote.s32 $0x1  }
0xc1: {  	_ =	sfence.sel $0xFFFF  }
0xc2: {  	[dreg:$0x0] =	wrdreg $0xFFFFFFFF;
	(pc) =	sbr.abs _section_cstart, $3  }
0xc3: {  	[dreg:$0x1] =	wrdreg $0xFFFFFFFF  }
0xc4: {  	_ =	task.clear_ibuf [dreg:s8], $0x2FFFF;
	_ =	strace $0x9FFFFFFF  }
0xc5: {  	(tm) =	ssettm $0x7FFFFFFF  }
tec
execute0_lowered:
.L_overlay_start_1:
0x0: {  	(tag) =	ssettag $0x1  }
0x1: {  	s2 =	srdreg.scid;
	s12 =	stileid.u32  }
0x2: {  	s1 =	rddreg [dreg:$0x0];
	s2 =	sand.u32 $0x1, s2;
	s4 =	sshll.u32 s12, $0x1  }
0x3: {  	s0 =	rddreg [dreg:$0x1];
	s10 =	smul.u32 $0x28000, s12;
	s6 =	sor.u32 s2, s4  }
0x4: {  	s5 =	rddreg [dreg:$0x2];
	s7 =	smul.u32 $0x28, s6  }
0x5: {  	s3 =	rddreg [dreg:$0x3];
	s4 =	simm.s32 $0x0;
	s8 =	smul.u32 $0x1400, s6  }
0x6: {  	s2 =	ssub.s32 $0x2, s2;
	[smem:$0x7FF] =	sst s4;
	s6 =	smul.u32 $0x500, s6  }
0x7: {  	s9 =	sshrl.u32 s2, $0x1;
	s10 =	sshrl.u32 s10, $0x2;
	_ =	strace $0x80000047  }
0x8: {  	s2 =	ssub.s32 s2, s9;
	s7 =	sadd.s32 s7, s5;
	s0 =	sadd.s32 s0, s6  }
0x9: {  	s11 =	sadd.s32 s8, s5;
	s13 =	smax.u32 s2, $0x1;
	[dreg:$0x5] =	wrdreg s0  }
0xa: {  	s5 =	smul.u32 $0x140, s12;
	s9 =	sadd.s32 $0x1400, s7;
	[dreg:$0x8] =	wrdreg s13  }
0xb: {  	s8 =	sadd.s32 s10, s3;
	s12 =	sadd.s32 $0x1A00, s11;
	[dreg:$0x6] =	wrdreg s9  }
0xc: {  	s14 =	sadd.s32 $0x800, s8;
	[dreg:$0x7] =	wrdreg s12  }
0xd: {  	s15 =	sadd.s32 $0x1000, s8;
	[dreg:$0x9] =	wrdreg s14  }
0xe: {  	s31 =	simm.s32 $0x3;
	s16 =	sadd.s32 $0x1800, s8;
	[dreg:$0xa] =	wrdreg s15  }
0xf: {  	s2 =	simm.s32 $0x15180;
	s17 =	sadd.s32 $0x2000, s8;
	[dreg:$0xb] =	wrdreg s16  }
0x10: {  	s6 =	simm.s32 $0x5180;
	s18 =	sadd.s32 $0x2800, s8;
	[dreg:$0xc] =	wrdreg s17  }
0x11: {  	s10 =	simm.s32 $0x11180;
	s19 =	sadd.s32 $0x3000, s8;
	[dreg:$0xd] =	wrdreg s18  }
0x12: {  	s20 =	sadd.s32 $0x3800, s8;
	s21 =	sadd.s32 $0x4000, s8;
	[dreg:$0xe] =	wrdreg s19  }
0x13: {  	s22 =	sadd.s32 $0x4800, s8;
	s23 =	sadd.s32 $0x5000, s8;
	[dreg:$0xf] =	wrdreg s20  }
0x14: {  	s24 =	sadd.s32 $0x5800, s8;
	s25 =	sadd.s32 $0x6000, s8;
	[dreg:$0x10] =	wrdreg s21  }
0x15: {  	s26 =	sadd.s32 $0x6800, s8;
	s28 =	sadd.s32 $0x8800, s8;
	[dreg:$0x11] =	wrdreg s22  }
0x16: {  	s29 =	sadd.s32 $0x9000, s8;
	s30 =	sadd.s32 $0x9800, s8;
	[dreg:$0x12] =	wrdreg s23  }
0x17: {  	s0 =	simm.s32 $0x80;
	s7 =	simm.s32 $0x9180;
	[dreg:$0x13] =	wrdreg s24  }
0x18: {  	s11 =	simm.s32 $0x1;
	s13 =	simm.s32 $0x0;
	[dreg:$0x14] =	wrdreg s25  }
0x19: {  	v0 =	vlaneseq.u32;
	[dreg:$0x15] =	wrdreg s26;
	s24 =	sadd.s32 $0x7000, s8;
	s25 =	sadd.s32 $0x7800, s8  }
0x1a: {  	v1 =	vimm.f32 $0.0e+00;
	v2 =	vor.u32 $0x10, v0;
	s26 =	sadd.s32 $0x8000, s8;
	s9 =	simm.s32 $0xD180;
	s12 =	simm.s32 $0x2  }
.LBB2_1:
0x1b: {  	s14 =	rddreg [dreg:$0x5]  }
0x1c: {  	[tilespmem:s4], [sflag:$0x3] =	stream.linear.gather [hbm4b:s14+s4], $0x2800, $0x38;
	[tilespmem:$0x1F980] =	vst v63  }
0x1d: {  	_ =	swait.ge [sflag:s31], $0x2800  }
0x1e: {  	[sflag:s31] =	ssyncset.done $0x0  }
0x1f: {  	s15 =	simm.s32 $0x5000;
	s23 =	rddreg [dreg:$0x6];
	[sflag:s31] =	ssyncadd.s32 $0xFFFFD800  }
0x20: {  	[tilespmem:s15], [sflag:$0x3] =	stream.linear.gather [hbm4b:s23+s4], $0x140, $0x38;
	[tilespmem:$0x1F980] =	vst v63  }
0x21: {  	_ =	swait.ge [sflag:s31], $0x140  }
0x22: {  	[sflag:s31] =	ssyncset.done $0x0  }
0x23: {  	[sflag:s31] =	ssyncadd.s32 $0xFFFFFEC0  }
0x24: {  	[tilespmem:$0x15180] =	vst v1  }
0x25: {  	[tilespmem:$0x15190] =	vst v1  }
0x26: {  	[tilespmem:$0x151A0] =	vst v1  }
0x27: {  	[tilespmem:$0x151B0] =	vst v1  }
0x28: {  	[tilespmem:$0x151C0] =	vst v1  }
0x29: {  	[tilespmem:$0x151D0] =	vst v1  }
0x2a: {  	[tilespmem:$0x151E0] =	vst v1  }
0x2b: {  	[tilespmem:$0x151F0] =	vst v1  }
0x2c: {  	[tilespmem:$0x15200] =	vst v1  }
0x2d: {  	[tilespmem:$0x15210] =	vst v1  }
0x2e: {  	[tilespmem:$0x15220] =	vst v1  }
0x2f: {  	[tilespmem:$0x15230] =	vst v1  }
0x30: {  	[tilespmem:$0x15240] =	vst v1  }
0x31: {  	[tilespmem:$0x15250] =	vst v1  }
0x32: {  	[tilespmem:$0x15260] =	vst v1  }
0x33: {  	[tilespmem:$0x15270] =	vst v1  }
0x34: {  	[tilespmem:$0x15280] =	vst v1  }
0x35: {  	[tilespmem:$0x15290] =	vst v1  }
0x36: {  	[tilespmem:$0x152A0] =	vst v1  }
0x37: {  	[tilespmem:$0x152B0] =	vst v1  }
0x38: {  	[tilespmem:$0x152C0] =	vst v1  }
0x39: {  	[tilespmem:$0x152D0] =	vst v1  }
0x3a: {  	[tilespmem:$0x152E0] =	vst v1  }
0x3b: {  	[tilespmem:$0x152F0] =	vst v1  }
0x3c: {  	[tilespmem:$0x15300] =	vst v1  }
0x3d: {  	[tilespmem:$0x15310] =	vst v1  }
0x3e: {  	[tilespmem:$0x15320] =	vst v1  }
0x3f: {  	[tilespmem:$0x15330] =	vst v1  }
0x40: {  	[tilespmem:$0x15340] =	vst v1  }
0x41: {  	[tilespmem:$0x15350] =	vst v1  }
0x42: {  	[tilespmem:$0x15360] =	vst v1  }
0x43: {  	[tilespmem:$0x15370] =	vst v1  }
0x44: {  	[tilespmem:$0x15380] =	vst v1  }
0x45: {  	[tilespmem:$0x15390] =	vst v1  }
0x46: {  	[tilespmem:$0x153A0] =	vst v1  }
0x47: {  	[tilespmem:$0x153B0] =	vst v1  }
0x48: {  	[tilespmem:$0x153C0] =	vst v1  }
0x49: {  	[tilespmem:$0x153D0] =	vst v1  }
0x4a: {  	[tilespmem:$0x153E0] =	vst v1  }
0x4b: {  	[tilespmem:$0x153F0] =	vst v1  }
0x4c: {  	[tilespmem:$0x15400] =	vst v1  }
0x4d: {  	[tilespmem:$0x15410] =	vst v1  }
0x4e: {  	[tilespmem:$0x15420] =	vst v1  }
0x4f: {  	[tilespmem:$0x15430] =	vst v1  }
0x50: {  	[tilespmem:$0x15440] =	vst v1  }
0x51: {  	[tilespmem:$0x15450] =	vst v1  }
0x52: {  	[tilespmem:$0x15460] =	vst v1  }
0x53: {  	[tilespmem:$0x15470] =	vst v1  }
0x54: {  	[tilespmem:$0x15480] =	vst v1  }
0x55: {  	[tilespmem:$0x15490] =	vst v1  }
0x56: {  	[tilespmem:$0x154A0] =	vst v1  }
0x57: {  	[tilespmem:$0x154B0] =	vst v1  }
0x58: {  	[tilespmem:$0x154C0] =	vst v1  }
0x59: {  	[tilespmem:$0x154D0] =	vst v1  }
0x5a: {  	[tilespmem:$0x154E0] =	vst v1  }
0x5b: {  	[tilespmem:$0x154F0] =	vst v1  }
0x5c: {  	[tilespmem:$0x15500] =	vst v1  }
0x5d: {  	[tilespmem:$0x15510] =	vst v1  }
0x5e: {  	[tilespmem:$0x15520] =	vst v1  }
0x5f: {  	[tilespmem:$0x15530] =	vst v1  }
0x60: {  	[tilespmem:$0x15540] =	vst v1  }
0x61: {  	[tilespmem:$0x15550] =	vst v1  }
0x62: {  	[tilespmem:$0x15560] =	vst v1  }
0x63: {  	[tilespmem:$0x15570] =	vst v1  }
0x64: {  	[tilespmem:$0x15580] =	vst v1  }
0x65: {  	[tilespmem:$0x15590] =	vst v1  }
0x66: {  	[tilespmem:$0x155A0] =	vst v1  }
0x67: {  	[tilespmem:$0x155B0] =	vst v1  }
0x68: {  	[tilespmem:$0x155C0] =	vst v1  }
0x69: {  	[tilespmem:$0x155D0] =	vst v1  }
0x6a: {  	[tilespmem:$0x155E0] =	vst v1  }
0x6b: {  	[tilespmem:$0x155F0] =	vst v1  }
0x6c: {  	[tilespmem:$0x15600] =	vst v1  }
0x6d: {  	[tilespmem:$0x15610] =	vst v1  }
0x6e: {  	[tilespmem:$0x15620] =	vst v1  }
0x6f: {  	[tilespmem:$0x15630] =	vst v1  }
0x70: {  	[tilespmem:$0x15640] =	vst v1  }
0x71: {  	[tilespmem:$0x15650] =	vst v1  }
0x72: {  	[tilespmem:$0x15660] =	vst v1  }
0x73: {  	[tilespmem:$0x15670] =	vst v1  }
0x74: {  	[tilespmem:$0x15680] =	vst v1  }
0x75: {  	[tilespmem:$0x15690] =	vst v1  }
0x76: {  	[tilespmem:$0x156A0] =	vst v1  }
0x77: {  	[tilespmem:$0x156B0] =	vst v1  }
0x78: {  	[tilespmem:$0x156C0] =	vst v1  }
0x79: {  	[tilespmem:$0x156D0] =	vst v1  }
0x7a: {  	[tilespmem:$0x156E0] =	vst v1  }
0x7b: {  	[tilespmem:$0x156F0] =	vst v1  }
0x7c: {  	[tilespmem:$0x15700] =	vst v1  }
0x7d: {  	[tilespmem:$0x15710] =	vst v1  }
0x7e: {  	[tilespmem:$0x15720] =	vst v1  }
0x7f: {  	[tilespmem:$0x15730] =	vst v1  }
0x80: {  	[tilespmem:$0x15740] =	vst v1  }
0x81: {  	[tilespmem:$0x15750] =	vst v1  }
0x82: {  	[tilespmem:$0x15760] =	vst v1  }
0x83: {  	[tilespmem:$0x15770] =	vst v1  }
0x84: {  	[tilespmem:$0x15780] =	vst v1  }
0x85: {  	[tilespmem:$0x15790] =	vst v1  }
0x86: {  	[tilespmem:$0x157A0] =	vst v1  }
0x87: {  	[tilespmem:$0x157B0] =	vst v1  }
0x88: {  	[tilespmem:$0x157C0] =	vst v1  }
0x89: {  	[tilespmem:$0x157D0] =	vst v1  }
0x8a: {  	[tilespmem:$0x157E0] =	vst v1  }
0x8b: {  	[tilespmem:$0x157F0] =	vst v1  }
0x8c: {  	[tilespmem:$0x15800] =	vst v1  }
0x8d: {  	[tilespmem:$0x15810] =	vst v1  }
0x8e: {  	[tilespmem:$0x15820] =	vst v1  }
0x8f: {  	[tilespmem:$0x15830] =	vst v1  }
0x90: {  	[tilespmem:$0x15840] =	vst v1  }
0x91: {  	[tilespmem:$0x15850] =	vst v1  }
0x92: {  	[tilespmem:$0x15860] =	vst v1  }
0x93: {  	[tilespmem:$0x15870] =	vst v1  }
0x94: {  	[tilespmem:$0x15880] =	vst v1  }
0x95: {  	[tilespmem:$0x15890] =	vst v1  }
0x96: {  	[tilespmem:$0x158A0] =	vst v1  }
0x97: {  	[tilespmem:$0x158B0] =	vst v1  }
0x98: {  	[tilespmem:$0x158C0] =	vst v1  }
0x99: {  	[tilespmem:$0x158D0] =	vst v1  }
0x9a: {  	[tilespmem:$0x158E0] =	vst v1  }
0x9b: {  	[tilespmem:$0x158F0] =	vst v1  }
0x9c: {  	[tilespmem:$0x15900] =	vst v1  }
0x9d: {  	[tilespmem:$0x15910] =	vst v1  }
0x9e: {  	[tilespmem:$0x15920] =	vst v1  }
0x9f: {  	[tilespmem:$0x15930] =	vst v1  }
0xa0: {  	[tilespmem:$0x15940] =	vst v1  }
0xa1: {  	[tilespmem:$0x15950] =	vst v1  }
0xa2: {  	[tilespmem:$0x15960] =	vst v1  }
0xa3: {  	[tilespmem:$0x15970] =	vst v1  }
0xa4: {  	[spmem:s8] =	stream.linear.scatter [tilespmem:s2], [sflag:$0x3], $0x800, $0x38;
	[tilespmem:$0x1F980] =	vst v63  }
0xa5: {  	_ =	swait.ge [sflag:s31], $0x800  }
0xa6: {  	[sflag:s31] =	ssyncset.done $0x0  }
0xa7: {  	s15 =	rddreg [dreg:$0x9];
	[sflag:s31] =	ssyncadd.s32 $0xFFFFF800  }
0xa8: {  	[spmem:s15] =	stream.linear.scatter [tilespmem:s2], [sflag:$0x3], $0x800, $0x38;
	[tilespmem:$0x1F980] =	vst v63  }
0xa9: {  	_ =	swait.ge [sflag:s31], $0x800  }
0xaa: {  	[sflag:s31] =	ssyncset.done $0x0  }
0xab: {  	s16 =	rddreg [dreg:$0xa];
	[sflag:s31] =	ssyncadd.s32 $0xFFFFF800  }
0xac: {  	[spmem:s16] =	stream.linear.scatter [tilespmem:s2], [sflag:$0x3], $0x800, $0x38;
	[tilespmem:$0x1F980] =	vst v63  }
0xad: {  	_ =	swait.ge [sflag:s31], $0x800  }
0xae: {  	[sflag:s31] =	ssyncset.done $0x0  }
0xaf: {  	s17 =	rddreg [dreg:$0xb];
	[sflag:s31] =	ssyncadd.s32 $0xFFFFF800  }
0xb0: {  	[spmem:s17] =	stream.linear.scatter [tilespmem:s2], [sflag:$0x3], $0x800, $0x38;
	[tilespmem:$0x1F980] =	vst v63  }
0xb1: {  	_ =	swait.ge [sflag:s31], $0x800  }
0xb2: {  	[sflag:s31] =	ssyncset.done $0x0  }
0xb3: {  	s18 =	rddreg [dreg:$0xc];
	[sflag:s31] =	ssyncadd.s32 $0xFFFFF800  }
0xb4: {  	[spmem:s18] =	stream.linear.scatter [tilespmem:s2], [sflag:$0x3], $0x800, $0x38;
	[tilespmem:$0x1F980] =	vst v63  }
0xb5: {  	_ =	swait.ge [sflag:s31], $0x800  }
0xb6: {  	[sflag:s31] =	ssyncset.done $0x0  }
0xb7: {  	s19 =	rddreg [dreg:$0xd];
	[sflag:s31] =	ssyncadd.s32 $0xFFFFF800  }
0xb8: {  	[spmem:s19] =	stream.linear.scatter [tilespmem:s2], [sflag:$0x3], $0x800, $0x38;
	[tilespmem:$0x1F980] =	vst v63  }
0xb9: {  	_ =	swait.ge [sflag:s31], $0x800  }
0xba: {  	[sflag:s31] =	ssyncset.done $0x0  }
0xbb: {  	s20 =	rddreg [dreg:$0xe];
	[sflag:s31] =	ssyncadd.s32 $0xFFFFF800  }
0xbc: {  	[spmem:s20] =	stream.linear.scatter [tilespmem:s2], [sflag:$0x3], $0x800, $0x38;
	[tilespmem:$0x1F980] =	vst v63  }
0xbd: {  	_ =	swait.ge [sflag:s31], $0x800  }
0xbe: {  	[sflag:s31] =	ssyncset.done $0x0  }
0xbf: {  	s21 =	rddreg [dreg:$0xf];
	[sflag:s31] =	ssyncadd.s32 $0xFFFFF800  }
0xc0: {  	[spmem:s21] =	stream.linear.scatter [tilespmem:s2], [sflag:$0x3], $0x800, $0x38;
	[tilespmem:$0x1F980] =	vst v63  }
0xc1: {  	_ =	swait.ge [sflag:s31], $0x800  }
0xc2: {  	[sflag:s31] =	ssyncset.done $0x0  }
0xc3: {  	s22 =	rddreg [dreg:$0x10];
	[sflag:s31] =	ssyncadd.s32 $0xFFFFF800  }
0xc4: {  	[spmem:s22] =	stream.linear.scatter [tilespmem:s2], [sflag:$0x3], $0x800, $0x38;
	[tilespmem:$0x1F980] =	vst v63  }
0xc5: {  	_ =	swait.ge [sflag:s31], $0x800  }
0xc6: {  	[sflag:s31] =	ssyncset.done $0x0  }
0xc7: {  	s23 =	rddreg [dreg:$0x11];
	[sflag:s31] =	ssyncadd.s32 $0xFFFFF800  }
0xc8: {  	[spmem:s23] =	stream.linear.scatter [tilespmem:s2], [sflag:$0x3], $0x800, $0x38;
	[tilespmem:$0x1F980] =	vst v63  }
0xc9: {  	_ =	swait.ge [sflag:s31], $0x800  }
0xca: {  	[sflag:s31] =	ssyncset.done $0x0  }
0xcb: {  	s15 =	rddreg [dreg:$0x12];
	[sflag:s31] =	ssyncadd.s32 $0xFFFFF800  }
0xcc: {  	[spmem:s15] =	stream.linear.scatter [tilespmem:s2], [sflag:$0x3], $0x800, $0x38;
	[tilespmem:$0x1F980] =	vst v63  }
0xcd: {  	_ =	swait.ge [sflag:s31], $0x800  }
0xce: {  	[sflag:s31] =	ssyncset.done $0x0  }
0xcf: {  	s16 =	rddreg [dreg:$0x13];
	[sflag:s31] =	ssyncadd.s32 $0xFFFFF800  }
0xd0: {  	[spmem:s16] =	stream.linear.scatter [tilespmem:s2], [sflag:$0x3], $0x800, $0x38;
	[tilespmem:$0x1F980] =	vst v63  }
0xd1: {  	_ =	swait.ge [sflag:s31], $0x800  }
0xd2: {  	[sflag:s31] =	ssyncset.done $0x0  }
0xd3: {  	s17 =	rddreg [dreg:$0x14];
	[sflag:s31] =	ssyncadd.s32 $0xFFFFF800  }
0xd4: {  	[spmem:s17] =	stream.linear.scatter [tilespmem:s2], [sflag:$0x3], $0x800, $0x38;
	[tilespmem:$0x1F980] =	vst v63  }
0xd5: {  	_ =	swait.ge [sflag:s31], $0x800  }
0xd6: {  	[sflag:s31] =	ssyncset.done $0x0  }
0xd7: {  	s18 =	rddreg [dreg:$0x15];
	[sflag:s31] =	ssyncadd.s32 $0xFFFFF800  }
0xd8: {  	[spmem:s18] =	stream.linear.scatter [tilespmem:s2], [sflag:$0x3], $0x800, $0x38;
	[tilespmem:$0x1F980] =	vst v63  }
0xd9: {  	_ =	swait.ge [sflag:s31], $0x800  }
0xda: {  	[sflag:s31] =	ssyncset.done $0x0  }
0xdb: {  	[sflag:s31] =	ssyncadd.s32 $0xFFFFF800  }
0xdc: {  	[spmem:s24] =	stream.linear.scatter [tilespmem:s2], [sflag:$0x3], $0x800, $0x38;
	[tilespmem:$0x1F980] =	vst v63  }
0xdd: {  	_ =	swait.ge [sflag:s31], $0x800  }
0xde: {  	[sflag:s31] =	ssyncset.done $0x0  }
0xdf: {  	[sflag:s31] =	ssyncadd.s32 $0xFFFFF800  }
0xe0: {  	[spmem:s25] =	stream.linear.scatter [tilespmem:s2], [sflag:$0x3], $0x800, $0x38;
	[tilespmem:$0x1F980] =	vst v63  }
0xe1: {  	_ =	swait.ge [sflag:s31], $0x800  }
0xe2: {  	[sflag:s31] =	ssyncset.done $0x0  }
0xe3: {  	[sflag:s31] =	ssyncadd.s32 $0xFFFFF800  }
0xe4: {  	[spmem:s26] =	stream.linear.scatter [tilespmem:s2], [sflag:$0x3], $0x800, $0x38;
	[tilespmem:$0x1F980] =	vst v63  }
0xe5: {  	_ =	swait.ge [sflag:s31], $0x800  }
0xe6: {  	[sflag:s31] =	ssyncset.done $0x0  }
0xe7: {  	[sflag:s31] =	ssyncadd.s32 $0xFFFFF800  }
0xe8: {  	[spmem:s28] =	stream.linear.scatter [tilespmem:s2], [sflag:$0x3], $0x800, $0x38;
	[tilespmem:$0x1F980] =	vst v63  }
0xe9: {  	_ =	swait.ge [sflag:s31], $0x800  }
0xea: {  	[sflag:s31] =	ssyncset.done $0x0  }
0xeb: {  	[sflag:s31] =	ssyncadd.s32 $0xFFFFF800  }
0xec: {  	[spmem:s29] =	stream.linear.scatter [tilespmem:s2], [sflag:$0x3], $0x800, $0x38;
	[tilespmem:$0x1F980] =	vst v63  }
0xed: {  	_ =	swait.ge [sflag:s31], $0x800  }
0xee: {  	[sflag:s31] =	ssyncset.done $0x0  }
0xef: {  	[sflag:s31] =	ssyncadd.s32 $0xFFFFF800  }
0xf0: {  	[spmem:s30] =	stream.linear.scatter [tilespmem:s2], [sflag:$0x3], $0x800, $0x38;
	[tilespmem:$0x1F980] =	vst v63  }
0xf1: {  	_ =	swait.ge [sflag:s31], $0x800  }
0xf2: {  	s19 =	sand.u32 $0x7C0, s4;
	[sflag:s31] =	ssyncset.done $0x0  }
0xf3: {  	s14 =	sshrl.u32 s19, $0x2;
	[sflag:s31] =	ssyncadd.s32 $0xFFFFF800  }
0xf4: {  	v3 =	vld [tilespmem:s14+$0x5000];
	_ =	sdelay $0x1  }
0xf5: {  	s15 =	simm.s32 $0x40  }
0xf6: {  	s16 =	sand.u32 $0xC, s4;
	v4 =	vld [tilespmem:s15+$0xFFFFFFC0]  }
0xf7: {  	v5 =	vmov s16  }
0xf8: {  	v5 =	vperm.xlane v3, v5;
	_ =	sdelay $0x1  }
0xf9: {  	s17 =	sadd.s32 $0x0, s5;
	vm0 =	vgt.s32 v5, v0  }
0xfa: {  	v6 =	vmov s17;
	v4 =	vnsel vm0, $0xFFFFFFFF, v4  }
0xfb: {  	s14 =	simm.s32 $0x2840;
	[tilespmem:s15+$0xFFFFFFC0] =	vst v4;
	v4 =	vnsel vm0, $0xFFFFFFFF, v6  }
0xfc: {  	[tilespmem:s14+$0xFFFFFFC0] =	vst v4  }
0xfd: {  	v4 =	vld [tilespmem:s15+$0xFFFFFFD0];
	_ =	sdelay $0x3  }
0xfe: {  	vm9 =	vgt.s32 v5, v2  }
0xff: {  	v4 =	vnsel vm9, $0xFFFFFFFF, v4  }
0x100: {  	[tilespmem:s15+$0xFFFFFFD0] =	vst v4;
	v4 =	vnsel vm9, $0xFFFFFFFF, v6  }
0x101: {  	[tilespmem:s14+$0xFFFFFFD0] =	vst v4  }
0x102: {  	s18 =	sor.u32 $0x1, s16;
	v4 =	vld [tilespmem:s15+$0xFFFFFFE0]  }
0x103: {  	v5 =	vmov s18  }
0x104: {  	v5 =	vperm.xlane v3, v5;
	_ =	sdelay $0x1  }
0x105: {  	s20 =	sadd.s32 $0x1, s17;
	vm10 =	vgt.s32 v5, v0  }
0x106: {  	v62 =	vmov s20;
	v4 =	vnsel vm10, $0xFFFFFFFF, v4  }
0x107: {  	[tilespmem:s15+$0xFFFFFFE0] =	vst v4;
	v4 =	vnsel vm10, $0xFFFFFFFF, v62  }
0x108: {  	[tilespmem:s14+$0xFFFFFFE0] =	vst v4  }
0x109: {  	v4 =	vld [tilespmem:s15+$0xFFFFFFF0];
	_ =	sdelay $0x3  }
0x10a: {  	vm11 =	vgt.s32 v5, v2  }
0x10b: {  	v4 =	vnsel vm11, $0xFFFFFFFF, v4  }
0x10c: {  	[tilespmem:s15+$0xFFFFFFF0] =	vst v4;
	v4 =	vnsel vm11, $0xFFFFFFFF, v62  }
0x10d: {  	[tilespmem:s14+$0xFFFFFFF0] =	vst v4  }
0x10e: {  	s21 =	sor.u32 $0x2, s16;
	v4 =	vld [tilespmem:s15+$0x0]  }
0x10f: {  	v5 =	vmov s21  }
0x110: {  	v5 =	vperm.xlane v3, v5;
	_ =	sdelay $0x1  }
0x111: {  	s22 =	sadd.s32 $0x2, s17;
	vm12 =	vgt.s32 v5, v0  }
0x112: {  	v63 =	vmov s22;
	v4 =	vnsel vm12, $0xFFFFFFFF, v4  }
0x113: {  	[tilespmem:s15+$0x0] =	vst v4;
	v4 =	vnsel vm12, $0xFFFFFFFF, v63  }
0x114: {  	[tilespmem:s14+$0x0] =	vst v4  }
0x115: {  	v4 =	vld [tilespmem:s15+$0x10];
	_ =	sdelay $0x3  }
0x116: {  	vm13 =	vgt.s32 v5, v2  }
0x117: {  	v4 =	vnsel vm13, $0xFFFFFFFF, v4  }
0x118: {  	[tilespmem:s15+$0x10] =	vst v4;
	v4 =	vnsel vm13, $0xFFFFFFFF, v63  }
0x119: {  	[tilespmem:s14+$0x10] =	vst v4  }
0x11a: {  	s16 =	sor.u32 $0x3, s16;
	v4 =	vld [tilespmem:s15+$0x20]  }
0x11b: {  	v5 =	vmov s16  }
0x11c: {  	v3 =	vperm.xlane v3, v5;
	_ =	sdelay $0x1  }
0x11d: {  	s23 =	sadd.s32 $0x3, s17;
	vm14 =	vgt.s32 v3, v0  }
0x11e: {  	v5 =	vmov s23;
	v4 =	vnsel vm14, $0xFFFFFFFF, v4  }
0x11f: {  	[tilespmem:s15+$0x20] =	vst v4;
	v4 =	vnsel vm14, $0xFFFFFFFF, v5  }
0x120: {  	[tilespmem:s14+$0x20] =	vst v4  }
0x121: {  	v4 =	vld [tilespmem:s15+$0x30];
	_ =	sdelay $0x3  }
0x122: {  	vm15 =	vgt.s32 v3, v2  }
0x123: {  	s17 =	simm.s32 $0x10;
	v3 =	vnsel vm15, $0xFFFFFFFF, v4  }
0x124: {  	s19 =	sand.u32 $0x7C0, s17;
	s18 =	simm.s32 $0x8;
	s16 =	simm.s32 $0x4;
	[tilespmem:s15+$0x30] =	vst v3;
	v3 =	vnsel vm15, $0xFFFFFFFF, v5  }
.LBB2_2:
0x125: {  	s19 =	sshrl.u32 s19, $0x2;
	[tilespmem:s14+$0x30] =	vst v3;
	s15 =	sadd.s32 $0x80, s15;
	s14 =	sadd.s32 $0x80, s14  }
0x126: {  	p0 =	sne.s32 s18, $0x13C;
	v3 =	vld [tilespmem:s19+$0x5000];
	s19 =	smov.u32 s18;
	s18 =	sadd.s32 $0x4, s18  }
0x127: {  	_ = 	snop  }
0x128: {  	s20 =	sand.u32 $0xC, s16  }
0x129: {  	s21 =	sor.u32 $0x1, s20;
	s22 =	sor.u32 $0x2, s20;
	s23 =	sor.u32 $0x3, s20;
	v4 =	vld [tilespmem:s15+$0xFFFFFFC0]  }
0x12a: {  	v5 =	vmov s20;
	v6 =	vmov s21;
	v7 =	vmov s23  }
0x12b: {  	v8 =	vmov s22;
	v5 =	vperm.xlane v3, v5;
	v6 =	vperm.xlane v3, v6  }
0x12c: {  	v8 =	vperm.xlane v3, v8;
	v3 =	vperm.xlane v3, v7  }
0x12d: {  	s20 =	sadd.s32 s16, s5;
	s16 =	smov.u32 s19;
	vm0 =	vgt.s32 v5, v0  }
0x12e: {  	s21 =	sadd.s32 $0x1, s20;
	s22 =	sadd.s32 $0x2, s20;
	s19 =	sadd.s32 $0x3, s20;
	v7 =	vmov s20;
	v4 =	vnsel vm0, $0xFFFFFFFF, v4  }
0x12f: {  	[tilespmem:s15+$0xFFFFFFC0] =	vst v4;
	v4 =	vnsel vm0, $0xFFFFFFFF, v7  }
0x130: {  	[tilespmem:s14+$0xFFFFFFC0] =	vst v4  }
0x131: {  	v4 =	vld [tilespmem:s15+$0xFFFFFFD0];
	_ =	sdelay $0x3  }
0x132: {  	vm0 =	vgt.s32 v5, v2  }
0x133: {  	v4 =	vnsel vm0, $0xFFFFFFFF, v4  }
0x134: {  	[tilespmem:s15+$0xFFFFFFD0] =	vst v4;
	v4 =	vnsel vm0, $0xFFFFFFFF, v7  }
0x135: {  	[tilespmem:s14+$0xFFFFFFD0] =	vst v4  }
0x136: {  	v4 =	vld [tilespmem:s15+$0xFFFFFFE0];
	_ =	sdelay $0x3  }
0x137: {  	vm0 =	vgt.s32 v6, v0  }
0x138: {  	v5 =	vmov s21;
	v4 =	vnsel vm0, $0xFFFFFFFF, v4  }
0x139: {  	[tilespmem:s15+$0xFFFFFFE0] =	vst v4;
	v4 =	vnsel vm0, $0xFFFFFFFF, v5  }
0x13a: {  	[tilespmem:s14+$0xFFFFFFE0] =	vst v4  }
0x13b: {  	v4 =	vld [tilespmem:s15+$0xFFFFFFF0];
	_ =	sdelay $0x3  }
0x13c: {  	vm0 =	vgt.s32 v6, v2  }
0x13d: {  	v4 =	vnsel vm0, $0xFFFFFFFF, v4  }
0x13e: {  	[tilespmem:s15+$0xFFFFFFF0] =	vst v4;
	v4 =	vnsel vm0, $0xFFFFFFFF, v5  }
0x13f: {  	[tilespmem:s14+$0xFFFFFFF0] =	vst v4  }
0x140: {  	v4 =	vld [tilespmem:s15+$0x0];
	_ =	sdelay $0x3  }
0x141: {  	vm0 =	vgt.s32 v8, v0  }
0x142: {  	v5 =	vmov s22;
	v4 =	vnsel vm0, $0xFFFFFFFF, v4  }
0x143: {  	[tilespmem:s15+$0x0] =	vst v4;
	v4 =	vnsel vm0, $0xFFFFFFFF, v5  }
0x144: {  	[tilespmem:s14+$0x0] =	vst v4  }
0x145: {  	v4 =	vld [tilespmem:s15+$0x10];
	_ =	sdelay $0x3  }
0x146: {  	vm0 =	vgt.s32 v8, v2  }
0x147: {  	v4 =	vnsel vm0, $0xFFFFFFFF, v4  }
0x148: {  	[tilespmem:s15+$0x10] =	vst v4;
	v4 =	vnsel vm0, $0xFFFFFFFF, v5  }
0x149: {  	[tilespmem:s14+$0x10] =	vst v4  }
0x14a: {  	v4 =	vld [tilespmem:s15+$0x20];
	_ =	sdelay $0x3  }
0x14b: {  	vm0 =	vgt.s32 v3, v0  }
0x14c: {  	v5 =	vmov s19;
	v4 =	vnsel vm0, $0xFFFFFFFF, v4  }
0x14d: {  	[tilespmem:s15+$0x20] =	vst v4;
	v4 =	vnsel vm0, $0xFFFFFFFF, v5  }
0x14e: {  	[tilespmem:s14+$0x20] =	vst v4  }
0x14f: {  	v4 =	vld [tilespmem:s15+$0x30];
	_ =	sdelay $0x1  }
.Ltmp0:
0x150: {  	(pc) =	sbr.rel @p0 .LBB2_2-.Ltmp0, $4  }
0x151: {  	_ = 	snop  }
0x152: {  	vm0 =	vgt.s32 v3, v2  }
0x153: {  	s17 =	sadd.s32 $0x10, s17;
	v3 =	vnsel vm0, $0xFFFFFFFF, v4  }
0x154: {  	s19 =	sand.u32 $0x7C0, s17;
	[tilespmem:s15+$0x30] =	vst v3;
	v3 =	vnsel vm0, $0xFFFFFFFF, v5  }
0x155: {  	s17 =	sshrl.u32 s19, $0x2;
	[tilespmem:s14+$0x30] =	vst v3  }
0x156: {  	v3 =	vld [tilespmem:s17+$0x5000];
	_ =	sdelay $0x1  }
0x157: {  	s15 =	sadd.s32 $0x80, s15  }
0x158: {  	s17 =	sand.u32 $0xC, s16;
	v4 =	vld [tilespmem:s15+$0xFFFFFFC0]  }
0x159: {  	v5 =	vmov s17  }
0x15a: {  	v5 =	vperm.xlane v3, v5;
	_ =	sdelay $0x1  }
0x15b: {  	s21 =	sadd.s32 s16, s5;
	vm0 =	vgt.s32 v5, v0  }
0x15c: {  	v6 =	vmov s21;
	v4 =	vnsel vm0, $0xFFFFFFFF, v4  }
0x15d: {  	s22 =	sadd.s32 $0x80, s14;
	v51 =	vnsel vm0, $0xFFFFFFFF, v6;
	[tilespmem:s15+$0xFFFFFFC0] =	vst v4  }
0x15e: {  	[tilespmem:s22+$0xFFFFFFC0] =	vst v51  }
0x15f: {  	v4 =	vld [tilespmem:s15+$0xFFFFFFD0];
	_ =	sdelay $0x3  }
0x160: {  	vm9 =	vgt.s32 v5, v2  }
0x161: {  	v4 =	vnsel vm9, $0xFFFFFFFF, v4  }
0x162: {  	v52 =	vnsel vm9, $0xFFFFFFFF, v6;
	[tilespmem:s15+$0xFFFFFFD0] =	vst v4  }
0x163: {  	[tilespmem:s22+$0xFFFFFFD0] =	vst v52  }
0x164: {  	s18 =	sor.u32 $0x1, s17;
	v4 =	vld [tilespmem:s15+$0xFFFFFFE0]  }
0x165: {  	v53 =	vmov s18  }
0x166: {  	v5 =	vperm.xlane v3, v53;
	_ =	sdelay $0x1  }
0x167: {  	s23 =	sadd.s32 $0x1, s21;
	vm10 =	vgt.s32 v5, v0  }
0x168: {  	v54 =	vmov s23;
	v4 =	vnsel vm10, $0xFFFFFFFF, v4  }
0x169: {  	v55 =	vnsel vm10, $0xFFFFFFFF, v54;
	[tilespmem:s15+$0xFFFFFFE0] =	vst v4  }
0x16a: {  	[tilespmem:s22+$0xFFFFFFE0] =	vst v55  }
0x16b: {  	v4 =	vld [tilespmem:s15+$0xFFFFFFF0];
	_ =	sdelay $0x3  }
0x16c: {  	vm11 =	vgt.s32 v5, v2  }
0x16d: {  	v4 =	vnsel vm11, $0xFFFFFFFF, v4  }
0x16e: {  	v56 =	vnsel vm11, $0xFFFFFFFF, v54;
	[tilespmem:s15+$0xFFFFFFF0] =	vst v4  }
0x16f: {  	[tilespmem:s22+$0xFFFFFFF0] =	vst v56  }
0x170: {  	s19 =	sor.u32 $0x2, s17;
	v4 =	vld [tilespmem:s15+$0x0]  }
0x171: {  	v57 =	vmov s19  }
0x172: {  	v5 =	vperm.xlane v3, v57;
	_ =	sdelay $0x1  }
0x173: {  	s20 =	sadd.s32 $0x2, s21;
	vm12 =	vgt.s32 v5, v0  }
0x174: {  	v58 =	vmov s20;
	v4 =	vnsel vm12, $0xFFFFFFFF, v4  }
0x175: {  	v59 =	vnsel vm12, $0xFFFFFFFF, v58;
	[tilespmem:s15+$0x0] =	vst v4  }
0x176: {  	[tilespmem:s22+$0x0] =	vst v59  }
0x177: {  	v4 =	vld [tilespmem:s15+$0x10];
	_ =	sdelay $0x3  }
0x178: {  	vm13 =	vgt.s32 v5, v2  }
0x179: {  	v4 =	vnsel vm13, $0xFFFFFFFF, v4  }
0x17a: {  	v60 =	vnsel vm13, $0xFFFFFFFF, v58;
	[tilespmem:s15+$0x10] =	vst v4  }
0x17b: {  	[tilespmem:s22+$0x10] =	vst v60  }
0x17c: {  	s17 =	sor.u32 $0x3, s17;
	v4 =	vld [tilespmem:s15+$0x20]  }
0x17d: {  	v61 =	vmov s17  }
0x17e: {  	v3 =	vperm.xlane v3, v61;
	_ =	sdelay $0x1  }
0x17f: {  	s16 =	sadd.s32 $0x3, s21;
	vm14 =	vgt.s32 v3, v0  }
0x180: {  	v62 =	vmov s16;
	v4 =	vnsel vm14, $0xFFFFFFFF, v4  }
0x181: {  	v63 =	vnsel vm14, $0xFFFFFFFF, v62;
	[tilespmem:s15+$0x20] =	vst v4  }
0x182: {  	[tilespmem:s22+$0x20] =	vst v63  }
0x183: {  	v4 =	vld [tilespmem:s15+$0x30];
	_ =	sdelay $0x3  }
0x184: {  	vm15 =	vgt.s32 v3, v2  }
0x185: {  	v3 =	vnsel vm15, $0xFFFFFFFF, v4  }
0x186: {  	[tilespmem:s15+$0x30] =	vst v3;
	v3 =	vnsel vm15, $0xFFFFFFFF, v62  }
0x187: {  	[tilespmem:s22+$0x30] =	vst v3;
	(ifvalue) =	ssetifvalue $0xFFFFFFFF  }
0x188: {  	s21 =	simm.s32 $0x0;
	(ifvalue) =	ssetifvalue $0xFFFFFFFF  }
0x189: {  	[tilespmem:s6], [sflag:$0x1] =	stream.indirect.gather [hbm4b:s1+s0], $0x80, s21, s0, $0x40b8;
	[tilespmem:$0x1F980] =	vst v63  }
0x18a: {  	(ifvalue) =	ssetifvalue $0xFFFFFFFF  }
0x18b: {  	(ifvalue) =	ssetifvalue $0xFFFFFFFF  }
0x18c: {  	[tilespmem:s7], [sflag:$0x1] =	stream.indirect.gather [hbm4b:s1+s0], $0x80, s0, s0, $0x40b8;
	[tilespmem:$0x1F980] =	vst v63  }
0x18d: {  	(ifvalue) =	ssetifvalue $0xFFFFFFFF  }
0x18e: {  	s22 =	simm.s32 $0x100;
	(ifvalue) =	ssetifvalue $0xFFFFFFFF  }
0x18f: {  	[tilespmem:s9], [sflag:$0x1] =	stream.indirect.gather [hbm4b:s1+s0], $0x80, s22, s0, $0x40b8;
	[tilespmem:$0x1F980] =	vst v63  }
0x190: {  	(ifvalue) =	ssetifvalue $0xFFFFFFFF  }
0x191: {  	s23 =	simm.s32 $0x180;
	(ifvalue) =	ssetifvalue $0xFFFFFFFF  }
0x192: {  	[tilespmem:s10], [sflag:$0x1] =	stream.indirect.gather [hbm4b:s1+s0], $0x80, s23, s0, $0x40b8;
	[tilespmem:$0x1F980] =	vst v63  }
0x193: {  	_ =	swait.ge [sflag:s11], $0x4000  }
0x194: {  	[sflag:s11] =	ssyncset.done $0x0  }
0x195: {  	[sflag:s11] =	ssyncadd.s32 $0xFFFFC000  }
0x196: {  	_ =	swait.ge [sflag:s11], $0x4000  }
0x197: {  	[sflag:s11] =	ssyncset.done $0x0  }
0x198: {  	s15 =	simm.s32 $0x2800;
	[sflag:s11] =	ssyncadd.s32 $0xFFFFC000;
	(ifvalue) =	ssetifvalue $0xFFFFFFFF  }
0x199: {  	[spmem:s3] =	stream.indirect.scatter.add.f32 [tilespmem:s6], [sflag:$0x2], $0x80, s15, s0, $0x40b8;
	[tilespmem:$0x1F980] =	vst v63  }
0x19a: {  	s16 =	simm.s32 $0x2880;
	(ifvalue) =	ssetifvalue $0xFFFFFFFF  }
0x19b: {  	[spmem:s3] =	stream.indirect.scatter.add.f32 [tilespmem:s7], [sflag:$0x2], $0x80, s16, s0, $0x40b8;
	[tilespmem:$0x1F980] =	vst v63  }
0x19c: {  	_ =	swait.ge [sflag:s12], $0x4000  }
0x19d: {  	[sflag:s12] =	ssyncset.done $0x0  }
0x19e: {  	[sflag:s12] =	ssyncadd.s32 $0xFFFFC000  }
0x19f: {  	_ =	swait.ge [sflag:s12], $0x4000  }
0x1a0: {  	[sflag:s12] =	ssyncset.done $0x0  }
0x1a1: {  	[sflag:s12] =	ssyncadd.s32 $0xFFFFC000;
	(ifvalue) =	ssetifvalue $0xFFFFFFFF  }
0x1a2: {  	s17 =	simm.s32 $0x200;
	(ifvalue) =	ssetifvalue $0xFFFFFFFF  }
0x1a3: {  	[tilespmem:s6], [sflag:$0x1] =	stream.indirect.gather [hbm4b:s1+s0], $0x80, s17, s0, $0x40b8;
	[tilespmem:$0x1F980] =	vst v63  }
0x1a4: {  	(ifvalue) =	ssetifvalue $0xFFFFFFFF  }
0x1a5: {  	s18 =	simm.s32 $0x280;
	(ifvalue) =	ssetifvalue $0xFFFFFFFF  }
0x1a6: {  	[tilespmem:s7], [sflag:$0x1] =	stream.indirect.gather [hbm4b:s1+s0], $0x80, s18, s0, $0x40b8;
	[tilespmem:$0x1F980] =	vst v63  }
0x1a7: {  	_ =	swait.ge [sflag:s11], $0x4000  }
0x1a8: {  	[sflag:s11] =	ssyncset.done $0x0  }
0x1a9: {  	[sflag:s11] =	ssyncadd.s32 $0xFFFFC000  }
0x1aa: {  	_ =	swait.ge [sflag:s11], $0x4000  }
0x1ab: {  	[sflag:s11] =	ssyncset.done $0x0  }
0x1ac: {  	s19 =	simm.s32 $0x2900;
	[sflag:s11] =	ssyncadd.s32 $0xFFFFC000;
	(ifvalue) =	ssetifvalue $0xFFFFFFFF  }
0x1ad: {  	[spmem:s3] =	stream.indirect.scatter.add.f32 [tilespmem:s9], [sflag:$0x2], $0x80, s19, s0, $0x40b8;
	[tilespmem:$0x1F980] =	vst v63  }
0x1ae: {  	s20 =	simm.s32 $0x2980;
	(ifvalue) =	ssetifvalue $0xFFFFFFFF  }
0x1af: {  	[spmem:s3] =	stream.indirect.scatter.add.f32 [tilespmem:s10], [sflag:$0x2], $0x80, s20, s0, $0x40b8;
	[tilespmem:$0x1F980] =	vst v63  }
0x1b0: {  	_ =	swait.ge [sflag:s12], $0x4000  }
0x1b1: {  	[sflag:s12] =	ssyncset.done $0x0  }
0x1b2: {  	[sflag:s12] =	ssyncadd.s32 $0xFFFFC000  }
0x1b3: {  	_ =	swait.ge [sflag:s12], $0x4000  }
0x1b4: {  	[sflag:s12] =	ssyncset.done $0x0  }
0x1b5: {  	[sflag:s12] =	ssyncadd.s32 $0xFFFFC000;
	(ifvalue) =	ssetifvalue $0xFFFFFFFF  }
0x1b6: {  	s21 =	simm.s32 $0x300;
	(ifvalue) =	ssetifvalue $0xFFFFFFFF  }
0x1b7: {  	[tilespmem:s9], [sflag:$0x1] =	stream.indirect.gather [hbm4b:s1+s0], $0x80, s21, s0, $0x40b8;
	[tilespmem:$0x1F980] =	vst v63  }
0x1b8: {  	(ifvalue) =	ssetifvalue $0xFFFFFFFF  }
0x1b9: {  	s22 =	simm.s32 $0x380;
	(ifvalue) =	ssetifvalue $0xFFFFFFFF  }
0x1ba: {  	[tilespmem:s10], [sflag:$0x1] =	stream.indirect.gather [hbm4b:s1+s0], $0x80, s22, s0, $0x40b8;
	[tilespmem:$0x1F980] =	vst v63  }
0x1bb: {  	_ =	swait.ge [sflag:s11], $0x4000  }
0x1bc: {  	[sflag:s11] =	ssyncset.done $0x0  }
0x1bd: {  	[sflag:s11] =	ssyncadd.s32 $0xFFFFC000  }
0x1be: {  	_ =	swait.ge [sflag:s11], $0x4000  }
0x1bf: {  	[sflag:s11] =	ssyncset.done $0x0  }
0x1c0: {  	s23 =	simm.s32 $0x2A00;
	[sflag:s11] =	ssyncadd.s32 $0xFFFFC000;
	(ifvalue) =	ssetifvalue $0xFFFFFFFF  }
0x1c1: {  	[spmem:s3] =	stream.indirect.scatter.add.f32 [tilespmem:s6], [sflag:$0x2], $0x80, s23, s0, $0x40b8;
	[tilespmem:$0x1F980] =	vst v63  }
0x1c2: {  	s14 =	simm.s32 $0x800;
	s15 =	simm.s32 $0x2A80;
	(ifvalue) =	ssetifvalue $0xFFFFFFFF  }
.LBB2_4:
0x1c3: {  	[spmem:s3] =	stream.indirect.scatter.add.f32 [tilespmem:s7], [sflag:$0x2], $0x80, s15, s0, $0x40b8;
	[tilespmem:$0x1F980] =	vst v63  }
0x1c4: {  	s15 =	smov.u32 s14  }
0x1c5: {  	p0 =	sne.s32 s14, $0x9000;
	s14 =	sadd.s32 $0x800, s14;
	_ =	swait.ge [sflag:s12], $0x4000  }
0x1c6: {  	[sflag:s12] =	ssyncset.done $0x0  }
0x1c7: {  	[sflag:s12] =	ssyncadd.s32 $0xFFFFC000  }
0x1c8: {  	_ =	swait.ge [sflag:s12], $0x4000  }
0x1c9: {  	[sflag:s12] =	ssyncset.done $0x0  }
0x1ca: {  	[sflag:s12] =	ssyncadd.s32 $0xFFFFC000  }
0x1cb: {  	s15 =	sshra.s32 s15, $0x2;
	(ifvalue) =	ssetifvalue $0xFFFFFFFF  }
0x1cc: {  	s16 =	sadd.s32 $0x200, s15;
	(ifvalue) =	ssetifvalue $0xFFFFFFFF  }
0x1cd: {  	[tilespmem:s6], [sflag:$0x1] =	stream.indirect.gather [hbm4b:s1+s0], $0x80, s16, s0, $0x40b8;
	[tilespmem:$0x1F980] =	vst v63  }
0x1ce: {  	(ifvalue) =	ssetifvalue $0xFFFFFFFF  }
0x1cf: {  	s16 =	sadd.s32 $0x280, s15;
	(ifvalue) =	ssetifvalue $0xFFFFFFFF  }
0x1d0: {  	[tilespmem:s7], [sflag:$0x1] =	stream.indirect.gather [hbm4b:s1+s0], $0x80, s16, s0, $0x40b8;
	[tilespmem:$0x1F980] =	vst v63  }
0x1d1: {  	_ =	swait.ge [sflag:s11], $0x4000  }
0x1d2: {  	[sflag:s11] =	ssyncset.done $0x0  }
0x1d3: {  	[sflag:s11] =	ssyncadd.s32 $0xFFFFC000  }
0x1d4: {  	_ =	swait.ge [sflag:s11], $0x4000  }
0x1d5: {  	[sflag:s11] =	ssyncset.done $0x0  }
0x1d6: {  	[sflag:s11] =	ssyncadd.s32 $0xFFFFC000  }
0x1d7: {  	s16 =	sadd.s32 $0x2900, s15;
	(ifvalue) =	ssetifvalue $0xFFFFFFFF  }
0x1d8: {  	[spmem:s3] =	stream.indirect.scatter.add.f32 [tilespmem:s9], [sflag:$0x2], $0x80, s16, s0, $0x40b8;
	[tilespmem:$0x1F980] =	vst v63  }
0x1d9: {  	s16 =	sadd.s32 $0x2980, s15;
	(ifvalue) =	ssetifvalue $0xFFFFFFFF  }
0x1da: {  	[spmem:s3] =	stream.indirect.scatter.add.f32 [tilespmem:s10], [sflag:$0x2], $0x80, s16, s0, $0x40b8;
	[tilespmem:$0x1F980] =	vst v63  }
0x1db: {  	_ =	swait.ge [sflag:s12], $0x4000  }
0x1dc: {  	[sflag:s12] =	ssyncset.done $0x0  }
0x1dd: {  	[sflag:s12] =	ssyncadd.s32 $0xFFFFC000  }
0x1de: {  	_ =	swait.ge [sflag:s12], $0x4000  }
0x1df: {  	[sflag:s12] =	ssyncset.done $0x0  }
0x1e0: {  	[sflag:s12] =	ssyncadd.s32 $0xFFFFC000  }
0x1e1: {  	(ifvalue) =	ssetifvalue $0xFFFFFFFF  }
0x1e2: {  	s16 =	sadd.s32 $0x300, s15;
	(ifvalue) =	ssetifvalue $0xFFFFFFFF  }
0x1e3: {  	[tilespmem:s9], [sflag:$0x1] =	stream.indirect.gather [hbm4b:s1+s0], $0x80, s16, s0, $0x40b8;
	[tilespmem:$0x1F980] =	vst v63  }
0x1e4: {  	(ifvalue) =	ssetifvalue $0xFFFFFFFF  }
0x1e5: {  	s16 =	sadd.s32 $0x380, s15;
	(ifvalue) =	ssetifvalue $0xFFFFFFFF  }
0x1e6: {  	[tilespmem:s10], [sflag:$0x1] =	stream.indirect.gather [hbm4b:s1+s0], $0x80, s16, s0, $0x40b8;
	[tilespmem:$0x1F980] =	vst v63  }
0x1e7: {  	_ =	swait.ge [sflag:s11], $0x4000  }
0x1e8: {  	[sflag:s11] =	ssyncset.done $0x0  }
0x1e9: {  	[sflag:s11] =	ssyncadd.s32 $0xFFFFC000  }
0x1ea: {  	_ =	swait.ge [sflag:s11], $0x4000  }
.Ltmp1:
0x1eb: {  	[sflag:s11] =	ssyncset.done $0x0;
	(pc) =	sbr.rel @p0 .LBB2_4-.Ltmp1, $4  }
0x1ec: {  	[sflag:s11] =	ssyncadd.s32 $0xFFFFC000  }
0x1ed: {  	s16 =	sadd.s32 $0x2A00, s15;
	(ifvalue) =	ssetifvalue $0xFFFFFFFF  }
0x1ee: {  	[spmem:s3] =	stream.indirect.scatter.add.f32 [tilespmem:s6], [sflag:$0x2], $0x80, s16, s0, $0x40b8;
	[tilespmem:$0x1F980] =	vst v63  }
0x1ef: {  	s15 =	sadd.s32 $0x2A80, s15;
	(ifvalue) =	ssetifvalue $0xFFFFFFFF  }
0x1f0: {  	[spmem:s3] =	stream.indirect.scatter.add.f32 [tilespmem:s7], [sflag:$0x2], $0x80, s15, s0, $0x40b8;
	[tilespmem:$0x1F980] =	vst v63  }
0x1f1: {  	_ =	swait.ge [sflag:s12], $0x4000  }
0x1f2: {  	[sflag:s12] =	ssyncset.done $0x0  }
0x1f3: {  	[sflag:s12] =	ssyncadd.s32 $0xFFFFC000  }
0x1f4: {  	_ =	swait.ge [sflag:s12], $0x4000  }
0x1f5: {  	[sflag:s12] =	ssyncset.done $0x0  }
0x1f6: {  	[sflag:s12] =	ssyncadd.s32 $0xFFFFC000  }
0x1f7: {  	_ =	swait.ge [sflag:s11], $0x4000  }
0x1f8: {  	[sflag:s11] =	ssyncset.done $0x0  }
0x1f9: {  	[sflag:s11] =	ssyncadd.s32 $0xFFFFC000  }
0x1fa: {  	_ =	swait.ge [sflag:s11], $0x4000  }
0x1fb: {  	[sflag:s11] =	ssyncset.done $0x0  }
0x1fc: {  	s14 =	simm.s32 $0x4F00;
	[sflag:s11] =	ssyncadd.s32 $0xFFFFC000;
	(ifvalue) =	ssetifvalue $0xFFFFFFFF  }
0x1fd: {  	[spmem:s3] =	stream.indirect.scatter.add.f32 [tilespmem:s9], [sflag:$0x2], $0x80, s14, s0, $0x40b8;
	[tilespmem:$0x1F980] =	vst v63  }
0x1fe: {  	s20 =	simm.s32 $0x4F80;
	(ifvalue) =	ssetifvalue $0xFFFFFFFF  }
0x1ff: {  	[spmem:s3] =	stream.indirect.scatter.add.f32 [tilespmem:s10], [sflag:$0x2], $0x80, s20, s0, $0x40b8;
	[tilespmem:$0x1F980] =	vst v63  }
0x200: {  	_ =	swait.ge [sflag:s12], $0x4000  }
0x201: {  	[sflag:s12] =	ssyncset.done $0x0  }
0x202: {  	[sflag:s12] =	ssyncadd.s32 $0xFFFFC000  }
0x203: {  	s21 =	stileid.u32;
	_ =	swait.ge [sflag:s12], $0x4000  }
0x204: {  	s22 =	sshrl.u32 s8, $0x3;
	s14 =	sshll.u32 s21, $0x6;
	[sflag:s12] =	ssyncset.done $0x0  }
0x205: {  	s14 =	sor.u32 $0x1C03, s14;
	s16 =	rddreg [dreg:$0x7];
	[sflag:s12] =	ssyncadd.s32 $0xFFFFC000  }
0x206: {  	[hbm:s16], [sflag:s14] =	dma.local [spmem:s22], $0x1400  }
0x207: {  	_ =	swait.ge [sflag:s31], $0x1400  }
0x208: {  	s13 =	sadd.s32 $0x1, s13;
	s23 =	rddreg [dreg:$0x8]  }
0x209: {  	p0 =	sne.s32 s13, s23  }
.Ltmp2:
0x20a: {  	_ = 	snop;
	(pc) =	sbr.rel @p0 .LBB2_1-.Ltmp2, $3  }
0x20b: {  	_ =	sdelay $0x1  }
0x20c: {  	[sflag:s31] =	ssyncset.done $0x0  }
0x20d: {  	[sflag:s31] =	ssyncadd.s32 $0xFFFFEC00  }
0x20e: {  	_ =	sfence.sel $0x180000  }
0x20f: {  	[bflag:$0x0] =	sbarrier.arrive $0xFFFF  }
0x210: {  	_ =	strace $0x90000047  }
0x211: {  	s0 =	stileid.u32;
	[bflag:$0x2] =	sbarrier.arrive $0xFFFF  }
0x212: {  	p0 =	sne.s32 s0, $0x0;
	s0 =	rddreg [dreg:$0x4]  }
0x213: {  	s0 =	sadd.s32 @!p0 $0x100000, s0  }
0x214: {  	[sflag:s0] =	ssyncadd.tile.s32 @!p0 $0x1;
	_ =	shalt  }
.Lfunc_end2:
_tile_overlayer_lowered:
.L_overlay_start_2:
0x215: {  	(tag) =	ssettag $0x2  }
0x216: {  	s0 =	rddreg [dreg:$0x0];
	s2 =	stileid.u32  }
0x217: {  	s1 =	rddreg [dreg:$0x1];
	p0 =	sne.s32 s2, $0x0  }
0x218: {  	s3 =	rddreg [dreg:$0x2];
	[bflag:$0x3] =	sbarrier.arrive $0xFFFF;
	s2 =	simm.s32 @!p0 $0x1C03  }
0x219: {  	[timem:s3], [sflag:s2] =	dma.local @!p0 [hbm:s0], s1  }
0x21a: {  	s0 =	simm.s32 @!p0 $0x3  }
0x21b: {  	_ =	swait.ge @!p0 [sflag:s0], s1  }
0x21c: {  	s1 =	ssub.s32 @!p0 $0x0, s1;
	[sflag:s0] =	ssyncset.done @!p0 $0x0  }
0x21d: {  	[sflag:s0] =	ssyncadd.s32 @!p0 s1  }
0x21e: {  	[bflag:$0x3] =	sbarrier.arrive $0xFFFF  }
0x21f: {  	_ =	shalt  }

</sc_bundles>
